<compile_context>
chip_gen: v7x
topology: tpu7x:2x2x1
jax: 0.10.2.dev20260603
libtpu: 0.0.44.dev20260713+nightly
codegen_flags: <defaults>
</compile_context>

<pallas_src>
import functools

import jax
import jax.numpy as jnp
from jax import lax
from jax.experimental import pallas as pl
from jax.experimental.pallas import tpu as pltpu
from jax.experimental.pallas import tpu_sc as plsc

N = 10000
E = 320000
D = 128
H = 128
G = 16
OUT = 1

NC = 2
NS = 16
NW = NC * NS
EPW = E // NW
KE = 80
NBLK = EPW // KE
CHUNKS = 5
CBLK = NBLK // CHUNKS
NBUF = 3
LEAD = 1
RPT = 632
NPAD = 10240
DCH = NPAD // NS


def _mesh():
    return plsc.VectorSubcoreMesh(
        core_axis_name="c", subcore_axis_name="s",
        num_cores=NC, num_subcores=NS)



KED = 80
NBLKD = EPW // KED
NBD = 5
LEADD = 3


@functools.partial(
    pl.kernel,
    out_type=jax.ShapeDtypeStruct((NC, NPAD), jnp.float32),
    mesh=_mesh(),
    scratch_types=[
        pltpu.VMEM((NBD, KED), jnp.int32),
        pltpu.VMEM((KED,), jnp.float32),
        pltpu.VMEM((DCH,), jnp.float32),
        pltpu.VMEM_SHARED((NPAD,), jnp.float32),
        [pltpu.SemaphoreType.DMA] * NBD,
        [pltpu.SemaphoreType.DMA] * NBD,
    ],
)
def _sc_deg(dst_hbm, out_hbm, idx_v, ones_v, zb_v, deg_sh, lsems, ssems):
    c = lax.axis_index("c")
    s = lax.axis_index("s")
    wid = c * NS + s
    for j in range(KED // 16):
        ones_v[pl.ds(j * 16, 16)] = jnp.ones((16,), jnp.float32)
    for j in range(DCH // 16):
        zb_v[pl.ds(j * 16, 16)] = jnp.zeros((16,), jnp.float32)
    pltpu.sync_copy(zb_v, deg_sh.at[pl.ds(s * DCH, DCH)])
    plsc.subcore_barrier()
    base = wid * EPW

    def start_load(blk, b):
        pltpu.async_copy(dst_hbm.at[pl.ds(base + blk * KED, KED)],
                         idx_v.at[b], lsems[b])

    def wait_load(b):
        pltpu.make_async_copy(dst_hbm.at[pl.ds(base, KED)], idx_v.at[b],
                              lsems[b]).wait()

    def start_scatter(b):
        pltpu.async_copy(ones_v, deg_sh.at[idx_v.at[b]], ssems[b], add=True)

    def wait_scatter(b):
        pltpu.make_async_copy(ones_v, deg_sh.at[idx_v.at[0]], ssems[b]).wait()

    for b in range(NBD):
        start_load(b, b)

    @pl.loop(0, NBLKD, step=NBD)
    def _slots(j):
        for b in range(NBD):
            blk = j + b
            wait_load(b)
            start_scatter(b)
            bp = (b + LEADD) % NBD

            @pl.when(jnp.logical_and(blk >= NBD - LEADD,
                                     blk + LEADD < NBLKD))
            def _():
                wait_scatter(bp)
                start_load(blk + LEADD, bp)

    for b in range(NBD):
        wait_scatter(b)
    plsc.subcore_barrier()
    pltpu.sync_copy(deg_sh.at[pl.ds(s * DCH, DCH)],
                    out_hbm.at[c].at[pl.ds(s * DCH, DCH)])


@functools.partial(
    pl.kernel,
    out_type=(jax.ShapeDtypeStruct((N, H), jnp.float32),
              jax.ShapeDtypeStruct((N, H), jnp.float32)),
    mesh=_mesh(),
    scratch_types=[
        pltpu.VMEM((2 * CBLK, KE), jnp.int32),
        pltpu.VMEM((NBUF, KE, H), jnp.float32),
        pltpu.VMEM_SHARED((N, H), jnp.float32),
        [pltpu.SemaphoreType.DMA] * NBUF,
        [pltpu.SemaphoreType.DMA] * NBUF,
    ],
)
def _sc_scatter(m_hbm, eidx_hbm, out0_hbm, out1_hbm,
                idx_v, rows_v, acc_sh, gsems, ssems):
    c = lax.axis_index("c")
    s = lax.axis_index("s")
    wid = c * NS + s
    r0 = pl.multiple_of(jnp.where(s == NS - 1, N - RPT, s * RPT), 8)
    pltpu.sync_copy(m_hbm.at[pl.ds(r0, RPT)], acc_sh.at[pl.ds(r0, RPT)])
    plsc.subcore_barrier()

    def start_gather(blk, b):
        pltpu.async_copy(m_hbm.at[idx_v.at[blk]], rows_v.at[b],
                         gsems[b])

    def wait_gather(b):
        pltpu.make_async_copy(m_hbm.at[idx_v.at[0]], rows_v.at[b],
                              gsems[b]).wait()

    def start_scatter(blk, b):
        pltpu.async_copy(rows_v.at[b], acc_sh.at[idx_v.at[CBLK + blk]],
                         ssems[b], add=True)

    def wait_scatter(b):
        pltpu.make_async_copy(rows_v.at[b], acc_sh.at[idx_v.at[CBLK]],
                              ssems[b]).wait()

    @pl.loop(0, CHUNKS)
    def _chunk(ch):
        pltpu.sync_copy(eidx_hbm.at[wid].at[ch], idx_v)
        for b in range(NBUF):
            start_gather(b, b)

        @pl.loop(0, CBLK, step=NBUF)
        def _slots(j):
            for b in range(NBUF):
                blk = j + b

                @pl.when(blk < CBLK)
                def _():
                    wait_gather(b)
                    start_scatter(blk, b)

                bp = (b + LEAD) % NBUF

                @pl.when(jnp.logical_and(blk >= NBUF - LEAD,
                                         blk + LEAD < CBLK))
                def _():
                    wait_scatter(bp)
                    start_gather(blk + LEAD, bp)

        for b in range(NBUF):
            wait_scatter(b)

    plsc.subcore_barrier()

    @pl.when(c == 0)
    def _():
        pltpu.sync_copy(acc_sh.at[pl.ds(r0, RPT)], out0_hbm.at[pl.ds(r0, RPT)])

    @pl.when(c == 1)
    def _():
        pltpu.sync_copy(acc_sh.at[pl.ds(r0, RPT)], out1_hbm.at[pl.ds(r0, RPT)])



def _lrelu(v):
    return jnp.where(v > 0, v, 0.01 * v)


def _tc_emb_body(x_ref, we_ref, be_ref, wc_ref, hw_ref):
    h = jnp.dot(x_ref[...], we_ref[...],
                preferred_element_type=jnp.float32,
                precision=lax.Precision.HIGHEST) + be_ref[...]
    hw_ref[...] = jnp.dot(h, wc_ref[...],
                          preferred_element_type=jnp.float32,
                          precision=lax.Precision.HIGHEST)


def _tc_scale_body(d0_ref, d1_ref, hw_ref, m_ref, dis_ref):
    dis = lax.rsqrt(1.0 + d0_ref[...] + d1_ref[...])
    m_ref[...] = dis * hw_ref[...]
    dis_ref[...] = dis


def _tc_mid_body(p0_ref, p1_ref, m_ref, dis_ref, bc_ref, g_ref, be_ref,
                 wc_ref, out_ref):
    dis = dis_ref[...]
    t = p0_ref[...] + p1_ref[...] - m_ref[...]
    u = dis * t + bc_ref[...]
    mu = jnp.mean(u, axis=0, keepdims=True)
    var = jnp.mean((u - mu) ** 2, axis=0, keepdims=True)
    v = (u - mu) * lax.rsqrt(var + 1e-5) * g_ref[...] + be_ref[...]
    hh = _lrelu(v)
    out_ref[...] = dis * jnp.dot(hh, wc_ref[...],
                                 preferred_element_type=jnp.float32, precision=lax.Precision.HIGHEST)


def _tc_final_body(p0_ref, p1_ref, m_ref, dis_ref, bc_ref, g_ref, be_ref,
                   batch_ref, wr1_ref, br1_ref, wr2_ref, br2_ref, out_ref):
    dis = dis_ref[...]
    t = p0_ref[...] + p1_ref[...] - m_ref[...]
    u = dis * t + bc_ref[...]
    mu = jnp.mean(u, axis=0, keepdims=True)
    var = jnp.mean((u - mu) ** 2, axis=0, keepdims=True)
    v = (u - mu) * lax.rsqrt(var + 1e-5) * g_ref[...] + be_ref[...]
    hh = _lrelu(v)
    gids = lax.broadcasted_iota(jnp.int32, (G, N), 0)
    onehot = (batch_ref[...] == gids).astype(jnp.float32)
    pooled = jnp.dot(onehot, hh, preferred_element_type=jnp.float32, precision=lax.Precision.HIGHEST)
    r = _lrelu(jnp.dot(pooled, wr1_ref[...],
                       preferred_element_type=jnp.float32, precision=lax.Precision.HIGHEST) + br1_ref[...])
    out_ref[...] = jnp.dot(r, wr2_ref[...],
                           preferred_element_type=jnp.float32, precision=lax.Precision.HIGHEST) + br2_ref[...]


def kernel(x, edge_index, batch, W_emb, b_emb, Wc0, bc0, g0, be0,
           Wc1, bc1, g1, be1, Wc2, bc2, g2, be2, Wr1, br1, Wr2, br2):
    f32 = jnp.float32
    eidx = edge_index.reshape(2, NW, CHUNKS, CBLK, KE).transpose(1, 2, 0, 3, 4).reshape(NW, CHUNKS, 2 * CBLK, KE)

    degp = _sc_deg(edge_index[1])
    d0 = degp[0, :N].reshape(N, 1)
    d1 = degp[1, :N].reshape(N, 1)

    hw0 = pl.pallas_call(
        _tc_emb_body, out_shape=jax.ShapeDtypeStruct((N, H), f32),
    )(x, W_emb, b_emb.reshape(1, H), Wc0)
    m0, dis = pl.pallas_call(
        _tc_scale_body,
        out_shape=(jax.ShapeDtypeStruct((N, H), f32),
                   jax.ShapeDtypeStruct((N, 1), f32)),
    )(d0, d1, hw0)

    tc_mid = pl.pallas_call(
        _tc_mid_body, out_shape=jax.ShapeDtypeStruct((N, H), f32))

    p0, p1 = _sc_scatter(m0, eidx)
    m1 = tc_mid(p0, p1, m0, dis, bc0.reshape(1, H), g0.reshape(1, H),
                be0.reshape(1, H), Wc1)
    p0, p1 = _sc_scatter(m1, eidx)
    m2 = tc_mid(p0, p1, m1, dis, bc1.reshape(1, H), g1.reshape(1, H),
                be1.reshape(1, H), Wc2)
    p0, p1 = _sc_scatter(m2, eidx)
    out = pl.pallas_call(
        _tc_final_body, out_shape=jax.ShapeDtypeStruct((G, OUT), f32),
    )(p0, p1, m2, dis, bc2.reshape(1, H), g2.reshape(1, H),
      be2.reshape(1, H), batch.reshape(1, N), Wr1, br1.reshape(1, H // 2),
      Wr2, br2.reshape(1, OUT))
    return out

# --- scband reference (transcript-rebuilt; emitter-appended) ---
"""Pipeline reference for scband-gcnmodel-no-edges-25366076850805 (READ-ONLY COPY).

The authoritative reference and input builder live on the scoring server;
editing this copy changes nothing except your own understanding.
"""

import jax, jax.numpy as jnp
import numpy as np

N = 10000
E = 320000
D = 128
H = 128
OUT = 1
G = 16


def setup_inputs(seed: int = 0) -> dict:
    key = jax.random.key(seed)
    ks = jax.random.split(key, 24)
    x = jax.random.normal(ks[0], (N, D), dtype=jnp.float32)
    edge_index = jax.random.randint(ks[1], (2, E), 0, N, dtype=jnp.int32)
    batch = jnp.sort(jax.random.randint(ks[2], (N,), 0, G, dtype=jnp.int32))
    s = 0.05
    inp = {
        'x': x,
        'edge_index': edge_index,
        'batch': batch,
        'W_emb': s * jax.random.normal(ks[3], (D, H), dtype=jnp.float32),
        'b_emb': jnp.zeros((H,), dtype=jnp.float32),
        'Wc0': s * jax.random.normal(ks[4], (H, H), dtype=jnp.float32),
        'bc0': jnp.zeros((H,), dtype=jnp.float32),
        'g0': jnp.ones((H,), dtype=jnp.float32),
        'be0': jnp.zeros((H,), dtype=jnp.float32),
        'Wc1': s * jax.random.normal(ks[5], (H, H), dtype=jnp.float32),
        'bc1': jnp.zeros((H,), dtype=jnp.float32),
        'g1': jnp.ones((H,), dtype=jnp.float32),
        'be1': jnp.zeros((H,), dtype=jnp.float32),
        'Wc2': s * jax.random.normal(ks[6], (H, H), dtype=jnp.float32),
        'bc2': jnp.zeros((H,), dtype=jnp.float32),
        'g2': jnp.ones((H,), dtype=jnp.float32),
        'be2': jnp.zeros((H,), dtype=jnp.float32),
        'Wr1': s * jax.random.normal(ks[7], (H, H // 2), dtype=jnp.float32),
        'br1': jnp.zeros((H // 2,), dtype=jnp.float32),
        'Wr2': s * jax.random.normal(ks[8], (H // 2, OUT), dtype=jnp.float32),
        'br2': jnp.zeros((OUT,), dtype=jnp.float32),
    }
    return inp


def _lrelu(x):
    return jnp.where(x > 0, x, 0.01 * x)


def _bn(x, g, b):
    m = jnp.mean(x, axis=0)
    v = jnp.var(x, axis=0)
    return (x - m) * jax.lax.rsqrt(v + 1e-5) * g + b


def _gcn_conv(x, src, dst, W, b):
    n = x.shape[0]
    h = x @ W
    sl = jnp.arange(n, dtype=src.dtype)
    s = jnp.concatenate([src, sl])
    d = jnp.concatenate([dst, sl])
    deg = jnp.zeros((n,), x.dtype).at[d].add(1.0)
    dis = jax.lax.rsqrt(jnp.maximum(deg, 1e-12))
    norm = dis[s] * dis[d]
    out = jnp.zeros_like(h).at[d].add(norm[:, None] * h[s])
    return out + b


def reference(x, edge_index, batch, W_emb, b_emb, Wc0, bc0, g0, be0, Wc1, bc1, g1, be1, Wc2, bc2, g2, be2, Wr1, br1, Wr2, br2):
    src = edge_index[0]
    dst = edge_index[1]
    h = x @ W_emb + b_emb
    convs = [(Wc0, bc0, g0, be0), (Wc1, bc1, g1, be1), (Wc2, bc2, g2, be2)]
    for i, (Wc, bc, g, be) in enumerate(convs):
        h = _gcn_conv(h, src, dst, Wc, bc)
        h = _bn(h, g, be)
        h = _lrelu(h)
        # dropout is identity in eval mode
    pooled = jax.ops.segment_sum(h, batch, num_segments=G)
    r = pooled @ Wr1 + br1
    r = _lrelu(r)
    out = r @ Wr2 + br2
    return out

if __name__ == "__main__":
    import jax
    _d = setup_inputs()
    print(jax.jit(kernel)(*tuple(_d.values())))

</pallas_src>

<mosaic_0001>
#map = affine_map<(d0, d1) -> (0)>
#map1 = affine_map<(d0, d1) -> (0, 0)>
module attributes {stable_mosaic.version = 14 : i64} {
  func.func @_sc_deg(%arg0: i32, %arg1: i32, %arg2: memref<320000xi32, #tpu.memory_space<hbm>>, %arg3: memref<2x10240xf32, #tpu.memory_space<hbm>>, %arg4: memref<5x80xi32, #tpu.memory_space<vmem>>, %arg5: memref<80xf32, #tpu.memory_space<vmem>>, %arg6: memref<640xf32, #tpu.memory_space<vmem>>, %arg7: memref<10240xf32, #tpu.memory_space<vmem_shared>>, %arg8: memref<!tpu.dma_semaphore, #tpu.memory_space<semaphore_mem>>, %arg9: memref<!tpu.dma_semaphore, #tpu.memory_space<semaphore_mem>>, %arg10: memref<!tpu.dma_semaphore, #tpu.memory_space<semaphore_mem>>, %arg11: memref<!tpu.dma_semaphore, #tpu.memory_space<semaphore_mem>>, %arg12: memref<!tpu.dma_semaphore, #tpu.memory_space<semaphore_mem>>, %arg13: memref<!tpu.dma_semaphore, #tpu.memory_space<semaphore_mem>>, %arg14: memref<!tpu.dma_semaphore, #tpu.memory_space<semaphore_mem>>, %arg15: memref<!tpu.dma_semaphore, #tpu.memory_space<semaphore_mem>>, %arg16: memref<!tpu.dma_semaphore, #tpu.memory_space<semaphore_mem>>, %arg17: memref<!tpu.dma_semaphore, #tpu.memory_space<semaphore_mem>>) attributes {dimension_semantics = [#tpu.dimension_semantics<core_parallel>, #tpu.dimension_semantics<subcore_parallel>], iteration_bounds = array<i64: 2, 16>, scalar_prefetch = 0 : i64, scratch_operands = 14 : i64, tpu.core_type = #tpu.core_type<sc_vector_subcore>, window_params = [{transform_indices = #map}, {transform_indices = #map1}]} {
    %mul3A = arith.constant 16 : i32
    %mul3A_0 = arith.muli %arg0, %mul3A : i32
    %add3A = arith.addi %mul3A_0, %arg1 : i32
    %broadcast_in_dim3A = arith.constant 1.000000e+00 : f32
    %broadcast_in_dim3A_1 = vector.broadcast %broadcast_in_dim3A : f32 to vector<16xf32>
    %swap3A = arith.constant 0 : index
    %swap3A_2 = tpu.vector_load %arg5[%swap3A] {strides = array<i32>} : memref<80xf32, #tpu.memory_space<vmem>>, vector<16xf32>,
    %swap3A_3 = vector.shape_cast %swap3A_2 : vector<16xf32> to vector<16xf32>
    %swap3A_4 = vector.shape_cast %broadcast_in_dim3A_1 : vector<16xf32> to vector<16xf32>
    tpu.vector_store %arg5[%swap3A], %swap3A_4 {strides = array<i32>} : memref<80xf32, #tpu.memory_space<vmem>>, vector<16xf32>,
    %broadcast_in_dim3A_5 = arith.constant 1.000000e+00 : f32
    %broadcast_in_dim3A_6 = vector.broadcast %broadcast_in_dim3A_5 : f32 to vector<16xf32>
    %swap3A_7 = arith.constant 16 : index
    %swap3A_8 = tpu.vector_load %arg5[%swap3A_7] {strides = array<i32>} : memref<80xf32, #tpu.memory_space<vmem>>, vector<16xf32>,
    %swap3A_9 = vector.shape_cast %swap3A_8 : vector<16xf32> to vector<16xf32>
    %swap3A_10 = vector.shape_cast %broadcast_in_dim3A_6 : vector<16xf32> to vector<16xf32>
    tpu.vector_store %arg5[%swap3A_7], %swap3A_10 {strides = array<i32>} : memref<80xf32, #tpu.memory_space<vmem>>, vector<16xf32>,
    %broadcast_in_dim3A_11 = arith.constant 1.000000e+00 : f32
    %broadcast_in_dim3A_12 = vector.broadcast %broadcast_in_dim3A_11 : f32 to vector<16xf32>
    %swap3A_13 = arith.constant 32 : index
    %swap3A_14 = tpu.vector_load %arg5[%swap3A_13] {strides = array<i32>} : memref<80xf32, #tpu.memory_space<vmem>>, vector<16xf32>,
    %swap3A_15 = vector.shape_cast %swap3A_14 : vector<16xf32> to vector<16xf32>
    %swap3A_16 = vector.shape_cast %broadcast_in_dim3A_12 : vector<16xf32> to vector<16xf32>
    tpu.vector_store %arg5[%swap3A_13], %swap3A_16 {strides = array<i32>} : memref<80xf32, #tpu.memory_space<vmem>>, vector<16xf32>,
    %broadcast_in_dim3A_17 = arith.constant 1.000000e+00 : f32
    %broadcast_in_dim3A_18 = vector.broadcast %broadcast_in_dim3A_17 : f32 to vector<16xf32>
    %swap3A_19 = arith.constant 48 : index
    %swap3A_20 = tpu.vector_load %arg5[%swap3A_19] {strides = array<i32>} : memref<80xf32, #tpu.memory_space<vmem>>, vector<16xf32>,
    %swap3A_21 = vector.shape_cast %swap3A_20 : vector<16xf32> to vector<16xf32>
    %swap3A_22 = vector.shape_cast %broadcast_in_dim3A_18 : vector<16xf32> to vector<16xf32>
    tpu.vector_store %arg5[%swap3A_19], %swap3A_22 {strides = array<i32>} : memref<80xf32, #tpu.memory_space<vmem>>, vector<16xf32>,
    %broadcast_in_dim3A_23 = arith.constant 1.000000e+00 : f32
    %broadcast_in_dim3A_24 = vector.broadcast %broadcast_in_dim3A_23 : f32 to vector<16xf32>
    %swap3A_25 = arith.constant 64 : index
    %swap3A_26 = tpu.vector_load %arg5[%swap3A_25] {strides = array<i32>} : memref<80xf32, #tpu.memory_space<vmem>>, vector<16xf32>,
    %swap3A_27 = vector.shape_cast %swap3A_26 : vector<16xf32> to vector<16xf32>
    %swap3A_28 = vector.shape_cast %broadcast_in_dim3A_24 : vector<16xf32> to vector<16xf32>
    tpu.vector_store %arg5[%swap3A_25], %swap3A_28 {strides = array<i32>} : memref<80xf32, #tpu.memory_space<vmem>>, vector<16xf32>,
    %broadcast_in_dim3A_29 = arith.constant 0.000000e+00 : f32
    %broadcast_in_dim3A_30 = vector.broadcast %broadcast_in_dim3A_29 : f32 to vector<16xf32>
    %swap3A_31 = arith.constant 0 : index
    %swap3A_32 = tpu.vector_load %arg6[%swap3A_31] {strides = array<i32>} : memref<640xf32, #tpu.memory_space<vmem>>, vector<16xf32>,
    %swap3A_33 = vector.shape_cast %swap3A_32 : vector<16xf32> to vector<16xf32>
    %swap3A_34 = vector.shape_cast %broadcast_in_dim3A_30 : vector<16xf32> to vector<16xf32>
    tpu.vector_store %arg6[%swap3A_31], %swap3A_34 {strides = array<i32>} : memref<640xf32, #tpu.memory_space<vmem>>, vector<16xf32>,
    %broadcast_in_dim3A_35 = arith.constant 0.000000e+00 : f32
    %broadcast_in_dim3A_36 = vector.broadcast %broadcast_in_dim3A_35 : f32 to vector<16xf32>
    %swap3A_37 = arith.constant 16 : index
    %swap3A_38 = tpu.vector_load %arg6[%swap3A_37] {strides = array<i32>} : memref<640xf32, #tpu.memory_space<vmem>>, vector<16xf32>,
    %swap3A_39 = vector.shape_cast %swap3A_38 : vector<16xf32> to vector<16xf32>
    %swap3A_40 = vector.shape_cast %broadcast_in_dim3A_36 : vector<16xf32> to vector<16xf32>
    tpu.vector_store %arg6[%swap3A_37], %swap3A_40 {strides = array<i32>} : memref<640xf32, #tpu.memory_space<vmem>>, vector<16xf32>,
    %broadcast_in_dim3A_41 = arith.constant 0.000000e+00 : f32
    %broadcast_in_dim3A_42 = vector.broadcast %broadcast_in_dim3A_41 : f32 to vector<16xf32>
    %swap3A_43 = arith.constant 32 : index
    %swap3A_44 = tpu.vector_load %arg6[%swap3A_43] {strides = array<i32>} : memref<640xf32, #tpu.memory_space<vmem>>, vector<16xf32>,
    %swap3A_45 = vector.shape_cast %swap3A_44 : vector<16xf32> to vector<16xf32>
    %swap3A_46 = vector.shape_cast %broadcast_in_dim3A_42 : vector<16xf32> to vector<16xf32>
    tpu.vector_store %arg6[%swap3A_43], %swap3A_46 {strides = array<i32>} : memref<640xf32, #tpu.memory_space<vmem>>, vector<16xf32>,
    %broadcast_in_dim3A_47 = arith.constant 0.000000e+00 : f32
    %broadcast_in_dim3A_48 = vector.broadcast %broadcast_in_dim3A_47 : f32 to vector<16xf32>
    %swap3A_49 = arith.constant 48 : index
    %swap3A_50 = tpu.vector_load %arg6[%swap3A_49] {strides = array<i32>} : memref<640xf32, #tpu.memory_space<vmem>>, vector<16xf32>,
    %swap3A_51 = vector.shape_cast %swap3A_50 : vector<16xf32> to vector<16xf32>
    %swap3A_52 = vector.shape_cast %broadcast_in_dim3A_48 : vector<16xf32> to vector<16xf32>
    tpu.vector_store %arg6[%swap3A_49], %swap3A_52 {strides = array<i32>} : memref<640xf32, #tpu.memory_space<vmem>>, vector<16xf32>,
    %broadcast_in_dim3A_53 = arith.constant 0.000000e+00 : f32
    %broadcast_in_dim3A_54 = vector.broadcast %broadcast_in_dim3A_53 : f32 to vector<16xf32>
    %swap3A_55 = arith.constant 64 : index
    %swap3A_56 = tpu.vector_load %arg6[%swap3A_55] {strides = array<i32>} : memref<640xf32, #tpu.memory_space<vmem>>, vector<16xf32>,
    %swap3A_57 = vector.shape_cast %swap3A_56 : vector<16xf32> to vector<16xf32>
    %swap3A_58 = vector.shape_cast %broadcast_in_dim3A_54 : vector<16xf32> to vector<16xf32>
    tpu.vector_store %arg6[%swap3A_55], %swap3A_58 {strides = array<i32>} : memref<640xf32, #tpu.memory_space<vmem>>, vector<16xf32>,
    %broadcast_in_dim3A_59 = arith.constant 0.000000e+00 : f32
    %broadcast_in_dim3A_60 = vector.broadcast %broadcast_in_dim3A_59 : f32 to vector<16xf32>
    %swap3A_61 = arith.constant 80 : index
    %swap3A_62 = tpu.vector_load %arg6[%swap3A_61] {strides = array<i32>} : memref<640xf32, #tpu.memory_space<vmem>>, vector<16xf32>,
    %swap3A_63 = vector.shape_cast %swap3A_62 : vector<16xf32> to vector<16xf32>
    %swap3A_64 = vector.shape_cast %broadcast_in_dim3A_60 : vector<16xf32> to vector<16xf32>
    tpu.vector_store %arg6[%swap3A_61], %swap3A_64 {strides = array<i32>} : memref<640xf32, #tpu.memory_space<vmem>>, vector<16xf32>,
    %broadcast_in_dim3A_65 = arith.constant 0.000000e+00 : f32
    %broadcast_in_dim3A_66 = vector.broadcast %broadcast_in_dim3A_65 : f32 to vector<16xf32>
    %swap3A_67 = arith.constant 96 : index
    %swap3A_68 = tpu.vector_load %arg6[%swap3A_67] {strides = array<i32>} : memref<640xf32, #tpu.memory_space<vmem>>, vector<16xf32>,
    %swap3A_69 = vector.shape_cast %swap3A_68 : vector<16xf32> to vector<16xf32>
    %swap3A_70 = vector.shape_cast %broadcast_in_dim3A_66 : vector<16xf32> to vector<16xf32>
    tpu.vector_store %arg6[%swap3A_67], %swap3A_70 {strides = array<i32>} : memref<640xf32, #tpu.memory_space<vmem>>, vector<16xf32>,
    %broadcast_in_dim3A_71 = arith.constant 0.000000e+00 : f32
    %broadcast_in_dim3A_72 = vector.broadcast %broadcast_in_dim3A_71 : f32 to vector<16xf32>
    %swap3A_73 = arith.constant 112 : index
    %swap3A_74 = tpu.vector_load %arg6[%swap3A_73] {strides = array<i32>} : memref<640xf32, #tpu.memory_space<vmem>>, vector<16xf32>,
    %swap3A_75 = vector.shape_cast %swap3A_74 : vector<16xf32> to vector<16xf32>
    %swap3A_76 = vector.shape_cast %broadcast_in_dim3A_72 : vector<16xf32> to vector<16xf32>
    tpu.vector_store %arg6[%swap3A_73], %swap3A_76 {strides = array<i32>} : memref<640xf32, #tpu.memory_space<vmem>>, vector<16xf32>,
    %broadcast_in_dim3A_77 = arith.constant 0.000000e+00 : f32
    %broadcast_in_dim3A_78 = vector.broadcast %broadcast_in_dim3A_77 : f32 to vector<16xf32>
    %swap3A_79 = arith.constant 128 : index
    %swap3A_80 = tpu.vector_load %arg6[%swap3A_79] {strides = array<i32>} : memref<640xf32, #tpu.memory_space<vmem>>, vector<16xf32>,
    %swap3A_81 = vector.shape_cast %swap3A_80 : vector<16xf32> to vector<16xf32>
    %swap3A_82 = vector.shape_cast %broadcast_in_dim3A_78 : vector<16xf32> to vector<16xf32>
    tpu.vector_store %arg6[%swap3A_79], %swap3A_82 {strides = array<i32>} : memref<640xf32, #tpu.memory_space<vmem>>, vector<16xf32>,
    %broadcast_in_dim3A_83 = arith.constant 0.000000e+00 : f32
    %broadcast_in_dim3A_84 = vector.broadcast %broadcast_in_dim3A_83 : f32 to vector<16xf32>
    %swap3A_85 = arith.constant 144 : index
    %swap3A_86 = tpu.vector_load %arg6[%swap3A_85] {strides = array<i32>} : memref<640xf32, #tpu.memory_space<vmem>>, vector<16xf32>,
    %swap3A_87 = vector.shape_cast %swap3A_86 : vector<16xf32> to vector<16xf32>
    %swap3A_88 = vector.shape_cast %broadcast_in_dim3A_84 : vector<16xf32> to vector<16xf32>
    tpu.vector_store %arg6[%swap3A_85], %swap3A_88 {strides = array<i32>} : memref<640xf32, #tpu.memory_space<vmem>>, vector<16xf32>,
    %broadcast_in_dim3A_89 = arith.constant 0.000000e+00 : f32
    %broadcast_in_dim3A_90 = vector.broadcast %broadcast_in_dim3A_89 : f32 to vector<16xf32>
    %swap3A_91 = arith.constant 160 : index
    %swap3A_92 = tpu.vector_load %arg6[%swap3A_91] {strides = array<i32>} : memref<640xf32, #tpu.memory_space<vmem>>, vector<16xf32>,
    %swap3A_93 = vector.shape_cast %swap3A_92 : vector<16xf32> to vector<16xf32>
    %swap3A_94 = vector.shape_cast %broadcast_in_dim3A_90 : vector<16xf32> to vector<16xf32>
    tpu.vector_store %arg6[%swap3A_91], %swap3A_94 {strides = array<i32>} : memref<640xf32, #tpu.memory_space<vmem>>, vector<16xf32>,
    %broadcast_in_dim3A_95 = arith.constant 0.000000e+00 : f32
    %broadcast_in_dim3A_96 = vector.broadcast %broadcast_in_dim3A_95 : f32 to vector<16xf32>
    %swap3A_97 = arith.constant 176 : index
    %swap3A_98 = tpu.vector_load %arg6[%swap3A_97] {strides = array<i32>} : memref<640xf32, #tpu.memory_space<vmem>>, vector<16xf32>,
    %swap3A_99 = vector.shape_cast %swap3A_98 : vector<16xf32> to vector<16xf32>
    %swap3A_100 = vector.shape_cast %broadcast_in_dim3A_96 : vector<16xf32> to vector<16xf32>
    tpu.vector_store %arg6[%swap3A_97], %swap3A_100 {strides = array<i32>} : memref<640xf32, #tpu.memory_space<vmem>>, vector<16xf32>,
    %broadcast_in_dim3A_101 = arith.constant 0.000000e+00 : f32
    %broadcast_in_dim3A_102 = vector.broadcast %broadcast_in_dim3A_101 : f32 to vector<16xf32>
    %swap3A_103 = arith.constant 192 : index
    %swap3A_104 = tpu.vector_load %arg6[%swap3A_103] {strides = array<i32>} : memref<640xf32, #tpu.memory_space<vmem>>, vector<16xf32>,
    %swap3A_105 = vector.shape_cast %swap3A_104 : vector<16xf32> to vector<16xf32>
    %swap3A_106 = vector.shape_cast %broadcast_in_dim3A_102 : vector<16xf32> to vector<16xf32>
    tpu.vector_store %arg6[%swap3A_103], %swap3A_106 {strides = array<i32>} : memref<640xf32, #tpu.memory_space<vmem>>, vector<16xf32>,
    %broadcast_in_dim3A_107 = arith.constant 0.000000e+00 : f32
    %broadcast_in_dim3A_108 = vector.broadcast %broadcast_in_dim3A_107 : f32 to vector<16xf32>
    %swap3A_109 = arith.constant 208 : index
    %swap3A_110 = tpu.vector_load %arg6[%swap3A_109] {strides = array<i32>} : memref<640xf32, #tpu.memory_space<vmem>>, vector<16xf32>,
    %swap3A_111 = vector.shape_cast %swap3A_110 : vector<16xf32> to vector<16xf32>
    %swap3A_112 = vector.shape_cast %broadcast_in_dim3A_108 : vector<16xf32> to vector<16xf32>
    tpu.vector_store %arg6[%swap3A_109], %swap3A_112 {strides = array<i32>} : memref<640xf32, #tpu.memory_space<vmem>>, vector<16xf32>,
    %broadcast_in_dim3A_113 = arith.constant 0.000000e+00 : f32
    %broadcast_in_dim3A_114 = vector.broadcast %broadcast_in_dim3A_113 : f32 to vector<16xf32>
    %swap3A_115 = arith.constant 224 : index
    %swap3A_116 = tpu.vector_load %arg6[%swap3A_115] {strides = array<i32>} : memref<640xf32, #tpu.memory_space<vmem>>, vector<16xf32>,
    %swap3A_117 = vector.shape_cast %swap3A_116 : vector<16xf32> to vector<16xf32>
    %swap3A_118 = vector.shape_cast %broadcast_in_dim3A_114 : vector<16xf32> to vector<16xf32>
    tpu.vector_store %arg6[%swap3A_115], %swap3A_118 {strides = array<i32>} : memref<640xf32, #tpu.memory_space<vmem>>, vector<16xf32>,
    %broadcast_in_dim3A_119 = arith.constant 0.000000e+00 : f32
    %broadcast_in_dim3A_120 = vector.broadcast %broadcast_in_dim3A_119 : f32 to vector<16xf32>
    %swap3A_121 = arith.constant 240 : index
    %swap3A_122 = tpu.vector_load %arg6[%swap3A_121] {strides = array<i32>} : memref<640xf32, #tpu.memory_space<vmem>>, vector<16xf32>,
    %swap3A_123 = vector.shape_cast %swap3A_122 : vector<16xf32> to vector<16xf32>
    %swap3A_124 = vector.shape_cast %broadcast_in_dim3A_120 : vector<16xf32> to vector<16xf32>
    tpu.vector_store %arg6[%swap3A_121], %swap3A_124 {strides = array<i32>} : memref<640xf32, #tpu.memory_space<vmem>>, vector<16xf32>,
    %broadcast_in_dim3A_125 = arith.constant 0.000000e+00 : f32
    %broadcast_in_dim3A_126 = vector.broadcast %broadcast_in_dim3A_125 : f32 to vector<16xf32>
    %swap3A_127 = arith.constant 256 : index
    %swap3A_128 = tpu.vector_load %arg6[%swap3A_127] {strides = array<i32>} : memref<640xf32, #tpu.memory_space<vmem>>, vector<16xf32>,
    %swap3A_129 = vector.shape_cast %swap3A_128 : vector<16xf32> to vector<16xf32>
    %swap3A_130 = vector.shape_cast %broadcast_in_dim3A_126 : vector<16xf32> to vector<16xf32>
    tpu.vector_store %arg6[%swap3A_127], %swap3A_130 {strides = array<i32>} : memref<640xf32, #tpu.memory_space<vmem>>, vector<16xf32>,
    %broadcast_in_dim3A_131 = arith.constant 0.000000e+00 : f32
    %broadcast_in_dim3A_132 = vector.broadcast %broadcast_in_dim3A_131 : f32 to vector<16xf32>
    %swap3A_133 = arith.constant 272 : index
    %swap3A_134 = tpu.vector_load %arg6[%swap3A_133] {strides = array<i32>} : memref<640xf32, #tpu.memory_space<vmem>>, vector<16xf32>,
    %swap3A_135 = vector.shape_cast %swap3A_134 : vector<16xf32> to vector<16xf32>
    %swap3A_136 = vector.shape_cast %broadcast_in_dim3A_132 : vector<16xf32> to vector<16xf32>
    tpu.vector_store %arg6[%swap3A_133], %swap3A_136 {strides = array<i32>} : memref<640xf32, #tpu.memory_space<vmem>>, vector<16xf32>,
    %broadcast_in_dim3A_137 = arith.constant 0.000000e+00 : f32
    %broadcast_in_dim3A_138 = vector.broadcast %broadcast_in_dim3A_137 : f32 to vector<16xf32>
    %swap3A_139 = arith.constant 288 : index
    %swap3A_140 = tpu.vector_load %arg6[%swap3A_139] {strides = array<i32>} : memref<640xf32, #tpu.memory_space<vmem>>, vector<16xf32>,
    %swap3A_141 = vector.shape_cast %swap3A_140 : vector<16xf32> to vector<16xf32>
    %swap3A_142 = vector.shape_cast %broadcast_in_dim3A_138 : vector<16xf32> to vector<16xf32>
    tpu.vector_store %arg6[%swap3A_139], %swap3A_142 {strides = array<i32>} : memref<640xf32, #tpu.memory_space<vmem>>, vector<16xf32>,
    %broadcast_in_dim3A_143 = arith.constant 0.000000e+00 : f32
    %broadcast_in_dim3A_144 = vector.broadcast %broadcast_in_dim3A_143 : f32 to vector<16xf32>
    %swap3A_145 = arith.constant 304 : index
    %swap3A_146 = tpu.vector_load %arg6[%swap3A_145] {strides = array<i32>} : memref<640xf32, #tpu.memory_space<vmem>>, vector<16xf32>,
    %swap3A_147 = vector.shape_cast %swap3A_146 : vector<16xf32> to vector<16xf32>
    %swap3A_148 = vector.shape_cast %broadcast_in_dim3A_144 : vector<16xf32> to vector<16xf32>
    tpu.vector_store %arg6[%swap3A_145], %swap3A_148 {strides = array<i32>} : memref<640xf32, #tpu.memory_space<vmem>>, vector<16xf32>,
    %broadcast_in_dim3A_149 = arith.constant 0.000000e+00 : f32
    %broadcast_in_dim3A_150 = vector.broadcast %broadcast_in_dim3A_149 : f32 to vector<16xf32>
    %swap3A_151 = arith.constant 320 : index
    %swap3A_152 = tpu.vector_load %arg6[%swap3A_151] {strides = array<i32>} : memref<640xf32, #tpu.memory_space<vmem>>, vector<16xf32>,
    %swap3A_153 = vector.shape_cast %swap3A_152 : vector<16xf32> to vector<16xf32>
    %swap3A_154 = vector.shape_cast %broadcast_in_dim3A_150 : vector<16xf32> to vector<16xf32>
    tpu.vector_store %arg6[%swap3A_151], %swap3A_154 {strides = array<i32>} : memref<640xf32, #tpu.memory_space<vmem>>, vector<16xf32>,
    %broadcast_in_dim3A_155 = arith.constant 0.000000e+00 : f32
    %broadcast_in_dim3A_156 = vector.broadcast %broadcast_in_dim3A_155 : f32 to vector<16xf32>
    %swap3A_157 = arith.constant 336 : index
    %swap3A_158 = tpu.vector_load %arg6[%swap3A_157] {strides = array<i32>} : memref<640xf32, #tpu.memory_space<vmem>>, vector<16xf32>,
    %swap3A_159 = vector.shape_cast %swap3A_158 : vector<16xf32> to vector<16xf32>
    %swap3A_160 = vector.shape_cast %broadcast_in_dim3A_156 : vector<16xf32> to vector<16xf32>
    tpu.vector_store %arg6[%swap3A_157], %swap3A_160 {strides = array<i32>} : memref<640xf32, #tpu.memory_space<vmem>>, vector<16xf32>,
    %broadcast_in_dim3A_161 = arith.constant 0.000000e+00 : f32
    %broadcast_in_dim3A_162 = vector.broadcast %broadcast_in_dim3A_161 : f32 to vector<16xf32>
    %swap3A_163 = arith.constant 352 : index
    %swap3A_164 = tpu.vector_load %arg6[%swap3A_163] {strides = array<i32>} : memref<640xf32, #tpu.memory_space<vmem>>, vector<16xf32>,
    %swap3A_165 = vector.shape_cast %swap3A_164 : vector<16xf32> to vector<16xf32>
    %swap3A_166 = vector.shape_cast %broadcast_in_dim3A_162 : vector<16xf32> to vector<16xf32>
    tpu.vector_store %arg6[%swap3A_163], %swap3A_166 {strides = array<i32>} : memref<640xf32, #tpu.memory_space<vmem>>, vector<16xf32>,
    %broadcast_in_dim3A_167 = arith.constant 0.000000e+00 : f32
    %broadcast_in_dim3A_168 = vector.broadcast %broadcast_in_dim3A_167 : f32 to vector<16xf32>
    %swap3A_169 = arith.constant 368 : index
    %swap3A_170 = tpu.vector_load %arg6[%swap3A_169] {strides = array<i32>} : memref<640xf32, #tpu.memory_space<vmem>>, vector<16xf32>,
    %swap3A_171 = vector.shape_cast %swap3A_170 : vector<16xf32> to vector<16xf32>
    %swap3A_172 = vector.shape_cast %broadcast_in_dim3A_168 : vector<16xf32> to vector<16xf32>
    tpu.vector_store %arg6[%swap3A_169], %swap3A_172 {strides = array<i32>} : memref<640xf32, #tpu.memory_space<vmem>>, vector<16xf32>,
    %broadcast_in_dim3A_173 = arith.constant 0.000000e+00 : f32
    %broadcast_in_dim3A_174 = vector.broadcast %broadcast_in_dim3A_173 : f32 to vector<16xf32>
    %swap3A_175 = arith.constant 384 : index
    %swap3A_176 = tpu.vector_load %arg6[%swap3A_175] {strides = array<i32>} : memref<640xf32, #tpu.memory_space<vmem>>, vector<16xf32>,
    %swap3A_177 = vector.shape_cast %swap3A_176 : vector<16xf32> to vector<16xf32>
    %swap3A_178 = vector.shape_cast %broadcast_in_dim3A_174 : vector<16xf32> to vector<16xf32>
    tpu.vector_store %arg6[%swap3A_175], %swap3A_178 {strides = array<i32>} : memref<640xf32, #tpu.memory_space<vmem>>, vector<16xf32>,
    %broadcast_in_dim3A_179 = arith.constant 0.000000e+00 : f32
    %broadcast_in_dim3A_180 = vector.broadcast %broadcast_in_dim3A_179 : f32 to vector<16xf32>
    %swap3A_181 = arith.constant 400 : index
    %swap3A_182 = tpu.vector_load %arg6[%swap3A_181] {strides = array<i32>} : memref<640xf32, #tpu.memory_space<vmem>>, vector<16xf32>,
    %swap3A_183 = vector.shape_cast %swap3A_182 : vector<16xf32> to vector<16xf32>
    %swap3A_184 = vector.shape_cast %broadcast_in_dim3A_180 : vector<16xf32> to vector<16xf32>
    tpu.vector_store %arg6[%swap3A_181], %swap3A_184 {strides = array<i32>} : memref<640xf32, #tpu.memory_space<vmem>>, vector<16xf32>,
    %broadcast_in_dim3A_185 = arith.constant 0.000000e+00 : f32
    %broadcast_in_dim3A_186 = vector.broadcast %broadcast_in_dim3A_185 : f32 to vector<16xf32>
    %swap3A_187 = arith.constant 416 : index
    %swap3A_188 = tpu.vector_load %arg6[%swap3A_187] {strides = array<i32>} : memref<640xf32, #tpu.memory_space<vmem>>, vector<16xf32>,
    %swap3A_189 = vector.shape_cast %swap3A_188 : vector<16xf32> to vector<16xf32>
    %swap3A_190 = vector.shape_cast %broadcast_in_dim3A_186 : vector<16xf32> to vector<16xf32>
    tpu.vector_store %arg6[%swap3A_187], %swap3A_190 {strides = array<i32>} : memref<640xf32, #tpu.memory_space<vmem>>, vector<16xf32>,
    %broadcast_in_dim3A_191 = arith.constant 0.000000e+00 : f32
    %broadcast_in_dim3A_192 = vector.broadcast %broadcast_in_dim3A_191 : f32 to vector<16xf32>
    %swap3A_193 = arith.constant 432 : index
    %swap3A_194 = tpu.vector_load %arg6[%swap3A_193] {strides = array<i32>} : memref<640xf32, #tpu.memory_space<vmem>>, vector<16xf32>,
    %swap3A_195 = vector.shape_cast %swap3A_194 : vector<16xf32> to vector<16xf32>
    %swap3A_196 = vector.shape_cast %broadcast_in_dim3A_192 : vector<16xf32> to vector<16xf32>
    tpu.vector_store %arg6[%swap3A_193], %swap3A_196 {strides = array<i32>} : memref<640xf32, #tpu.memory_space<vmem>>, vector<16xf32>,
    %broadcast_in_dim3A_197 = arith.constant 0.000000e+00 : f32
    %broadcast_in_dim3A_198 = vector.broadcast %broadcast_in_dim3A_197 : f32 to vector<16xf32>
    %swap3A_199 = arith.constant 448 : index
    %swap3A_200 = tpu.vector_load %arg6[%swap3A_199] {strides = array<i32>} : memref<640xf32, #tpu.memory_space<vmem>>, vector<16xf32>,
    %swap3A_201 = vector.shape_cast %swap3A_200 : vector<16xf32> to vector<16xf32>
    %swap3A_202 = vector.shape_cast %broadcast_in_dim3A_198 : vector<16xf32> to vector<16xf32>
    tpu.vector_store %arg6[%swap3A_199], %swap3A_202 {strides = array<i32>} : memref<640xf32, #tpu.memory_space<vmem>>, vector<16xf32>,
    %broadcast_in_dim3A_203 = arith.constant 0.000000e+00 : f32
    %broadcast_in_dim3A_204 = vector.broadcast %broadcast_in_dim3A_203 : f32 to vector<16xf32>
    %swap3A_205 = arith.constant 464 : index
    %swap3A_206 = tpu.vector_load %arg6[%swap3A_205] {strides = array<i32>} : memref<640xf32, #tpu.memory_space<vmem>>, vector<16xf32>,
    %swap3A_207 = vector.shape_cast %swap3A_206 : vector<16xf32> to vector<16xf32>
    %swap3A_208 = vector.shape_cast %broadcast_in_dim3A_204 : vector<16xf32> to vector<16xf32>
    tpu.vector_store %arg6[%swap3A_205], %swap3A_208 {strides = array<i32>} : memref<640xf32, #tpu.memory_space<vmem>>, vector<16xf32>,
    %broadcast_in_dim3A_209 = arith.constant 0.000000e+00 : f32
    %broadcast_in_dim3A_210 = vector.broadcast %broadcast_in_dim3A_209 : f32 to vector<16xf32>
    %swap3A_211 = arith.constant 480 : index
    %swap3A_212 = tpu.vector_load %arg6[%swap3A_211] {strides = array<i32>} : memref<640xf32, #tpu.memory_space<vmem>>, vector<16xf32>,
    %swap3A_213 = vector.shape_cast %swap3A_212 : vector<16xf32> to vector<16xf32>
    %swap3A_214 = vector.shape_cast %broadcast_in_dim3A_210 : vector<16xf32> to vector<16xf32>
    tpu.vector_store %arg6[%swap3A_211], %swap3A_214 {strides = array<i32>} : memref<640xf32, #tpu.memory_space<vmem>>, vector<16xf32>,
    %broadcast_in_dim3A_215 = arith.constant 0.000000e+00 : f32
    %broadcast_in_dim3A_216 = vector.broadcast %broadcast_in_dim3A_215 : f32 to vector<16xf32>
    %swap3A_217 = arith.constant 496 : index
    %swap3A_218 = tpu.vector_load %arg6[%swap3A_217] {strides = array<i32>} : memref<640xf32, #tpu.memory_space<vmem>>, vector<16xf32>,
    %swap3A_219 = vector.shape_cast %swap3A_218 : vector<16xf32> to vector<16xf32>
    %swap3A_220 = vector.shape_cast %broadcast_in_dim3A_216 : vector<16xf32> to vector<16xf32>
    tpu.vector_store %arg6[%swap3A_217], %swap3A_220 {strides = array<i32>} : memref<640xf32, #tpu.memory_space<vmem>>, vector<16xf32>,
    %broadcast_in_dim3A_221 = arith.constant 0.000000e+00 : f32
    %broadcast_in_dim3A_222 = vector.broadcast %broadcast_in_dim3A_221 : f32 to vector<16xf32>
    %swap3A_223 = arith.constant 512 : index
    %swap3A_224 = tpu.vector_load %arg6[%swap3A_223] {strides = array<i32>} : memref<640xf32, #tpu.memory_space<vmem>>, vector<16xf32>,
    %swap3A_225 = vector.shape_cast %swap3A_224 : vector<16xf32> to vector<16xf32>
    %swap3A_226 = vector.shape_cast %broadcast_in_dim3A_222 : vector<16xf32> to vector<16xf32>
    tpu.vector_store %arg6[%swap3A_223], %swap3A_226 {strides = array<i32>} : memref<640xf32, #tpu.memory_space<vmem>>, vector<16xf32>,
    %broadcast_in_dim3A_227 = arith.constant 0.000000e+00 : f32
    %broadcast_in_dim3A_228 = vector.broadcast %broadcast_in_dim3A_227 : f32 to vector<16xf32>
    %swap3A_229 = arith.constant 528 : index
    %swap3A_230 = tpu.vector_load %arg6[%swap3A_229] {strides = array<i32>} : memref<640xf32, #tpu.memory_space<vmem>>, vector<16xf32>,
    %swap3A_231 = vector.shape_cast %swap3A_230 : vector<16xf32> to vector<16xf32>
    %swap3A_232 = vector.shape_cast %broadcast_in_dim3A_228 : vector<16xf32> to vector<16xf32>
    tpu.vector_store %arg6[%swap3A_229], %swap3A_232 {strides = array<i32>} : memref<640xf32, #tpu.memory_space<vmem>>, vector<16xf32>,
    %broadcast_in_dim3A_233 = arith.constant 0.000000e+00 : f32
    %broadcast_in_dim3A_234 = vector.broadcast %broadcast_in_dim3A_233 : f32 to vector<16xf32>
    %swap3A_235 = arith.constant 544 : index
    %swap3A_236 = tpu.vector_load %arg6[%swap3A_235] {strides = array<i32>} : memref<640xf32, #tpu.memory_space<vmem>>, vector<16xf32>,
    %swap3A_237 = vector.shape_cast %swap3A_236 : vector<16xf32> to vector<16xf32>
    %swap3A_238 = vector.shape_cast %broadcast_in_dim3A_234 : vector<16xf32> to vector<16xf32>
    tpu.vector_store %arg6[%swap3A_235], %swap3A_238 {strides = array<i32>} : memref<640xf32, #tpu.memory_space<vmem>>, vector<16xf32>,
    %broadcast_in_dim3A_239 = arith.constant 0.000000e+00 : f32
    %broadcast_in_dim3A_240 = vector.broadcast %broadcast_in_dim3A_239 : f32 to vector<16xf32>
    %swap3A_241 = arith.constant 560 : index
    %swap3A_242 = tpu.vector_load %arg6[%swap3A_241] {strides = array<i32>} : memref<640xf32, #tpu.memory_space<vmem>>, vector<16xf32>,
    %swap3A_243 = vector.shape_cast %swap3A_242 : vector<16xf32> to vector<16xf32>
    %swap3A_244 = vector.shape_cast %broadcast_in_dim3A_240 : vector<16xf32> to vector<16xf32>
    tpu.vector_store %arg6[%swap3A_241], %swap3A_244 {strides = array<i32>} : memref<640xf32, #tpu.memory_space<vmem>>, vector<16xf32>,
    %broadcast_in_dim3A_245 = arith.constant 0.000000e+00 : f32
    %broadcast_in_dim3A_246 = vector.broadcast %broadcast_in_dim3A_245 : f32 to vector<16xf32>
    %swap3A_247 = arith.constant 576 : index
    %swap3A_248 = tpu.vector_load %arg6[%swap3A_247] {strides = array<i32>} : memref<640xf32, #tpu.memory_space<vmem>>, vector<16xf32>,
    %swap3A_249 = vector.shape_cast %swap3A_248 : vector<16xf32> to vector<16xf32>
    %swap3A_250 = vector.shape_cast %broadcast_in_dim3A_246 : vector<16xf32> to vector<16xf32>
    tpu.vector_store %arg6[%swap3A_247], %swap3A_250 {strides = array<i32>} : memref<640xf32, #tpu.memory_space<vmem>>, vector<16xf32>,
    %broadcast_in_dim3A_251 = arith.constant 0.000000e+00 : f32
    %broadcast_in_dim3A_252 = vector.broadcast %broadcast_in_dim3A_251 : f32 to vector<16xf32>
    %swap3A_253 = arith.constant 592 : index
    %swap3A_254 = tpu.vector_load %arg6[%swap3A_253] {strides = array<i32>} : memref<640xf32, #tpu.memory_space<vmem>>, vector<16xf32>,
    %swap3A_255 = vector.shape_cast %swap3A_254 : vector<16xf32> to vector<16xf32>
    %swap3A_256 = vector.shape_cast %broadcast_in_dim3A_252 : vector<16xf32> to vector<16xf32>
    tpu.vector_store %arg6[%swap3A_253], %swap3A_256 {strides = array<i32>} : memref<640xf32, #tpu.memory_space<vmem>>, vector<16xf32>,
    %broadcast_in_dim3A_257 = arith.constant 0.000000e+00 : f32
    %broadcast_in_dim3A_258 = vector.broadcast %broadcast_in_dim3A_257 : f32 to vector<16xf32>
    %swap3A_259 = arith.constant 608 : index
    %swap3A_260 = tpu.vector_load %arg6[%swap3A_259] {strides = array<i32>} : memref<640xf32, #tpu.memory_space<vmem>>, vector<16xf32>,
    %swap3A_261 = vector.shape_cast %swap3A_260 : vector<16xf32> to vector<16xf32>
    %swap3A_262 = vector.shape_cast %broadcast_in_dim3A_258 : vector<16xf32> to vector<16xf32>
    tpu.vector_store %arg6[%swap3A_259], %swap3A_262 {strides = array<i32>} : memref<640xf32, #tpu.memory_space<vmem>>, vector<16xf32>,
    %broadcast_in_dim3A_263 = arith.constant 0.000000e+00 : f32
    %broadcast_in_dim3A_264 = vector.broadcast %broadcast_in_dim3A_263 : f32 to vector<16xf32>
    %swap3A_265 = arith.constant 624 : index
    %swap3A_266 = tpu.vector_load %arg6[%swap3A_265] {strides = array<i32>} : memref<640xf32, #tpu.memory_space<vmem>>, vector<16xf32>,
    %swap3A_267 = vector.shape_cast %swap3A_266 : vector<16xf32> to vector<16xf32>
    %swap3A_268 = vector.shape_cast %broadcast_in_dim3A_264 : vector<16xf32> to vector<16xf32>
    tpu.vector_store %arg6[%swap3A_265], %swap3A_268 {strides = array<i32>} : memref<640xf32, #tpu.memory_space<vmem>>, vector<16xf32>,
    %mul3A_269 = arith.constant 640 : i32
    %mul3A_270 = arith.muli %arg1, %mul3A_269 : i32
    "tpu.region"() ({
      %run_scoped3A = tpu.sem_alloc : memref<!tpu.dma_semaphore, #tpu.memory_space<semaphore_mem>>
      %dma_start3A_365 = tpu.memref_slice %arg7[%mul3A_270] : memref<10240xf32, #tpu.memory_space<vmem_shared>> -> memref<640xf32, #tpu.memory_space<vmem_shared>>
      %dma_start3A_366 = tpu.memref_slice %arg7[%mul3A_270] : memref<10240xf32, #tpu.memory_space<vmem_shared>> -> memref<640xf32, #tpu.memory_space<vmem_shared>>
      tpu.enqueue_dma source(%arg6 : memref<640xf32, #tpu.memory_space<vmem>>) target(%dma_start3A_366 : memref<640xf32, #tpu.memory_space<vmem_shared>>) target_semaphore(%run_scoped3A : memref<!tpu.dma_semaphore, #tpu.memory_space<semaphore_mem>>)
      %dma_wait3A_367 = tpu.memref_slice %arg7[%mul3A_270] : memref<10240xf32, #tpu.memory_space<vmem_shared>> -> memref<640xf32, #tpu.memory_space<vmem_shared>>
      %dma_wait3A_368 = tpu.memref_slice %arg7[%mul3A_270] : memref<10240xf32, #tpu.memory_space<vmem_shared>> -> memref<640xf32, #tpu.memory_space<vmem_shared>>
      tpu.wait_dma2 semaphore(%run_scoped3A : memref<!tpu.dma_semaphore, #tpu.memory_space<semaphore_mem>>) src(%arg6 : memref<640xf32, #tpu.memory_space<vmem>>) dst(%dma_wait3A_368 : memref<640xf32, #tpu.memory_space<vmem_shared>>)
      tpu.yield
    }) : () -> ()
    %barrier3A = arith.constant 0 : index
    tpu.barrier barrier_id(%barrier3A)
    %mul3A_271 = arith.constant 10000 : i32
    %mul3A_272 = arith.muli %add3A, %mul3A_271 : i32
    %add3A_273 = arith.constant 0 : i32
    %add3A_274 = arith.addi %mul3A_272, %add3A_273 : i32
    %dma_start3A = arith.constant 0 : i32
    %dma_start3A_275 = arith.constant 0 : i32
    %dma_start3A_276 = tpu.memref_slice %arg4[%dma_start3A, %dma_start3A_275] : memref<5x80xi32, #tpu.memory_space<vmem>> -> memref<1x80xi32, #tpu.memory_space<vmem>>
    %dma_start3A_277 = tpu.memref_squeeze %dma_start3A_276 : memref<1x80xi32, #tpu.memory_space<vmem>> -> memref<80xi32, #tpu.memory_space<vmem>>
    %dma_start3A_278 = tpu.memref_slice %arg2[%add3A_274] : memref<320000xi32, #tpu.memory_space<hbm>> -> memref<80xi32, #tpu.memory_space<hbm>>
    %dma_start3A_279 = arith.constant 0 : i32
    %dma_start3A_280 = tpu.memref_slice %arg4[%dma_start3A, %dma_start3A_279] : memref<5x80xi32, #tpu.memory_space<vmem>> -> memref<1x80xi32, #tpu.memory_space<vmem>>
    %dma_start3A_281 = tpu.memref_squeeze %dma_start3A_280 : memref<1x80xi32, #tpu.memory_space<vmem>> -> memref<80xi32, #tpu.memory_space<vmem>>
    %dma_start3A_282 = tpu.memref_slice %arg2[%add3A_274] : memref<320000xi32, #tpu.memory_space<hbm>> -> memref<80xi32, #tpu.memory_space<hbm>>
    tpu.enqueue_dma source(%dma_start3A_282 : memref<80xi32, #tpu.memory_space<hbm>>) target(%dma_start3A_281 : memref<80xi32, #tpu.memory_space<vmem>>) target_semaphore(%arg8 : memref<!tpu.dma_semaphore, #tpu.memory_space<semaphore_mem>>)
    %add3A_283 = arith.constant 80 : i32
    %add3A_284 = arith.addi %mul3A_272, %add3A_283 : i32
    %dma_start3A_285 = arith.constant 1 : i32
    %dma_start3A_286 = arith.constant 0 : i32
    %dma_start3A_287 = tpu.memref_slice %arg4[%dma_start3A_285, %dma_start3A_286] : memref<5x80xi32, #tpu.memory_space<vmem>> -> memref<1x80xi32, #tpu.memory_space<vmem>>
    %dma_start3A_288 = tpu.memref_squeeze %dma_start3A_287 : memref<1x80xi32, #tpu.memory_space<vmem>> -> memref<80xi32, #tpu.memory_space<vmem>>
    %dma_start3A_289 = tpu.memref_slice %arg2[%add3A_284] : memref<320000xi32, #tpu.memory_space<hbm>> -> memref<80xi32, #tpu.memory_space<hbm>>
    %dma_start3A_290 = arith.constant 0 : i32
    %dma_start3A_291 = tpu.memref_slice %arg4[%dma_start3A_285, %dma_start3A_290] : memref<5x80xi32, #tpu.memory_space<vmem>> -> memref<1x80xi32, #tpu.memory_space<vmem>>
    %dma_start3A_292 = tpu.memref_squeeze %dma_start3A_291 : memref<1x80xi32, #tpu.memory_space<vmem>> -> memref<80xi32, #tpu.memory_space<vmem>>
    %dma_start3A_293 = tpu.memref_slice %arg2[%add3A_284] : memref<320000xi32, #tpu.memory_space<hbm>> -> memref<80xi32, #tpu.memory_space<hbm>>
    tpu.enqueue_dma source(%dma_start3A_293 : memref<80xi32, #tpu.memory_space<hbm>>) target(%dma_start3A_292 : memref<80xi32, #tpu.memory_space<vmem>>) target_semaphore(%arg9 : memref<!tpu.dma_semaphore, #tpu.memory_space<semaphore_mem>>)
    %add3A_294 = arith.constant 160 : i32
    %add3A_295 = arith.addi %mul3A_272, %add3A_294 : i32
    %dma_start3A_296 = arith.constant 2 : i32
    %dma_start3A_297 = arith.constant 0 : i32
    %dma_start3A_298 = tpu.memref_slice %arg4[%dma_start3A_296, %dma_start3A_297] : memref<5x80xi32, #tpu.memory_space<vmem>> -> memref<1x80xi32, #tpu.memory_space<vmem>>
    %dma_start3A_299 = tpu.memref_squeeze %dma_start3A_298 : memref<1x80xi32, #tpu.memory_space<vmem>> -> memref<80xi32, #tpu.memory_space<vmem>>
    %dma_start3A_300 = tpu.memref_slice %arg2[%add3A_295] : memref<320000xi32, #tpu.memory_space<hbm>> -> memref<80xi32, #tpu.memory_space<hbm>>
    %dma_start3A_301 = arith.constant 0 : i32
    %dma_start3A_302 = tpu.memref_slice %arg4[%dma_start3A_296, %dma_start3A_301] : memref<5x80xi32, #tpu.memory_space<vmem>> -> memref<1x80xi32, #tpu.memory_space<vmem>>
    %dma_start3A_303 = tpu.memref_squeeze %dma_start3A_302 : memref<1x80xi32, #tpu.memory_space<vmem>> -> memref<80xi32, #tpu.memory_space<vmem>>
    %dma_start3A_304 = tpu.memref_slice %arg2[%add3A_295] : memref<320000xi32, #tpu.memory_space<hbm>> -> memref<80xi32, #tpu.memory_space<hbm>>
    tpu.enqueue_dma source(%dma_start3A_304 : memref<80xi32, #tpu.memory_space<hbm>>) target(%dma_start3A_303 : memref<80xi32, #tpu.memory_space<vmem>>) target_semaphore(%arg10 : memref<!tpu.dma_semaphore, #tpu.memory_space<semaphore_mem>>)
    %add3A_305 = arith.constant 240 : i32
    %add3A_306 = arith.addi %mul3A_272, %add3A_305 : i32
    %dma_start3A_307 = arith.constant 3 : i32
    %dma_start3A_308 = arith.constant 0 : i32
    %dma_start3A_309 = tpu.memref_slice %arg4[%dma_start3A_307, %dma_start3A_308] : memref<5x80xi32, #tpu.memory_space<vmem>> -> memref<1x80xi32, #tpu.memory_space<vmem>>
    %dma_start3A_310 = tpu.memref_squeeze %dma_start3A_309 : memref<1x80xi32, #tpu.memory_space<vmem>> -> memref<80xi32, #tpu.memory_space<vmem>>
    %dma_start3A_311 = tpu.memref_slice %arg2[%add3A_306] : memref<320000xi32, #tpu.memory_space<hbm>> -> memref<80xi32, #tpu.memory_space<hbm>>
    %dma_start3A_312 = arith.constant 0 : i32
    %dma_start3A_313 = tpu.memref_slice %arg4[%dma_start3A_307, %dma_start3A_312] : memref<5x80xi32, #tpu.memory_space<vmem>> -> memref<1x80xi32, #tpu.memory_space<vmem>>
    %dma_start3A_314 = tpu.memref_squeeze %dma_start3A_313 : memref<1x80xi32, #tpu.memory_space<vmem>> -> memref<80xi32, #tpu.memory_space<vmem>>
    %dma_start3A_315 = tpu.memref_slice %arg2[%add3A_306] : memref<320000xi32, #tpu.memory_space<hbm>> -> memref<80xi32, #tpu.memory_space<hbm>>
    tpu.enqueue_dma source(%dma_start3A_315 : memref<80xi32, #tpu.memory_space<hbm>>) target(%dma_start3A_314 : memref<80xi32, #tpu.memory_space<vmem>>) target_semaphore(%arg11 : memref<!tpu.dma_semaphore, #tpu.memory_space<semaphore_mem>>)
    %add3A_316 = arith.constant 320 : i32
    %add3A_317 = arith.addi %mul3A_272, %add3A_316 : i32
    %dma_start3A_318 = arith.constant 4 : i32
    %dma_start3A_319 = arith.constant 0 : i32
    %dma_start3A_320 = tpu.memref_slice %arg4[%dma_start3A_318, %dma_start3A_319] : memref<5x80xi32, #tpu.memory_space<vmem>> -> memref<1x80xi32, #tpu.memory_space<vmem>>
    %dma_start3A_321 = tpu.memref_squeeze %dma_start3A_320 : memref<1x80xi32, #tpu.memory_space<vmem>> -> memref<80xi32, #tpu.memory_space<vmem>>
    %dma_start3A_322 = tpu.memref_slice %arg2[%add3A_317] : memref<320000xi32, #tpu.memory_space<hbm>> -> memref<80xi32, #tpu.memory_space<hbm>>
    %dma_start3A_323 = arith.constant 0 : i32
    %dma_start3A_324 = tpu.memref_slice %arg4[%dma_start3A_318, %dma_start3A_323] : memref<5x80xi32, #tpu.memory_space<vmem>> -> memref<1x80xi32, #tpu.memory_space<vmem>>
    %dma_start3A_325 = tpu.memref_squeeze %dma_start3A_324 : memref<1x80xi32, #tpu.memory_space<vmem>> -> memref<80xi32, #tpu.memory_space<vmem>>
    %dma_start3A_326 = tpu.memref_slice %arg2[%add3A_317] : memref<320000xi32, #tpu.memory_space<hbm>> -> memref<80xi32, #tpu.memory_space<hbm>>
    tpu.enqueue_dma source(%dma_start3A_326 : memref<80xi32, #tpu.memory_space<hbm>>) target(%dma_start3A_325 : memref<80xi32, #tpu.memory_space<vmem>>) target_semaphore(%arg12 : memref<!tpu.dma_semaphore, #tpu.memory_space<semaphore_mem>>)
    %scan3A = arith.constant 0 : i32
    %scan3A_327 = arith.constant 25 : i32
    %scan3A_328 = arith.addi %scan3A, %scan3A_327 : i32
    %scan3A_329 = arith.constant 1 : i32
    scf.for %scan3A_365 = %scan3A to %scan3A_328 step %scan3A_329  : i32 {
      %mul3A_366 = arith.constant 5 : i32
      %mul3A_367 = arith.muli %scan3A_365, %mul3A_366 : i32
      %add3A_368 = arith.constant 0 : i32
      %add3A_369 = arith.addi %add3A_368, %mul3A_367 : i32
      %add3A_370 = arith.constant 0 : i32
      %add3A_371 = arith.addi %add3A_369, %add3A_370 : i32
      %dma_wait3A_372 = arith.constant 0 : i32
      %dma_wait3A_373 = arith.constant 0 : i32
      %dma_wait3A_374 = tpu.memref_slice %arg4[%dma_wait3A_372, %dma_wait3A_373] : memref<5x80xi32, #tpu.memory_space<vmem>> -> memref<1x80xi32, #tpu.memory_space<vmem>>
      %dma_wait3A_375 = tpu.memref_squeeze %dma_wait3A_374 : memref<1x80xi32, #tpu.memory_space<vmem>> -> memref<80xi32, #tpu.memory_space<vmem>>
      %dma_wait3A_376 = tpu.memref_slice %arg2[%mul3A_272] : memref<320000xi32, #tpu.memory_space<hbm>> -> memref<80xi32, #tpu.memory_space<hbm>>
      %dma_wait3A_377 = arith.constant 0 : i32
      %dma_wait3A_378 = tpu.memref_slice %arg4[%dma_wait3A_372, %dma_wait3A_377] : memref<5x80xi32, #tpu.memory_space<vmem>> -> memref<1x80xi32, #tpu.memory_space<vmem>>
      %dma_wait3A_379 = tpu.memref_squeeze %dma_wait3A_378 : memref<1x80xi32, #tpu.memory_space<vmem>> -> memref<80xi32, #tpu.memory_space<vmem>>
      %dma_wait3A_380 = tpu.memref_slice %arg2[%mul3A_272] : memref<320000xi32, #tpu.memory_space<hbm>> -> memref<80xi32, #tpu.memory_space<hbm>>
      tpu.wait_dma2 semaphore(%arg8 : memref<!tpu.dma_semaphore, #tpu.memory_space<semaphore_mem>>) src(%dma_wait3A_380 : memref<80xi32, #tpu.memory_space<hbm>>) dst(%dma_wait3A_379 : memref<80xi32, #tpu.memory_space<vmem>>)
      %dma_start3A_381 = arith.constant 0 : i32
      %dma_start3A_382 = arith.constant 0 : i32
      %dma_start3A_383 = tpu.memref_slice %arg4[%dma_start3A_381, %dma_start3A_382] : memref<5x80xi32, #tpu.memory_space<vmem>> -> memref<1x80xi32, #tpu.memory_space<vmem>>
      %dma_start3A_384 = tpu.memref_squeeze %dma_start3A_383 : memref<1x80xi32, #tpu.memory_space<vmem>> -> memref<80xi32, #tpu.memory_space<vmem>>
      %dma_start3A_385 = arith.constant 0 : i32
      %dma_start3A_386 = tpu.memref_slice %arg7[%dma_start3A_385] : memref<10240xf32, #tpu.memory_space<vmem_shared>> -> memref<10240xf32, #tpu.memory_space<vmem_shared>>
      tpu.enqueue_indirect_dma source(%arg5 : memref<80xf32, #tpu.memory_space<vmem>>) target(%dma_start3A_386 : memref<10240xf32, #tpu.memory_space<vmem_shared>>) offsets(%dma_start3A_384 : memref<80xi32, #tpu.memory_space<vmem>>) semaphore(%arg13 : memref<!tpu.dma_semaphore, #tpu.memory_space<semaphore_mem>>) {add = true}
      %ge3A = arith.constant 2 : i32
      %ge3A_387 = arith.cmpi sge, %add3A_371, %ge3A : i32
      %add3A_388 = arith.constant 3 : i32
      %add3A_389 = arith.addi %add3A_371, %add3A_388 : i32
      %lt3A = arith.constant 125 : i32
      %lt3A_390 = arith.cmpi slt, %add3A_389, %lt3A : i32
      %and3A = arith.andi %ge3A_387, %lt3A_390 : i1
      %convert_element_type3A = arith.extui %and3A : i1 to i32
      %cond3A = arith.constant 0 : i32
      %cond3A_391 = arith.cmpi ne, %convert_element_type3A, %cond3A : i32
      scf.if %cond3A_391 {
        %dma_wait3A_500 = arith.constant 0 : i32
        %dma_wait3A_501 = arith.constant 0 : i32
        %dma_wait3A_502 = tpu.memref_slice %arg4[%dma_wait3A_500, %dma_wait3A_501] : memref<5x80xi32, #tpu.memory_space<vmem>> -> memref<1x80xi32, #tpu.memory_space<vmem>>
        %dma_wait3A_503 = tpu.memref_squeeze %dma_wait3A_502 : memref<1x80xi32, #tpu.memory_space<vmem>> -> memref<80xi32, #tpu.memory_space<vmem>>
        %dma_wait3A_504 = arith.constant 0 : i32
        %dma_wait3A_505 = tpu.memref_slice %arg7[%dma_wait3A_504] : memref<10240xf32, #tpu.memory_space<vmem_shared>> -> memref<10240xf32, #tpu.memory_space<vmem_shared>>
        tpu.wait_indirect_dma semaphore(%arg16 : memref<!tpu.dma_semaphore, #tpu.memory_space<semaphore_mem>>) src(%arg5 : memref<80xf32, #tpu.memory_space<vmem>>) dst(%dma_wait3A_505 : memref<10240xf32, #tpu.memory_space<vmem_shared>>)
        %add3A_506 = arith.constant 3 : i32
        %add3A_507 = arith.addi %add3A_371, %add3A_506 : i32
        %mul3A_508 = arith.constant 80 : i32
        %mul3A_509 = arith.muli %add3A_507, %mul3A_508 : i32
        %add3A_510 = arith.addi %mul3A_272, %mul3A_509 : i32
        %dma_start3A_511 = arith.constant 3 : i32
        %dma_start3A_512 = arith.constant 0 : i32
        %dma_start3A_513 = tpu.memref_slice %arg4[%dma_start3A_511, %dma_start3A_512] : memref<5x80xi32, #tpu.memory_space<vmem>> -> memref<1x80xi32, #tpu.memory_space<vmem>>
        %dma_start3A_514 = tpu.memref_squeeze %dma_start3A_513 : memref<1x80xi32, #tpu.memory_space<vmem>> -> memref<80xi32, #tpu.memory_space<vmem>>
        %dma_start3A_515 = tpu.memref_slice %arg2[%add3A_510] : memref<320000xi32, #tpu.memory_space<hbm>> -> memref<80xi32, #tpu.memory_space<hbm>>
        %dma_start3A_516 = arith.constant 0 : i32
        %dma_start3A_517 = tpu.memref_slice %arg4[%dma_start3A_511, %dma_start3A_516] : memref<5x80xi32, #tpu.memory_space<vmem>> -> memref<1x80xi32, #tpu.memory_space<vmem>>
        %dma_start3A_518 = tpu.memref_squeeze %dma_start3A_517 : memref<1x80xi32, #tpu.memory_space<vmem>> -> memref<80xi32, #tpu.memory_space<vmem>>
        %dma_start3A_519 = tpu.memref_slice %arg2[%add3A_510] : memref<320000xi32, #tpu.memory_space<hbm>> -> memref<80xi32, #tpu.memory_space<hbm>>
        tpu.enqueue_dma source(%dma_start3A_519 : memref<80xi32, #tpu.memory_space<hbm>>) target(%dma_start3A_518 : memref<80xi32, #tpu.memory_space<vmem>>) target_semaphore(%arg11 : memref<!tpu.dma_semaphore, #tpu.memory_space<semaphore_mem>>)
      } else {
      }
      %add3A_392 = arith.constant 1 : i32
      %add3A_393 = arith.addi %add3A_369, %add3A_392 : i32
      %dma_wait3A_394 = arith.constant 1 : i32
      %dma_wait3A_395 = arith.constant 0 : i32
      %dma_wait3A_396 = tpu.memref_slice %arg4[%dma_wait3A_394, %dma_wait3A_395] : memref<5x80xi32, #tpu.memory_space<vmem>> -> memref<1x80xi32, #tpu.memory_space<vmem>>
      %dma_wait3A_397 = tpu.memref_squeeze %dma_wait3A_396 : memref<1x80xi32, #tpu.memory_space<vmem>> -> memref<80xi32, #tpu.memory_space<vmem>>
      %dma_wait3A_398 = tpu.memref_slice %arg2[%mul3A_272] : memref<320000xi32, #tpu.memory_space<hbm>> -> memref<80xi32, #tpu.memory_space<hbm>>
      %dma_wait3A_399 = arith.constant 0 : i32
      %dma_wait3A_400 = tpu.memref_slice %arg4[%dma_wait3A_394, %dma_wait3A_399] : memref<5x80xi32, #tpu.memory_space<vmem>> -> memref<1x80xi32, #tpu.memory_space<vmem>>
      %dma_wait3A_401 = tpu.memref_squeeze %dma_wait3A_400 : memref<1x80xi32, #tpu.memory_space<vmem>> -> memref<80xi32, #tpu.memory_space<vmem>>
      %dma_wait3A_402 = tpu.memref_slice %arg2[%mul3A_272] : memref<320000xi32, #tpu.memory_space<hbm>> -> memref<80xi32, #tpu.memory_space<hbm>>
      tpu.wait_dma2 semaphore(%arg9 : memref<!tpu.dma_semaphore, #tpu.memory_space<semaphore_mem>>) src(%dma_wait3A_402 : memref<80xi32, #tpu.memory_space<hbm>>) dst(%dma_wait3A_401 : memref<80xi32, #tpu.memory_space<vmem>>)
      %dma_start3A_403 = arith.constant 1 : i32
      %dma_start3A_404 = arith.constant 0 : i32
      %dma_start3A_405 = tpu.memref_slice %arg4[%dma_start3A_403, %dma_start3A_404] : memref<5x80xi32, #tpu.memory_space<vmem>> -> memref<1x80xi32, #tpu.memory_space<vmem>>
      %dma_start3A_406 = tpu.memref_squeeze %dma_start3A_405 : memref<1x80xi32, #tpu.memory_space<vmem>> -> memref<80xi32, #tpu.memory_space<vmem>>
      %dma_start3A_407 = arith.constant 0 : i32
      %dma_start3A_408 = tpu.memref_slice %arg7[%dma_start3A_407] : memref<10240xf32, #tpu.memory_space<vmem_shared>> -> memref<10240xf32, #tpu.memory_space<vmem_shared>>
      tpu.enqueue_indirect_dma source(%arg5 : memref<80xf32, #tpu.memory_space<vmem>>) target(%dma_start3A_408 : memref<10240xf32, #tpu.memory_space<vmem_shared>>) offsets(%dma_start3A_406 : memref<80xi32, #tpu.memory_space<vmem>>) semaphore(%arg14 : memref<!tpu.dma_semaphore, #tpu.memory_space<semaphore_mem>>) {add = true}
      %ge3A_409 = arith.constant 2 : i32
      %ge3A_410 = arith.cmpi sge, %add3A_393, %ge3A_409 : i32
      %add3A_411 = arith.constant 3 : i32
      %add3A_412 = arith.addi %add3A_393, %add3A_411 : i32
      %lt3A_413 = arith.constant 125 : i32
      %lt3A_414 = arith.cmpi slt, %add3A_412, %lt3A_413 : i32
      %and3A_415 = arith.andi %ge3A_410, %lt3A_414 : i1
      %convert_element_type3A_416 = arith.extui %and3A_415 : i1 to i32
      %cond3A_417 = arith.constant 0 : i32
      %cond3A_418 = arith.cmpi ne, %convert_element_type3A_416, %cond3A_417 : i32
      scf.if %cond3A_418 {
        %dma_wait3A_500 = arith.constant 0 : i32
        %dma_wait3A_501 = arith.constant 0 : i32
        %dma_wait3A_502 = tpu.memref_slice %arg4[%dma_wait3A_500, %dma_wait3A_501] : memref<5x80xi32, #tpu.memory_space<vmem>> -> memref<1x80xi32, #tpu.memory_space<vmem>>
        %dma_wait3A_503 = tpu.memref_squeeze %dma_wait3A_502 : memref<1x80xi32, #tpu.memory_space<vmem>> -> memref<80xi32, #tpu.memory_space<vmem>>
        %dma_wait3A_504 = arith.constant 0 : i32
        %dma_wait3A_505 = tpu.memref_slice %arg7[%dma_wait3A_504] : memref<10240xf32, #tpu.memory_space<vmem_shared>> -> memref<10240xf32, #tpu.memory_space<vmem_shared>>
        tpu.wait_indirect_dma semaphore(%arg17 : memref<!tpu.dma_semaphore, #tpu.memory_space<semaphore_mem>>) src(%arg5 : memref<80xf32, #tpu.memory_space<vmem>>) dst(%dma_wait3A_505 : memref<10240xf32, #tpu.memory_space<vmem_shared>>)
        %add3A_506 = arith.constant 3 : i32
        %add3A_507 = arith.addi %add3A_393, %add3A_506 : i32
        %mul3A_508 = arith.constant 80 : i32
        %mul3A_509 = arith.muli %add3A_507, %mul3A_508 : i32
        %add3A_510 = arith.addi %mul3A_272, %mul3A_509 : i32
        %dma_start3A_511 = arith.constant 4 : i32
        %dma_start3A_512 = arith.constant 0 : i32
        %dma_start3A_513 = tpu.memref_slice %arg4[%dma_start3A_511, %dma_start3A_512] : memref<5x80xi32, #tpu.memory_space<vmem>> -> memref<1x80xi32, #tpu.memory_space<vmem>>
        %dma_start3A_514 = tpu.memref_squeeze %dma_start3A_513 : memref<1x80xi32, #tpu.memory_space<vmem>> -> memref<80xi32, #tpu.memory_space<vmem>>
        %dma_start3A_515 = tpu.memref_slice %arg2[%add3A_510] : memref<320000xi32, #tpu.memory_space<hbm>> -> memref<80xi32, #tpu.memory_space<hbm>>
        %dma_start3A_516 = arith.constant 0 : i32
        %dma_start3A_517 = tpu.memref_slice %arg4[%dma_start3A_511, %dma_start3A_516] : memref<5x80xi32, #tpu.memory_space<vmem>> -> memref<1x80xi32, #tpu.memory_space<vmem>>
        %dma_start3A_518 = tpu.memref_squeeze %dma_start3A_517 : memref<1x80xi32, #tpu.memory_space<vmem>> -> memref<80xi32, #tpu.memory_space<vmem>>
        %dma_start3A_519 = tpu.memref_slice %arg2[%add3A_510] : memref<320000xi32, #tpu.memory_space<hbm>> -> memref<80xi32, #tpu.memory_space<hbm>>
        tpu.enqueue_dma source(%dma_start3A_519 : memref<80xi32, #tpu.memory_space<hbm>>) target(%dma_start3A_518 : memref<80xi32, #tpu.memory_space<vmem>>) target_semaphore(%arg12 : memref<!tpu.dma_semaphore, #tpu.memory_space<semaphore_mem>>)
      } else {
      }
      %add3A_419 = arith.constant 2 : i32
      %add3A_420 = arith.addi %add3A_369, %add3A_419 : i32
      %dma_wait3A_421 = arith.constant 2 : i32
      %dma_wait3A_422 = arith.constant 0 : i32
      %dma_wait3A_423 = tpu.memref_slice %arg4[%dma_wait3A_421, %dma_wait3A_422] : memref<5x80xi32, #tpu.memory_space<vmem>> -> memref<1x80xi32, #tpu.memory_space<vmem>>
      %dma_wait3A_424 = tpu.memref_squeeze %dma_wait3A_423 : memref<1x80xi32, #tpu.memory_space<vmem>> -> memref<80xi32, #tpu.memory_space<vmem>>
      %dma_wait3A_425 = tpu.memref_slice %arg2[%mul3A_272] : memref<320000xi32, #tpu.memory_space<hbm>> -> memref<80xi32, #tpu.memory_space<hbm>>
      %dma_wait3A_426 = arith.constant 0 : i32
      %dma_wait3A_427 = tpu.memref_slice %arg4[%dma_wait3A_421, %dma_wait3A_426] : memref<5x80xi32, #tpu.memory_space<vmem>> -> memref<1x80xi32, #tpu.memory_space<vmem>>
      %dma_wait3A_428 = tpu.memref_squeeze %dma_wait3A_427 : memref<1x80xi32, #tpu.memory_space<vmem>> -> memref<80xi32, #tpu.memory_space<vmem>>
      %dma_wait3A_429 = tpu.memref_slice %arg2[%mul3A_272] : memref<320000xi32, #tpu.memory_space<hbm>> -> memref<80xi32, #tpu.memory_space<hbm>>
      tpu.wait_dma2 semaphore(%arg10 : memref<!tpu.dma_semaphore, #tpu.memory_space<semaphore_mem>>) src(%dma_wait3A_429 : memref<80xi32, #tpu.memory_space<hbm>>) dst(%dma_wait3A_428 : memref<80xi32, #tpu.memory_space<vmem>>)
      %dma_start3A_430 = arith.constant 2 : i32
      %dma_start3A_431 = arith.constant 0 : i32
      %dma_start3A_432 = tpu.memref_slice %arg4[%dma_start3A_430, %dma_start3A_431] : memref<5x80xi32, #tpu.memory_space<vmem>> -> memref<1x80xi32, #tpu.memory_space<vmem>>
      %dma_start3A_433 = tpu.memref_squeeze %dma_start3A_432 : memref<1x80xi32, #tpu.memory_space<vmem>> -> memref<80xi32, #tpu.memory_space<vmem>>
      %dma_start3A_434 = arith.constant 0 : i32
      %dma_start3A_435 = tpu.memref_slice %arg7[%dma_start3A_434] : memref<10240xf32, #tpu.memory_space<vmem_shared>> -> memref<10240xf32, #tpu.memory_space<vmem_shared>>
      tpu.enqueue_indirect_dma source(%arg5 : memref<80xf32, #tpu.memory_space<vmem>>) target(%dma_start3A_435 : memref<10240xf32, #tpu.memory_space<vmem_shared>>) offsets(%dma_start3A_433 : memref<80xi32, #tpu.memory_space<vmem>>) semaphore(%arg15 : memref<!tpu.dma_semaphore, #tpu.memory_space<semaphore_mem>>) {add = true}
      %ge3A_436 = arith.constant 2 : i32
      %ge3A_437 = arith.cmpi sge, %add3A_420, %ge3A_436 : i32
      %add3A_438 = arith.constant 3 : i32
      %add3A_439 = arith.addi %add3A_420, %add3A_438 : i32
      %lt3A_440 = arith.constant 125 : i32
      %lt3A_441 = arith.cmpi slt, %add3A_439, %lt3A_440 : i32
      %and3A_442 = arith.andi %ge3A_437, %lt3A_441 : i1
      %convert_element_type3A_443 = arith.extui %and3A_442 : i1 to i32
      %cond3A_444 = arith.constant 0 : i32
      %cond3A_445 = arith.cmpi ne, %convert_element_type3A_443, %cond3A_444 : i32
      scf.if %cond3A_445 {
        %dma_wait3A_500 = arith.constant 0 : i32
        %dma_wait3A_501 = arith.constant 0 : i32
        %dma_wait3A_502 = tpu.memref_slice %arg4[%dma_wait3A_500, %dma_wait3A_501] : memref<5x80xi32, #tpu.memory_space<vmem>> -> memref<1x80xi32, #tpu.memory_space<vmem>>
        %dma_wait3A_503 = tpu.memref_squeeze %dma_wait3A_502 : memref<1x80xi32, #tpu.memory_space<vmem>> -> memref<80xi32, #tpu.memory_space<vmem>>
        %dma_wait3A_504 = arith.constant 0 : i32
        %dma_wait3A_505 = tpu.memref_slice %arg7[%dma_wait3A_504] : memref<10240xf32, #tpu.memory_space<vmem_shared>> -> memref<10240xf32, #tpu.memory_space<vmem_shared>>
        tpu.wait_indirect_dma semaphore(%arg13 : memref<!tpu.dma_semaphore, #tpu.memory_space<semaphore_mem>>) src(%arg5 : memref<80xf32, #tpu.memory_space<vmem>>) dst(%dma_wait3A_505 : memref<10240xf32, #tpu.memory_space<vmem_shared>>)
        %add3A_506 = arith.constant 3 : i32
        %add3A_507 = arith.addi %add3A_420, %add3A_506 : i32
        %mul3A_508 = arith.constant 80 : i32
        %mul3A_509 = arith.muli %add3A_507, %mul3A_508 : i32
        %add3A_510 = arith.addi %mul3A_272, %mul3A_509 : i32
        %dma_start3A_511 = arith.constant 0 : i32
        %dma_start3A_512 = arith.constant 0 : i32
        %dma_start3A_513 = tpu.memref_slice %arg4[%dma_start3A_511, %dma_start3A_512] : memref<5x80xi32, #tpu.memory_space<vmem>> -> memref<1x80xi32, #tpu.memory_space<vmem>>
        %dma_start3A_514 = tpu.memref_squeeze %dma_start3A_513 : memref<1x80xi32, #tpu.memory_space<vmem>> -> memref<80xi32, #tpu.memory_space<vmem>>
        %dma_start3A_515 = tpu.memref_slice %arg2[%add3A_510] : memref<320000xi32, #tpu.memory_space<hbm>> -> memref<80xi32, #tpu.memory_space<hbm>>
        %dma_start3A_516 = arith.constant 0 : i32
        %dma_start3A_517 = tpu.memref_slice %arg4[%dma_start3A_511, %dma_start3A_516] : memref<5x80xi32, #tpu.memory_space<vmem>> -> memref<1x80xi32, #tpu.memory_space<vmem>>
        %dma_start3A_518 = tpu.memref_squeeze %dma_start3A_517 : memref<1x80xi32, #tpu.memory_space<vmem>> -> memref<80xi32, #tpu.memory_space<vmem>>
        %dma_start3A_519 = tpu.memref_slice %arg2[%add3A_510] : memref<320000xi32, #tpu.memory_space<hbm>> -> memref<80xi32, #tpu.memory_space<hbm>>
        tpu.enqueue_dma source(%dma_start3A_519 : memref<80xi32, #tpu.memory_space<hbm>>) target(%dma_start3A_518 : memref<80xi32, #tpu.memory_space<vmem>>) target_semaphore(%arg8 : memref<!tpu.dma_semaphore, #tpu.memory_space<semaphore_mem>>)
      } else {
      }
      %add3A_446 = arith.constant 3 : i32
      %add3A_447 = arith.addi %add3A_369, %add3A_446 : i32
      %dma_wait3A_448 = arith.constant 3 : i32
      %dma_wait3A_449 = arith.constant 0 : i32
      %dma_wait3A_450 = tpu.memref_slice %arg4[%dma_wait3A_448, %dma_wait3A_449] : memref<5x80xi32, #tpu.memory_space<vmem>> -> memref<1x80xi32, #tpu.memory_space<vmem>>
      %dma_wait3A_451 = tpu.memref_squeeze %dma_wait3A_450 : memref<1x80xi32, #tpu.memory_space<vmem>> -> memref<80xi32, #tpu.memory_space<vmem>>
      %dma_wait3A_452 = tpu.memref_slice %arg2[%mul3A_272] : memref<320000xi32, #tpu.memory_space<hbm>> -> memref<80xi32, #tpu.memory_space<hbm>>
      %dma_wait3A_453 = arith.constant 0 : i32
      %dma_wait3A_454 = tpu.memref_slice %arg4[%dma_wait3A_448, %dma_wait3A_453] : memref<5x80xi32, #tpu.memory_space<vmem>> -> memref<1x80xi32, #tpu.memory_space<vmem>>
      %dma_wait3A_455 = tpu.memref_squeeze %dma_wait3A_454 : memref<1x80xi32, #tpu.memory_space<vmem>> -> memref<80xi32, #tpu.memory_space<vmem>>
      %dma_wait3A_456 = tpu.memref_slice %arg2[%mul3A_272] : memref<320000xi32, #tpu.memory_space<hbm>> -> memref<80xi32, #tpu.memory_space<hbm>>
      tpu.wait_dma2 semaphore(%arg11 : memref<!tpu.dma_semaphore, #tpu.memory_space<semaphore_mem>>) src(%dma_wait3A_456 : memref<80xi32, #tpu.memory_space<hbm>>) dst(%dma_wait3A_455 : memref<80xi32, #tpu.memory_space<vmem>>)
      %dma_start3A_457 = arith.constant 3 : i32
      %dma_start3A_458 = arith.constant 0 : i32
      %dma_start3A_459 = tpu.memref_slice %arg4[%dma_start3A_457, %dma_start3A_458] : memref<5x80xi32, #tpu.memory_space<vmem>> -> memref<1x80xi32, #tpu.memory_space<vmem>>
      %dma_start3A_460 = tpu.memref_squeeze %dma_start3A_459 : memref<1x80xi32, #tpu.memory_space<vmem>> -> memref<80xi32, #tpu.memory_space<vmem>>
      %dma_start3A_461 = arith.constant 0 : i32
      %dma_start3A_462 = tpu.memref_slice %arg7[%dma_start3A_461] : memref<10240xf32, #tpu.memory_space<vmem_shared>> -> memref<10240xf32, #tpu.memory_space<vmem_shared>>
      tpu.enqueue_indirect_dma source(%arg5 : memref<80xf32, #tpu.memory_space<vmem>>) target(%dma_start3A_462 : memref<10240xf32, #tpu.memory_space<vmem_shared>>) offsets(%dma_start3A_460 : memref<80xi32, #tpu.memory_space<vmem>>) semaphore(%arg16 : memref<!tpu.dma_semaphore, #tpu.memory_space<semaphore_mem>>) {add = true}
      %ge3A_463 = arith.constant 2 : i32
      %ge3A_464 = arith.cmpi sge, %add3A_447, %ge3A_463 : i32
      %add3A_465 = arith.constant 3 : i32
      %add3A_466 = arith.addi %add3A_447, %add3A_465 : i32
      %lt3A_467 = arith.constant 125 : i32
      %lt3A_468 = arith.cmpi slt, %add3A_466, %lt3A_467 : i32
      %and3A_469 = arith.andi %ge3A_464, %lt3A_468 : i1
      %convert_element_type3A_470 = arith.extui %and3A_469 : i1 to i32
      %cond3A_471 = arith.constant 0 : i32
      %cond3A_472 = arith.cmpi ne, %convert_element_type3A_470, %cond3A_471 : i32
      scf.if %cond3A_472 {
        %dma_wait3A_500 = arith.constant 0 : i32
        %dma_wait3A_501 = arith.constant 0 : i32
        %dma_wait3A_502 = tpu.memref_slice %arg4[%dma_wait3A_500, %dma_wait3A_501] : memref<5x80xi32, #tpu.memory_space<vmem>> -> memref<1x80xi32, #tpu.memory_space<vmem>>
        %dma_wait3A_503 = tpu.memref_squeeze %dma_wait3A_502 : memref<1x80xi32, #tpu.memory_space<vmem>> -> memref<80xi32, #tpu.memory_space<vmem>>
        %dma_wait3A_504 = arith.constant 0 : i32
        %dma_wait3A_505 = tpu.memref_slice %arg7[%dma_wait3A_504] : memref<10240xf32, #tpu.memory_space<vmem_shared>> -> memref<10240xf32, #tpu.memory_space<vmem_shared>>
        tpu.wait_indirect_dma semaphore(%arg14 : memref<!tpu.dma_semaphore, #tpu.memory_space<semaphore_mem>>) src(%arg5 : memref<80xf32, #tpu.memory_space<vmem>>) dst(%dma_wait3A_505 : memref<10240xf32, #tpu.memory_space<vmem_shared>>)
        %add3A_506 = arith.constant 3 : i32
        %add3A_507 = arith.addi %add3A_447, %add3A_506 : i32
        %mul3A_508 = arith.constant 80 : i32
        %mul3A_509 = arith.muli %add3A_507, %mul3A_508 : i32
        %add3A_510 = arith.addi %mul3A_272, %mul3A_509 : i32
        %dma_start3A_511 = arith.constant 1 : i32
        %dma_start3A_512 = arith.constant 0 : i32
        %dma_start3A_513 = tpu.memref_slice %arg4[%dma_start3A_511, %dma_start3A_512] : memref<5x80xi32, #tpu.memory_space<vmem>> -> memref<1x80xi32, #tpu.memory_space<vmem>>
        %dma_start3A_514 = tpu.memref_squeeze %dma_start3A_513 : memref<1x80xi32, #tpu.memory_space<vmem>> -> memref<80xi32, #tpu.memory_space<vmem>>
        %dma_start3A_515 = tpu.memref_slice %arg2[%add3A_510] : memref<320000xi32, #tpu.memory_space<hbm>> -> memref<80xi32, #tpu.memory_space<hbm>>
        %dma_start3A_516 = arith.constant 0 : i32
        %dma_start3A_517 = tpu.memref_slice %arg4[%dma_start3A_511, %dma_start3A_516] : memref<5x80xi32, #tpu.memory_space<vmem>> -> memref<1x80xi32, #tpu.memory_space<vmem>>
        %dma_start3A_518 = tpu.memref_squeeze %dma_start3A_517 : memref<1x80xi32, #tpu.memory_space<vmem>> -> memref<80xi32, #tpu.memory_space<vmem>>
        %dma_start3A_519 = tpu.memref_slice %arg2[%add3A_510] : memref<320000xi32, #tpu.memory_space<hbm>> -> memref<80xi32, #tpu.memory_space<hbm>>
        tpu.enqueue_dma source(%dma_start3A_519 : memref<80xi32, #tpu.memory_space<hbm>>) target(%dma_start3A_518 : memref<80xi32, #tpu.memory_space<vmem>>) target_semaphore(%arg9 : memref<!tpu.dma_semaphore, #tpu.memory_space<semaphore_mem>>)
      } else {
      }
      %add3A_473 = arith.constant 4 : i32
      %add3A_474 = arith.addi %add3A_369, %add3A_473 : i32
      %dma_wait3A_475 = arith.constant 4 : i32
      %dma_wait3A_476 = arith.constant 0 : i32
      %dma_wait3A_477 = tpu.memref_slice %arg4[%dma_wait3A_475, %dma_wait3A_476] : memref<5x80xi32, #tpu.memory_space<vmem>> -> memref<1x80xi32, #tpu.memory_space<vmem>>
      %dma_wait3A_478 = tpu.memref_squeeze %dma_wait3A_477 : memref<1x80xi32, #tpu.memory_space<vmem>> -> memref<80xi32, #tpu.memory_space<vmem>>
      %dma_wait3A_479 = tpu.memref_slice %arg2[%mul3A_272] : memref<320000xi32, #tpu.memory_space<hbm>> -> memref<80xi32, #tpu.memory_space<hbm>>
      %dma_wait3A_480 = arith.constant 0 : i32
      %dma_wait3A_481 = tpu.memref_slice %arg4[%dma_wait3A_475, %dma_wait3A_480] : memref<5x80xi32, #tpu.memory_space<vmem>> -> memref<1x80xi32, #tpu.memory_space<vmem>>
      %dma_wait3A_482 = tpu.memref_squeeze %dma_wait3A_481 : memref<1x80xi32, #tpu.memory_space<vmem>> -> memref<80xi32, #tpu.memory_space<vmem>>
      %dma_wait3A_483 = tpu.memref_slice %arg2[%mul3A_272] : memref<320000xi32, #tpu.memory_space<hbm>> -> memref<80xi32, #tpu.memory_space<hbm>>
      tpu.wait_dma2 semaphore(%arg12 : memref<!tpu.dma_semaphore, #tpu.memory_space<semaphore_mem>>) src(%dma_wait3A_483 : memref<80xi32, #tpu.memory_space<hbm>>) dst(%dma_wait3A_482 : memref<80xi32, #tpu.memory_space<vmem>>)
      %dma_start3A_484 = arith.constant 4 : i32
      %dma_start3A_485 = arith.constant 0 : i32
      %dma_start3A_486 = tpu.memref_slice %arg4[%dma_start3A_484, %dma_start3A_485] : memref<5x80xi32, #tpu.memory_space<vmem>> -> memref<1x80xi32, #tpu.memory_space<vmem>>
      %dma_start3A_487 = tpu.memref_squeeze %dma_start3A_486 : memref<1x80xi32, #tpu.memory_space<vmem>> -> memref<80xi32, #tpu.memory_space<vmem>>
      %dma_start3A_488 = arith.constant 0 : i32
      %dma_start3A_489 = tpu.memref_slice %arg7[%dma_start3A_488] : memref<10240xf32, #tpu.memory_space<vmem_shared>> -> memref<10240xf32, #tpu.memory_space<vmem_shared>>
      tpu.enqueue_indirect_dma source(%arg5 : memref<80xf32, #tpu.memory_space<vmem>>) target(%dma_start3A_489 : memref<10240xf32, #tpu.memory_space<vmem_shared>>) offsets(%dma_start3A_487 : memref<80xi32, #tpu.memory_space<vmem>>) semaphore(%arg17 : memref<!tpu.dma_semaphore, #tpu.memory_space<semaphore_mem>>) {add = true}
      %ge3A_490 = arith.constant 2 : i32
      %ge3A_491 = arith.cmpi sge, %add3A_474, %ge3A_490 : i32
      %add3A_492 = arith.constant 3 : i32
      %add3A_493 = arith.addi %add3A_474, %add3A_492 : i32
      %lt3A_494 = arith.constant 125 : i32
      %lt3A_495 = arith.cmpi slt, %add3A_493, %lt3A_494 : i32
      %and3A_496 = arith.andi %ge3A_491, %lt3A_495 : i1
      %convert_element_type3A_497 = arith.extui %and3A_496 : i1 to i32
      %cond3A_498 = arith.constant 0 : i32
      %cond3A_499 = arith.cmpi ne, %convert_element_type3A_497, %cond3A_498 : i32
      scf.if %cond3A_499 {
        %dma_wait3A_500 = arith.constant 0 : i32
        %dma_wait3A_501 = arith.constant 0 : i32
        %dma_wait3A_502 = tpu.memref_slice %arg4[%dma_wait3A_500, %dma_wait3A_501] : memref<5x80xi32, #tpu.memory_space<vmem>> -> memref<1x80xi32, #tpu.memory_space<vmem>>
        %dma_wait3A_503 = tpu.memref_squeeze %dma_wait3A_502 : memref<1x80xi32, #tpu.memory_space<vmem>> -> memref<80xi32, #tpu.memory_space<vmem>>
        %dma_wait3A_504 = arith.constant 0 : i32
        %dma_wait3A_505 = tpu.memref_slice %arg7[%dma_wait3A_504] : memref<10240xf32, #tpu.memory_space<vmem_shared>> -> memref<10240xf32, #tpu.memory_space<vmem_shared>>
        tpu.wait_indirect_dma semaphore(%arg15 : memref<!tpu.dma_semaphore, #tpu.memory_space<semaphore_mem>>) src(%arg5 : memref<80xf32, #tpu.memory_space<vmem>>) dst(%dma_wait3A_505 : memref<10240xf32, #tpu.memory_space<vmem_shared>>)
        %add3A_506 = arith.constant 3 : i32
        %add3A_507 = arith.addi %add3A_474, %add3A_506 : i32
        %mul3A_508 = arith.constant 80 : i32
        %mul3A_509 = arith.muli %add3A_507, %mul3A_508 : i32
        %add3A_510 = arith.addi %mul3A_272, %mul3A_509 : i32
        %dma_start3A_511 = arith.constant 2 : i32
        %dma_start3A_512 = arith.constant 0 : i32
        %dma_start3A_513 = tpu.memref_slice %arg4[%dma_start3A_511, %dma_start3A_512] : memref<5x80xi32, #tpu.memory_space<vmem>> -> memref<1x80xi32, #tpu.memory_space<vmem>>
        %dma_start3A_514 = tpu.memref_squeeze %dma_start3A_513 : memref<1x80xi32, #tpu.memory_space<vmem>> -> memref<80xi32, #tpu.memory_space<vmem>>
        %dma_start3A_515 = tpu.memref_slice %arg2[%add3A_510] : memref<320000xi32, #tpu.memory_space<hbm>> -> memref<80xi32, #tpu.memory_space<hbm>>
        %dma_start3A_516 = arith.constant 0 : i32
        %dma_start3A_517 = tpu.memref_slice %arg4[%dma_start3A_511, %dma_start3A_516] : memref<5x80xi32, #tpu.memory_space<vmem>> -> memref<1x80xi32, #tpu.memory_space<vmem>>
        %dma_start3A_518 = tpu.memref_squeeze %dma_start3A_517 : memref<1x80xi32, #tpu.memory_space<vmem>> -> memref<80xi32, #tpu.memory_space<vmem>>
        %dma_start3A_519 = tpu.memref_slice %arg2[%add3A_510] : memref<320000xi32, #tpu.memory_space<hbm>> -> memref<80xi32, #tpu.memory_space<hbm>>
        tpu.enqueue_dma source(%dma_start3A_519 : memref<80xi32, #tpu.memory_space<hbm>>) target(%dma_start3A_518 : memref<80xi32, #tpu.memory_space<vmem>>) target_semaphore(%arg10 : memref<!tpu.dma_semaphore, #tpu.memory_space<semaphore_mem>>)
      } else {
      }
    }
    %scan3A_330 = arith.constant 25 : i32
    %dma_wait3A = arith.constant 0 : i32
    %dma_wait3A_331 = arith.constant 0 : i32
    %dma_wait3A_332 = tpu.memref_slice %arg4[%dma_wait3A, %dma_wait3A_331] : memref<5x80xi32, #tpu.memory_space<vmem>> -> memref<1x80xi32, #tpu.memory_space<vmem>>
    %dma_wait3A_333 = tpu.memref_squeeze %dma_wait3A_332 : memref<1x80xi32, #tpu.memory_space<vmem>> -> memref<80xi32, #tpu.memory_space<vmem>>
    %dma_wait3A_334 = arith.constant 0 : i32
    %dma_wait3A_335 = tpu.memref_slice %arg7[%dma_wait3A_334] : memref<10240xf32, #tpu.memory_space<vmem_shared>> -> memref<10240xf32, #tpu.memory_space<vmem_shared>>
    tpu.wait_indirect_dma semaphore(%arg13 : memref<!tpu.dma_semaphore, #tpu.memory_space<semaphore_mem>>) src(%arg5 : memref<80xf32, #tpu.memory_space<vmem>>) dst(%dma_wait3A_335 : memref<10240xf32, #tpu.memory_space<vmem_shared>>)
    %dma_wait3A_336 = arith.constant 0 : i32
    %dma_wait3A_337 = arith.constant 0 : i32
    %dma_wait3A_338 = tpu.memref_slice %arg4[%dma_wait3A_336, %dma_wait3A_337] : memref<5x80xi32, #tpu.memory_space<vmem>> -> memref<1x80xi32, #tpu.memory_space<vmem>>
    %dma_wait3A_339 = tpu.memref_squeeze %dma_wait3A_338 : memref<1x80xi32, #tpu.memory_space<vmem>> -> memref<80xi32, #tpu.memory_space<vmem>>
    %dma_wait3A_340 = arith.constant 0 : i32
    %dma_wait3A_341 = tpu.memref_slice %arg7[%dma_wait3A_340] : memref<10240xf32, #tpu.memory_space<vmem_shared>> -> memref<10240xf32, #tpu.memory_space<vmem_shared>>
    tpu.wait_indirect_dma semaphore(%arg14 : memref<!tpu.dma_semaphore, #tpu.memory_space<semaphore_mem>>) src(%arg5 : memref<80xf32, #tpu.memory_space<vmem>>) dst(%dma_wait3A_341 : memref<10240xf32, #tpu.memory_space<vmem_shared>>)
    %dma_wait3A_342 = arith.constant 0 : i32
    %dma_wait3A_343 = arith.constant 0 : i32
    %dma_wait3A_344 = tpu.memref_slice %arg4[%dma_wait3A_342, %dma_wait3A_343] : memref<5x80xi32, #tpu.memory_space<vmem>> -> memref<1x80xi32, #tpu.memory_space<vmem>>
    %dma_wait3A_345 = tpu.memref_squeeze %dma_wait3A_344 : memref<1x80xi32, #tpu.memory_space<vmem>> -> memref<80xi32, #tpu.memory_space<vmem>>
    %dma_wait3A_346 = arith.constant 0 : i32
    %dma_wait3A_347 = tpu.memref_slice %arg7[%dma_wait3A_346] : memref<10240xf32, #tpu.memory_space<vmem_shared>> -> memref<10240xf32, #tpu.memory_space<vmem_shared>>
    tpu.wait_indirect_dma semaphore(%arg15 : memref<!tpu.dma_semaphore, #tpu.memory_space<semaphore_mem>>) src(%arg5 : memref<80xf32, #tpu.memory_space<vmem>>) dst(%dma_wait3A_347 : memref<10240xf32, #tpu.memory_space<vmem_shared>>)
    %dma_wait3A_348 = arith.constant 0 : i32
    %dma_wait3A_349 = arith.constant 0 : i32
    %dma_wait3A_350 = tpu.memref_slice %arg4[%dma_wait3A_348, %dma_wait3A_349] : memref<5x80xi32, #tpu.memory_space<vmem>> -> memref<1x80xi32, #tpu.memory_space<vmem>>
    %dma_wait3A_351 = tpu.memref_squeeze %dma_wait3A_350 : memref<1x80xi32, #tpu.memory_space<vmem>> -> memref<80xi32, #tpu.memory_space<vmem>>
    %dma_wait3A_352 = arith.constant 0 : i32
    %dma_wait3A_353 = tpu.memref_slice %arg7[%dma_wait3A_352] : memref<10240xf32, #tpu.memory_space<vmem_shared>> -> memref<10240xf32, #tpu.memory_space<vmem_shared>>
    tpu.wait_indirect_dma semaphore(%arg16 : memref<!tpu.dma_semaphore, #tpu.memory_space<semaphore_mem>>) src(%arg5 : memref<80xf32, #tpu.memory_space<vmem>>) dst(%dma_wait3A_353 : memref<10240xf32, #tpu.memory_space<vmem_shared>>)
    %dma_wait3A_354 = arith.constant 0 : i32
    %dma_wait3A_355 = arith.constant 0 : i32
    %dma_wait3A_356 = tpu.memref_slice %arg4[%dma_wait3A_354, %dma_wait3A_355] : memref<5x80xi32, #tpu.memory_space<vmem>> -> memref<1x80xi32, #tpu.memory_space<vmem>>
    %dma_wait3A_357 = tpu.memref_squeeze %dma_wait3A_356 : memref<1x80xi32, #tpu.memory_space<vmem>> -> memref<80xi32, #tpu.memory_space<vmem>>
    %dma_wait3A_358 = arith.constant 0 : i32
    %dma_wait3A_359 = tpu.memref_slice %arg7[%dma_wait3A_358] : memref<10240xf32, #tpu.memory_space<vmem_shared>> -> memref<10240xf32, #tpu.memory_space<vmem_shared>>
    tpu.wait_indirect_dma semaphore(%arg17 : memref<!tpu.dma_semaphore, #tpu.memory_space<semaphore_mem>>) src(%arg5 : memref<80xf32, #tpu.memory_space<vmem>>) dst(%dma_wait3A_359 : memref<10240xf32, #tpu.memory_space<vmem_shared>>)
    %barrier3A_360 = arith.constant 0 : index
    tpu.barrier barrier_id(%barrier3A_360)
    %mul3A_361 = arith.constant 640 : i32
    %mul3A_362 = arith.muli %arg1, %mul3A_361 : i32
    %mul3A_363 = arith.constant 640 : i32
    %mul3A_364 = arith.muli %arg1, %mul3A_363 : i32
    "tpu.region"() ({
      %run_scoped3A = tpu.sem_alloc : memref<!tpu.dma_semaphore, #tpu.memory_space<semaphore_mem>>
      %dma_start3A_365 = arith.constant 0 : i32
      %dma_start3A_366 = tpu.memref_slice %arg3[%arg0, %dma_start3A_365] : memref<2x10240xf32, #tpu.memory_space<hbm>> -> memref<1x10240xf32, #tpu.memory_space<hbm>>
      %dma_start3A_367 = tpu.memref_squeeze %dma_start3A_366 : memref<1x10240xf32, #tpu.memory_space<hbm>> -> memref<10240xf32, #tpu.memory_space<hbm>>
      %dma_start3A_368 = tpu.memref_slice %dma_start3A_367[%mul3A_364] : memref<10240xf32, #tpu.memory_space<hbm>> -> memref<640xf32, #tpu.memory_space<hbm>>
      %dma_start3A_369 = tpu.memref_slice %arg7[%mul3A_362] : memref<10240xf32, #tpu.memory_space<vmem_shared>> -> memref<640xf32, #tpu.memory_space<vmem_shared>>
      tpu.enqueue_dma source(%dma_start3A_369 : memref<640xf32, #tpu.memory_space<vmem_shared>>) target(%dma_start3A_368 : memref<640xf32, #tpu.memory_space<hbm>>) target_semaphore(%run_scoped3A : memref<!tpu.dma_semaphore, #tpu.memory_space<semaphore_mem>>)
      %dma_wait3A_370 = arith.constant 0 : i32
      %dma_wait3A_371 = tpu.memref_slice %arg3[%arg0, %dma_wait3A_370] : memref<2x10240xf32, #tpu.memory_space<hbm>> -> memref<1x10240xf32, #tpu.memory_space<hbm>>
      %dma_wait3A_372 = tpu.memref_squeeze %dma_wait3A_371 : memref<1x10240xf32, #tpu.memory_space<hbm>> -> memref<10240xf32, #tpu.memory_space<hbm>>
      %dma_wait3A_373 = tpu.memref_slice %dma_wait3A_372[%mul3A_364] : memref<10240xf32, #tpu.memory_space<hbm>> -> memref<640xf32, #tpu.memory_space<hbm>>
      %dma_wait3A_374 = tpu.memref_slice %arg7[%mul3A_362] : memref<10240xf32, #tpu.memory_space<vmem_shared>> -> memref<640xf32, #tpu.memory_space<vmem_shared>>
      tpu.wait_dma2 semaphore(%run_scoped3A : memref<!tpu.dma_semaphore, #tpu.memory_space<semaphore_mem>>) src(%dma_wait3A_374 : memref<640xf32, #tpu.memory_space<vmem_shared>>) dst(%dma_wait3A_373 : memref<640xf32, #tpu.memory_space<hbm>>)
      tpu.yield
    }) : () -> ()
    return
  }
}

#map = affine_map<(d0, d1) -> (0, 0)>
#map1 = affine_map<(d0, d1) -> (0, 0, 0, 0)>
module attributes {stable_mosaic.version = 14 : i64} {
  func.func @_sc_scatter(%arg0: i32, %arg1: i32, %arg2: memref<10000x128xf32, #tpu.memory_space<hbm>>, %arg3: memref<32x5x50x80xi32, #tpu.memory_space<hbm>>, %arg4: memref<10000x128xf32, #tpu.memory_space<hbm>>, %arg5: memref<10000x128xf32, #tpu.memory_space<hbm>>, %arg6: memref<50x80xi32, #tpu.memory_space<vmem>>, %arg7: memref<3x80x128xf32, #tpu.memory_space<vmem>>, %arg8: memref<10000x128xf32, #tpu.memory_space<vmem_shared>>, %arg9: memref<!tpu.dma_semaphore, #tpu.memory_space<semaphore_mem>>, %arg10: memref<!tpu.dma_semaphore, #tpu.memory_space<semaphore_mem>>, %arg11: memref<!tpu.dma_semaphore, #tpu.memory_space<semaphore_mem>>, %arg12: memref<!tpu.dma_semaphore, #tpu.memory_space<semaphore_mem>>, %arg13: memref<!tpu.dma_semaphore, #tpu.memory_space<semaphore_mem>>, %arg14: memref<!tpu.dma_semaphore, #tpu.memory_space<semaphore_mem>>) attributes {dimension_semantics = [#tpu.dimension_semantics<core_parallel>, #tpu.dimension_semantics<subcore_parallel>], iteration_bounds = array<i64: 2, 16>, scalar_prefetch = 0 : i64, scratch_operands = 9 : i64, tpu.core_type = #tpu.core_type<sc_vector_subcore>, window_params = [{transform_indices = #map}, {transform_indices = #map1}, {transform_indices = #map}, {transform_indices = #map}]} {
    %mul3A = arith.constant 16 : i32
    %mul3A_0 = arith.muli %arg0, %mul3A : i32
    %add3A = arith.addi %mul3A_0, %arg1 : i32
    %eq3A = arith.constant 15 : i32
    %eq3A_1 = arith.cmpi eq, %arg1, %eq3A : i32
    %mul3A_2 = arith.constant 632 : i32
    %mul3A_3 = arith.muli %arg1, %mul3A_2 : i32
    %jit3A = arith.constant 9368 : i32
    %select_n3A = arith.select %eq3A_1, %jit3A, %mul3A_3 : i32
    %multiple_of3A = tpu.assume_multiple %select_n3A, 8 : i32
    "tpu.region"() ({
      %run_scoped3A = tpu.sem_alloc : memref<!tpu.dma_semaphore, #tpu.memory_space<semaphore_mem>>
      %dma_start3A = arith.constant 0 : i32
      %dma_start3A_17 = tpu.memref_slice %arg8[%multiple_of3A, %dma_start3A] : memref<10000x128xf32, #tpu.memory_space<vmem_shared>> -> memref<632x128xf32, #tpu.memory_space<vmem_shared>>
      %dma_start3A_18 = arith.constant 0 : i32
      %dma_start3A_19 = tpu.memref_slice %arg2[%multiple_of3A, %dma_start3A_18] : memref<10000x128xf32, #tpu.memory_space<hbm>> -> memref<632x128xf32, #tpu.memory_space<hbm>>
      tpu.enqueue_dma source(%dma_start3A_19 : memref<632x128xf32, #tpu.memory_space<hbm>>) target(%dma_start3A_17 : memref<632x128xf32, #tpu.memory_space<vmem_shared>>) target_semaphore(%run_scoped3A : memref<!tpu.dma_semaphore, #tpu.memory_space<semaphore_mem>>)
      %dma_wait3A = arith.constant 0 : i32
      %dma_wait3A_20 = tpu.memref_slice %arg8[%multiple_of3A, %dma_wait3A] : memref<10000x128xf32, #tpu.memory_space<vmem_shared>> -> memref<632x128xf32, #tpu.memory_space<vmem_shared>>
      %dma_wait3A_21 = arith.constant 0 : i32
      %dma_wait3A_22 = tpu.memref_slice %arg2[%multiple_of3A, %dma_wait3A_21] : memref<10000x128xf32, #tpu.memory_space<hbm>> -> memref<632x128xf32, #tpu.memory_space<hbm>>
      tpu.wait_dma2 semaphore(%run_scoped3A : memref<!tpu.dma_semaphore, #tpu.memory_space<semaphore_mem>>) src(%dma_wait3A_22 : memref<632x128xf32, #tpu.memory_space<hbm>>) dst(%dma_wait3A_20 : memref<632x128xf32, #tpu.memory_space<vmem_shared>>)
      tpu.yield
    }) : () -> ()
    %barrier3A = arith.constant 0 : index
    tpu.barrier barrier_id(%barrier3A)
    %scan3A = arith.constant 0 : i32
    %scan3A_4 = arith.constant 5 : i32
    %scan3A_5 = arith.addi %scan3A, %scan3A_4 : i32
    %scan3A_6 = arith.constant 1 : i32
    scf.for %scan3A_17 = %scan3A to %scan3A_5 step %scan3A_6  : i32 {
      %mul3A_18 = arith.constant 1 : i32
      %mul3A_19 = arith.muli %scan3A_17, %mul3A_18 : i32
      %add3A_20 = arith.constant 0 : i32
      %add3A_21 = arith.addi %add3A_20, %mul3A_19 : i32
      "tpu.region"() ({
        %run_scoped3A = tpu.sem_alloc : memref<!tpu.dma_semaphore, #tpu.memory_space<semaphore_mem>>
        %dma_start3A_97 = arith.constant 0 : i32
        %dma_start3A_98 = arith.constant 0 : i32
        %dma_start3A_99 = arith.constant 0 : i32
        %dma_start3A_100 = tpu.memref_slice %arg3[%add3A, %dma_start3A_97, %dma_start3A_98, %dma_start3A_99] : memref<32x5x50x80xi32, #tpu.memory_space<hbm>> -> memref<1x5x50x80xi32, #tpu.memory_space<hbm>>
        %dma_start3A_101 = tpu.memref_squeeze %dma_start3A_100 : memref<1x5x50x80xi32, #tpu.memory_space<hbm>> -> memref<5x50x80xi32, #tpu.memory_space<hbm>>
        %dma_start3A_102 = arith.constant 0 : i32
        %dma_start3A_103 = arith.constant 0 : i32
        %dma_start3A_104 = tpu.memref_slice %dma_start3A_101[%add3A_21, %dma_start3A_102, %dma_start3A_103] : memref<5x50x80xi32, #tpu.memory_space<hbm>> -> memref<1x50x80xi32, #tpu.memory_space<hbm>>
        %dma_start3A_105 = tpu.memref_squeeze %dma_start3A_104 : memref<1x50x80xi32, #tpu.memory_space<hbm>> -> memref<50x80xi32, #tpu.memory_space<hbm>>
        %dma_start3A_106 = arith.constant 0 : i32
        %dma_start3A_107 = arith.constant 0 : i32
        %dma_start3A_108 = arith.constant 0 : i32
        %dma_start3A_109 = tpu.memref_slice %arg3[%add3A, %dma_start3A_106, %dma_start3A_107, %dma_start3A_108] : memref<32x5x50x80xi32, #tpu.memory_space<hbm>> -> memref<1x5x50x80xi32, #tpu.memory_space<hbm>>
        %dma_start3A_110 = tpu.memref_squeeze %dma_start3A_109 : memref<1x5x50x80xi32, #tpu.memory_space<hbm>> -> memref<5x50x80xi32, #tpu.memory_space<hbm>>
        %dma_start3A_111 = arith.constant 0 : i32
        %dma_start3A_112 = arith.constant 0 : i32
        %dma_start3A_113 = tpu.memref_slice %dma_start3A_110[%add3A_21, %dma_start3A_111, %dma_start3A_112] : memref<5x50x80xi32, #tpu.memory_space<hbm>> -> memref<1x50x80xi32, #tpu.memory_space<hbm>>
        %dma_start3A_114 = tpu.memref_squeeze %dma_start3A_113 : memref<1x50x80xi32, #tpu.memory_space<hbm>> -> memref<50x80xi32, #tpu.memory_space<hbm>>
        tpu.enqueue_dma source(%dma_start3A_114 : memref<50x80xi32, #tpu.memory_space<hbm>>) target(%arg6 : memref<50x80xi32, #tpu.memory_space<vmem>>) target_semaphore(%run_scoped3A : memref<!tpu.dma_semaphore, #tpu.memory_space<semaphore_mem>>)
        %dma_wait3A_115 = arith.constant 0 : i32
        %dma_wait3A_116 = arith.constant 0 : i32
        %dma_wait3A_117 = arith.constant 0 : i32
        %dma_wait3A_118 = tpu.memref_slice %arg3[%add3A, %dma_wait3A_115, %dma_wait3A_116, %dma_wait3A_117] : memref<32x5x50x80xi32, #tpu.memory_space<hbm>> -> memref<1x5x50x80xi32, #tpu.memory_space<hbm>>
        %dma_wait3A_119 = tpu.memref_squeeze %dma_wait3A_118 : memref<1x5x50x80xi32, #tpu.memory_space<hbm>> -> memref<5x50x80xi32, #tpu.memory_space<hbm>>
        %dma_wait3A_120 = arith.constant 0 : i32
        %dma_wait3A_121 = arith.constant 0 : i32
        %dma_wait3A_122 = tpu.memref_slice %dma_wait3A_119[%add3A_21, %dma_wait3A_120, %dma_wait3A_121] : memref<5x50x80xi32, #tpu.memory_space<hbm>> -> memref<1x50x80xi32, #tpu.memory_space<hbm>>
        %dma_wait3A_123 = tpu.memref_squeeze %dma_wait3A_122 : memref<1x50x80xi32, #tpu.memory_space<hbm>> -> memref<50x80xi32, #tpu.memory_space<hbm>>
        %dma_wait3A_124 = arith.constant 0 : i32
        %dma_wait3A_125 = arith.constant 0 : i32
        %dma_wait3A_126 = arith.constant 0 : i32
        %dma_wait3A_127 = tpu.memref_slice %arg3[%add3A, %dma_wait3A_124, %dma_wait3A_125, %dma_wait3A_126] : memref<32x5x50x80xi32, #tpu.memory_space<hbm>> -> memref<1x5x50x80xi32, #tpu.memory_space<hbm>>
        %dma_wait3A_128 = tpu.memref_squeeze %dma_wait3A_127 : memref<1x5x50x80xi32, #tpu.memory_space<hbm>> -> memref<5x50x80xi32, #tpu.memory_space<hbm>>
        %dma_wait3A_129 = arith.constant 0 : i32
        %dma_wait3A_130 = arith.constant 0 : i32
        %dma_wait3A_131 = tpu.memref_slice %dma_wait3A_128[%add3A_21, %dma_wait3A_129, %dma_wait3A_130] : memref<5x50x80xi32, #tpu.memory_space<hbm>> -> memref<1x50x80xi32, #tpu.memory_space<hbm>>
        %dma_wait3A_132 = tpu.memref_squeeze %dma_wait3A_131 : memref<1x50x80xi32, #tpu.memory_space<hbm>> -> memref<50x80xi32, #tpu.memory_space<hbm>>
        tpu.wait_dma2 semaphore(%run_scoped3A : memref<!tpu.dma_semaphore, #tpu.memory_space<semaphore_mem>>) src(%dma_wait3A_132 : memref<50x80xi32, #tpu.memory_space<hbm>>) dst(%arg6 : memref<50x80xi32, #tpu.memory_space<vmem>>)
        tpu.yield
      }) : () -> ()
      %dma_start3A = arith.constant 0 : i32
      %dma_start3A_22 = arith.constant 0 : i32
      %dma_start3A_23 = arith.constant 0 : i32
      %dma_start3A_24 = arith.constant 0 : i32
      %dma_start3A_25 = tpu.memref_slice %arg7[%dma_start3A_22, %dma_start3A_23, %dma_start3A_24] : memref<3x80x128xf32, #tpu.memory_space<vmem>> -> memref<1x80x128xf32, #tpu.memory_space<vmem>>
      %dma_start3A_26 = tpu.memref_squeeze %dma_start3A_25 : memref<1x80x128xf32, #tpu.memory_space<vmem>> -> memref<80x128xf32, #tpu.memory_space<vmem>>
      %dma_start3A_27 = arith.constant 0 : i32
      %dma_start3A_28 = tpu.memref_slice %arg6[%dma_start3A, %dma_start3A_27] : memref<50x80xi32, #tpu.memory_space<vmem>> -> memref<1x80xi32, #tpu.memory_space<vmem>>
      %dma_start3A_29 = tpu.memref_squeeze %dma_start3A_28 : memref<1x80xi32, #tpu.memory_space<vmem>> -> memref<80xi32, #tpu.memory_space<vmem>>
      %dma_start3A_30 = arith.constant 0 : i32
      %dma_start3A_31 = arith.constant 0 : i32
      %dma_start3A_32 = tpu.memref_slice %arg2[%dma_start3A_30, %dma_start3A_31] : memref<10000x128xf32, #tpu.memory_space<hbm>> -> memref<10000x128xf32, #tpu.memory_space<hbm>>
      tpu.enqueue_indirect_dma source(%dma_start3A_32 : memref<10000x128xf32, #tpu.memory_space<hbm>>) target(%dma_start3A_26 : memref<80x128xf32, #tpu.memory_space<vmem>>) offsets(%dma_start3A_29 : memref<80xi32, #tpu.memory_space<vmem>>) semaphore(%arg9 : memref<!tpu.dma_semaphore, #tpu.memory_space<semaphore_mem>>)
      %dma_start3A_33 = arith.constant 1 : i32
      %dma_start3A_34 = arith.constant 1 : i32
      %dma_start3A_35 = arith.constant 0 : i32
      %dma_start3A_36 = arith.constant 0 : i32
      %dma_start3A_37 = tpu.memref_slice %arg7[%dma_start3A_34, %dma_start3A_35, %dma_start3A_36] : memref<3x80x128xf32, #tpu.memory_space<vmem>> -> memref<1x80x128xf32, #tpu.memory_space<vmem>>
      %dma_start3A_38 = tpu.memref_squeeze %dma_start3A_37 : memref<1x80x128xf32, #tpu.memory_space<vmem>> -> memref<80x128xf32, #tpu.memory_space<vmem>>
      %dma_start3A_39 = arith.constant 0 : i32
      %dma_start3A_40 = tpu.memref_slice %arg6[%dma_start3A_33, %dma_start3A_39] : memref<50x80xi32, #tpu.memory_space<vmem>> -> memref<1x80xi32, #tpu.memory_space<vmem>>
      %dma_start3A_41 = tpu.memref_squeeze %dma_start3A_40 : memref<1x80xi32, #tpu.memory_space<vmem>> -> memref<80xi32, #tpu.memory_space<vmem>>
      %dma_start3A_42 = arith.constant 0 : i32
      %dma_start3A_43 = arith.constant 0 : i32
      %dma_start3A_44 = tpu.memref_slice %arg2[%dma_start3A_42, %dma_start3A_43] : memref<10000x128xf32, #tpu.memory_space<hbm>> -> memref<10000x128xf32, #tpu.memory_space<hbm>>
      tpu.enqueue_indirect_dma source(%dma_start3A_44 : memref<10000x128xf32, #tpu.memory_space<hbm>>) target(%dma_start3A_38 : memref<80x128xf32, #tpu.memory_space<vmem>>) offsets(%dma_start3A_41 : memref<80xi32, #tpu.memory_space<vmem>>) semaphore(%arg10 : memref<!tpu.dma_semaphore, #tpu.memory_space<semaphore_mem>>)
      %dma_start3A_45 = arith.constant 2 : i32
      %dma_start3A_46 = arith.constant 2 : i32
      %dma_start3A_47 = arith.constant 0 : i32
      %dma_start3A_48 = arith.constant 0 : i32
      %dma_start3A_49 = tpu.memref_slice %arg7[%dma_start3A_46, %dma_start3A_47, %dma_start3A_48] : memref<3x80x128xf32, #tpu.memory_space<vmem>> -> memref<1x80x128xf32, #tpu.memory_space<vmem>>
      %dma_start3A_50 = tpu.memref_squeeze %dma_start3A_49 : memref<1x80x128xf32, #tpu.memory_space<vmem>> -> memref<80x128xf32, #tpu.memory_space<vmem>>
      %dma_start3A_51 = arith.constant 0 : i32
      %dma_start3A_52 = tpu.memref_slice %arg6[%dma_start3A_45, %dma_start3A_51] : memref<50x80xi32, #tpu.memory_space<vmem>> -> memref<1x80xi32, #tpu.memory_space<vmem>>
      %dma_start3A_53 = tpu.memref_squeeze %dma_start3A_52 : memref<1x80xi32, #tpu.memory_space<vmem>> -> memref<80xi32, #tpu.memory_space<vmem>>
      %dma_start3A_54 = arith.constant 0 : i32
      %dma_start3A_55 = arith.constant 0 : i32
      %dma_start3A_56 = tpu.memref_slice %arg2[%dma_start3A_54, %dma_start3A_55] : memref<10000x128xf32, #tpu.memory_space<hbm>> -> memref<10000x128xf32, #tpu.memory_space<hbm>>
      tpu.enqueue_indirect_dma source(%dma_start3A_56 : memref<10000x128xf32, #tpu.memory_space<hbm>>) target(%dma_start3A_50 : memref<80x128xf32, #tpu.memory_space<vmem>>) offsets(%dma_start3A_53 : memref<80xi32, #tpu.memory_space<vmem>>) semaphore(%arg11 : memref<!tpu.dma_semaphore, #tpu.memory_space<semaphore_mem>>)
      %scan3A_57 = arith.constant 0 : i32
      %scan3A_58 = arith.constant 9 : i32
      %scan3A_59 = arith.addi %scan3A_57, %scan3A_58 : i32
      %scan3A_60 = arith.constant 1 : i32
      scf.for %scan3A_97 = %scan3A_57 to %scan3A_59 step %scan3A_60  : i32 {
        %mul3A_98 = arith.constant 3 : i32
        %mul3A_99 = arith.muli %scan3A_97, %mul3A_98 : i32
        %add3A_100 = arith.constant 0 : i32
        %add3A_101 = arith.addi %add3A_100, %mul3A_99 : i32
        %add3A_102 = arith.constant 0 : i32
        %add3A_103 = arith.addi %add3A_101, %add3A_102 : i32
        %lt3A = arith.constant 25 : i32
        %lt3A_104 = arith.cmpi slt, %add3A_103, %lt3A : i32
        %convert_element_type3A_105 = arith.extui %lt3A_104 : i1 to i32
        %cond3A_106 = arith.constant 0 : i32
        %cond3A_107 = arith.cmpi ne, %convert_element_type3A_105, %cond3A_106 : i32
        scf.if %cond3A_107 {
          %dma_wait3A_150 = arith.constant 0 : i32
          %dma_wait3A_151 = arith.constant 0 : i32
          %dma_wait3A_152 = arith.constant 0 : i32
          %dma_wait3A_153 = arith.constant 0 : i32
          %dma_wait3A_154 = tpu.memref_slice %arg7[%dma_wait3A_151, %dma_wait3A_152, %dma_wait3A_153] : memref<3x80x128xf32, #tpu.memory_space<vmem>> -> memref<1x80x128xf32, #tpu.memory_space<vmem>>
          %dma_wait3A_155 = tpu.memref_squeeze %dma_wait3A_154 : memref<1x80x128xf32, #tpu.memory_space<vmem>> -> memref<80x128xf32, #tpu.memory_space<vmem>>
          %dma_wait3A_156 = arith.constant 0 : i32
          %dma_wait3A_157 = tpu.memref_slice %arg6[%dma_wait3A_150, %dma_wait3A_156] : memref<50x80xi32, #tpu.memory_space<vmem>> -> memref<1x80xi32, #tpu.memory_space<vmem>>
          %dma_wait3A_158 = tpu.memref_squeeze %dma_wait3A_157 : memref<1x80xi32, #tpu.memory_space<vmem>> -> memref<80xi32, #tpu.memory_space<vmem>>
          %dma_wait3A_159 = arith.constant 0 : i32
          %dma_wait3A_160 = arith.constant 0 : i32
          %dma_wait3A_161 = tpu.memref_slice %arg2[%dma_wait3A_159, %dma_wait3A_160] : memref<10000x128xf32, #tpu.memory_space<hbm>> -> memref<10000x128xf32, #tpu.memory_space<hbm>>
          tpu.wait_indirect_dma semaphore(%arg9 : memref<!tpu.dma_semaphore, #tpu.memory_space<semaphore_mem>>) src(%dma_wait3A_161 : memref<10000x128xf32, #tpu.memory_space<hbm>>) dst(%dma_wait3A_155 : memref<80x128xf32, #tpu.memory_space<vmem>>)
          %add3A_162 = arith.constant 25 : i32
          %add3A_163 = arith.addi %add3A_162, %add3A_103 : i32
          %dma_start3A_164 = arith.constant 0 : i32
          %dma_start3A_165 = arith.constant 0 : i32
          %dma_start3A_166 = arith.constant 0 : i32
          %dma_start3A_167 = tpu.memref_slice %arg7[%dma_start3A_164, %dma_start3A_165, %dma_start3A_166] : memref<3x80x128xf32, #tpu.memory_space<vmem>> -> memref<1x80x128xf32, #tpu.memory_space<vmem>>
          %dma_start3A_168 = tpu.memref_squeeze %dma_start3A_167 : memref<1x80x128xf32, #tpu.memory_space<vmem>> -> memref<80x128xf32, #tpu.memory_space<vmem>>
          %dma_start3A_169 = arith.constant 0 : i32
          %dma_start3A_170 = tpu.memref_slice %arg6[%add3A_163, %dma_start3A_169] : memref<50x80xi32, #tpu.memory_space<vmem>> -> memref<1x80xi32, #tpu.memory_space<vmem>>
          %dma_start3A_171 = tpu.memref_squeeze %dma_start3A_170 : memref<1x80xi32, #tpu.memory_space<vmem>> -> memref<80xi32, #tpu.memory_space<vmem>>
          %dma_start3A_172 = arith.constant 0 : i32
          %dma_start3A_173 = arith.constant 0 : i32
          %dma_start3A_174 = tpu.memref_slice %arg8[%dma_start3A_172, %dma_start3A_173] : memref<10000x128xf32, #tpu.memory_space<vmem_shared>> -> memref<10000x128xf32, #tpu.memory_space<vmem_shared>>
          tpu.enqueue_indirect_dma source(%dma_start3A_168 : memref<80x128xf32, #tpu.memory_space<vmem>>) target(%dma_start3A_174 : memref<10000x128xf32, #tpu.memory_space<vmem_shared>>) offsets(%dma_start3A_171 : memref<80xi32, #tpu.memory_space<vmem>>) semaphore(%arg12 : memref<!tpu.dma_semaphore, #tpu.memory_space<semaphore_mem>>) {add = true}
        } else {
        }
        %ge3A = arith.constant 2 : i32
        %ge3A_108 = arith.cmpi sge, %add3A_103, %ge3A : i32
        %add3A_109 = arith.constant 1 : i32
        %add3A_110 = arith.addi %add3A_103, %add3A_109 : i32
        %lt3A_111 = arith.constant 25 : i32
        %lt3A_112 = arith.cmpi slt, %add3A_110, %lt3A_111 : i32
        %and3A = arith.andi %ge3A_108, %lt3A_112 : i1
        %convert_element_type3A_113 = arith.extui %and3A : i1 to i32
        %cond3A_114 = arith.constant 0 : i32
        %cond3A_115 = arith.cmpi ne, %convert_element_type3A_113, %cond3A_114 : i32
        scf.if %cond3A_115 {
          %dma_wait3A_150 = arith.constant 1 : i32
          %dma_wait3A_151 = arith.constant 25 : i32
          %dma_wait3A_152 = arith.constant 0 : i32
          %dma_wait3A_153 = arith.constant 0 : i32
          %dma_wait3A_154 = tpu.memref_slice %arg7[%dma_wait3A_150, %dma_wait3A_152, %dma_wait3A_153] : memref<3x80x128xf32, #tpu.memory_space<vmem>> -> memref<1x80x128xf32, #tpu.memory_space<vmem>>
          %dma_wait3A_155 = tpu.memref_squeeze %dma_wait3A_154 : memref<1x80x128xf32, #tpu.memory_space<vmem>> -> memref<80x128xf32, #tpu.memory_space<vmem>>
          %dma_wait3A_156 = arith.constant 0 : i32
          %dma_wait3A_157 = tpu.memref_slice %arg6[%dma_wait3A_151, %dma_wait3A_156] : memref<50x80xi32, #tpu.memory_space<vmem>> -> memref<1x80xi32, #tpu.memory_space<vmem>>
          %dma_wait3A_158 = tpu.memref_squeeze %dma_wait3A_157 : memref<1x80xi32, #tpu.memory_space<vmem>> -> memref<80xi32, #tpu.memory_space<vmem>>
          %dma_wait3A_159 = arith.constant 0 : i32
          %dma_wait3A_160 = arith.constant 0 : i32
          %dma_wait3A_161 = tpu.memref_slice %arg8[%dma_wait3A_159, %dma_wait3A_160] : memref<10000x128xf32, #tpu.memory_space<vmem_shared>> -> memref<10000x128xf32, #tpu.memory_space<vmem_shared>>
          tpu.wait_indirect_dma semaphore(%arg13 : memref<!tpu.dma_semaphore, #tpu.memory_space<semaphore_mem>>) src(%dma_wait3A_155 : memref<80x128xf32, #tpu.memory_space<vmem>>) dst(%dma_wait3A_161 : memref<10000x128xf32, #tpu.memory_space<vmem_shared>>)
          %add3A_162 = arith.constant 1 : i32
          %add3A_163 = arith.addi %add3A_103, %add3A_162 : i32
          %dma_start3A_164 = arith.constant 1 : i32
          %dma_start3A_165 = arith.constant 0 : i32
          %dma_start3A_166 = arith.constant 0 : i32
          %dma_start3A_167 = tpu.memref_slice %arg7[%dma_start3A_164, %dma_start3A_165, %dma_start3A_166] : memref<3x80x128xf32, #tpu.memory_space<vmem>> -> memref<1x80x128xf32, #tpu.memory_space<vmem>>
          %dma_start3A_168 = tpu.memref_squeeze %dma_start3A_167 : memref<1x80x128xf32, #tpu.memory_space<vmem>> -> memref<80x128xf32, #tpu.memory_space<vmem>>
          %dma_start3A_169 = arith.constant 0 : i32
          %dma_start3A_170 = tpu.memref_slice %arg6[%add3A_163, %dma_start3A_169] : memref<50x80xi32, #tpu.memory_space<vmem>> -> memref<1x80xi32, #tpu.memory_space<vmem>>
          %dma_start3A_171 = tpu.memref_squeeze %dma_start3A_170 : memref<1x80xi32, #tpu.memory_space<vmem>> -> memref<80xi32, #tpu.memory_space<vmem>>
          %dma_start3A_172 = arith.constant 0 : i32
          %dma_start3A_173 = arith.constant 0 : i32
          %dma_start3A_174 = tpu.memref_slice %arg2[%dma_start3A_172, %dma_start3A_173] : memref<10000x128xf32, #tpu.memory_space<hbm>> -> memref<10000x128xf32, #tpu.memory_space<hbm>>
          tpu.enqueue_indirect_dma source(%dma_start3A_174 : memref<10000x128xf32, #tpu.memory_space<hbm>>) target(%dma_start3A_168 : memref<80x128xf32, #tpu.memory_space<vmem>>) offsets(%dma_start3A_171 : memref<80xi32, #tpu.memory_space<vmem>>) semaphore(%arg10 : memref<!tpu.dma_semaphore, #tpu.memory_space<semaphore_mem>>)
        } else {
        }
        %add3A_116 = arith.constant 1 : i32
        %add3A_117 = arith.addi %add3A_101, %add3A_116 : i32
        %lt3A_118 = arith.constant 25 : i32
        %lt3A_119 = arith.cmpi slt, %add3A_117, %lt3A_118 : i32
        %convert_element_type3A_120 = arith.extui %lt3A_119 : i1 to i32
        %cond3A_121 = arith.constant 0 : i32
        %cond3A_122 = arith.cmpi ne, %convert_element_type3A_120, %cond3A_121 : i32
        scf.if %cond3A_122 {
          %dma_wait3A_150 = arith.constant 0 : i32
          %dma_wait3A_151 = arith.constant 1 : i32
          %dma_wait3A_152 = arith.constant 0 : i32
          %dma_wait3A_153 = arith.constant 0 : i32
          %dma_wait3A_154 = tpu.memref_slice %arg7[%dma_wait3A_151, %dma_wait3A_152, %dma_wait3A_153] : memref<3x80x128xf32, #tpu.memory_space<vmem>> -> memref<1x80x128xf32, #tpu.memory_space<vmem>>
          %dma_wait3A_155 = tpu.memref_squeeze %dma_wait3A_154 : memref<1x80x128xf32, #tpu.memory_space<vmem>> -> memref<80x128xf32, #tpu.memory_space<vmem>>
          %dma_wait3A_156 = arith.constant 0 : i32
          %dma_wait3A_157 = tpu.memref_slice %arg6[%dma_wait3A_150, %dma_wait3A_156] : memref<50x80xi32, #tpu.memory_space<vmem>> -> memref<1x80xi32, #tpu.memory_space<vmem>>
          %dma_wait3A_158 = tpu.memref_squeeze %dma_wait3A_157 : memref<1x80xi32, #tpu.memory_space<vmem>> -> memref<80xi32, #tpu.memory_space<vmem>>
          %dma_wait3A_159 = arith.constant 0 : i32
          %dma_wait3A_160 = arith.constant 0 : i32
          %dma_wait3A_161 = tpu.memref_slice %arg2[%dma_wait3A_159, %dma_wait3A_160] : memref<10000x128xf32, #tpu.memory_space<hbm>> -> memref<10000x128xf32, #tpu.memory_space<hbm>>
          tpu.wait_indirect_dma semaphore(%arg10 : memref<!tpu.dma_semaphore, #tpu.memory_space<semaphore_mem>>) src(%dma_wait3A_161 : memref<10000x128xf32, #tpu.memory_space<hbm>>) dst(%dma_wait3A_155 : memref<80x128xf32, #tpu.memory_space<vmem>>)
          %add3A_162 = arith.constant 25 : i32
          %add3A_163 = arith.addi %add3A_162, %add3A_117 : i32
          %dma_start3A_164 = arith.constant 1 : i32
          %dma_start3A_165 = arith.constant 0 : i32
          %dma_start3A_166 = arith.constant 0 : i32
          %dma_start3A_167 = tpu.memref_slice %arg7[%dma_start3A_164, %dma_start3A_165, %dma_start3A_166] : memref<3x80x128xf32, #tpu.memory_space<vmem>> -> memref<1x80x128xf32, #tpu.memory_space<vmem>>
          %dma_start3A_168 = tpu.memref_squeeze %dma_start3A_167 : memref<1x80x128xf32, #tpu.memory_space<vmem>> -> memref<80x128xf32, #tpu.memory_space<vmem>>
          %dma_start3A_169 = arith.constant 0 : i32
          %dma_start3A_170 = tpu.memref_slice %arg6[%add3A_163, %dma_start3A_169] : memref<50x80xi32, #tpu.memory_space<vmem>> -> memref<1x80xi32, #tpu.memory_space<vmem>>
          %dma_start3A_171 = tpu.memref_squeeze %dma_start3A_170 : memref<1x80xi32, #tpu.memory_space<vmem>> -> memref<80xi32, #tpu.memory_space<vmem>>
          %dma_start3A_172 = arith.constant 0 : i32
          %dma_start3A_173 = arith.constant 0 : i32
          %dma_start3A_174 = tpu.memref_slice %arg8[%dma_start3A_172, %dma_start3A_173] : memref<10000x128xf32, #tpu.memory_space<vmem_shared>> -> memref<10000x128xf32, #tpu.memory_space<vmem_shared>>
          tpu.enqueue_indirect_dma source(%dma_start3A_168 : memref<80x128xf32, #tpu.memory_space<vmem>>) target(%dma_start3A_174 : memref<10000x128xf32, #tpu.memory_space<vmem_shared>>) offsets(%dma_start3A_171 : memref<80xi32, #tpu.memory_space<vmem>>) semaphore(%arg13 : memref<!tpu.dma_semaphore, #tpu.memory_space<semaphore_mem>>) {add = true}
        } else {
        }
        %ge3A_123 = arith.constant 2 : i32
        %ge3A_124 = arith.cmpi sge, %add3A_117, %ge3A_123 : i32
        %add3A_125 = arith.constant 1 : i32
        %add3A_126 = arith.addi %add3A_117, %add3A_125 : i32
        %lt3A_127 = arith.constant 25 : i32
        %lt3A_128 = arith.cmpi slt, %add3A_126, %lt3A_127 : i32
        %and3A_129 = arith.andi %ge3A_124, %lt3A_128 : i1
        %convert_element_type3A_130 = arith.extui %and3A_129 : i1 to i32
        %cond3A_131 = arith.constant 0 : i32
        %cond3A_132 = arith.cmpi ne, %convert_element_type3A_130, %cond3A_131 : i32
        scf.if %cond3A_132 {
          %dma_wait3A_150 = arith.constant 2 : i32
          %dma_wait3A_151 = arith.constant 25 : i32
          %dma_wait3A_152 = arith.constant 0 : i32
          %dma_wait3A_153 = arith.constant 0 : i32
          %dma_wait3A_154 = tpu.memref_slice %arg7[%dma_wait3A_150, %dma_wait3A_152, %dma_wait3A_153] : memref<3x80x128xf32, #tpu.memory_space<vmem>> -> memref<1x80x128xf32, #tpu.memory_space<vmem>>
          %dma_wait3A_155 = tpu.memref_squeeze %dma_wait3A_154 : memref<1x80x128xf32, #tpu.memory_space<vmem>> -> memref<80x128xf32, #tpu.memory_space<vmem>>
          %dma_wait3A_156 = arith.constant 0 : i32
          %dma_wait3A_157 = tpu.memref_slice %arg6[%dma_wait3A_151, %dma_wait3A_156] : memref<50x80xi32, #tpu.memory_space<vmem>> -> memref<1x80xi32, #tpu.memory_space<vmem>>
          %dma_wait3A_158 = tpu.memref_squeeze %dma_wait3A_157 : memref<1x80xi32, #tpu.memory_space<vmem>> -> memref<80xi32, #tpu.memory_space<vmem>>
          %dma_wait3A_159 = arith.constant 0 : i32
          %dma_wait3A_160 = arith.constant 0 : i32
          %dma_wait3A_161 = tpu.memref_slice %arg8[%dma_wait3A_159, %dma_wait3A_160] : memref<10000x128xf32, #tpu.memory_space<vmem_shared>> -> memref<10000x128xf32, #tpu.memory_space<vmem_shared>>
          tpu.wait_indirect_dma semaphore(%arg14 : memref<!tpu.dma_semaphore, #tpu.memory_space<semaphore_mem>>) src(%dma_wait3A_155 : memref<80x128xf32, #tpu.memory_space<vmem>>) dst(%dma_wait3A_161 : memref<10000x128xf32, #tpu.memory_space<vmem_shared>>)
          %add3A_162 = arith.constant 1 : i32
          %add3A_163 = arith.addi %add3A_117, %add3A_162 : i32
          %dma_start3A_164 = arith.constant 2 : i32
          %dma_start3A_165 = arith.constant 0 : i32
          %dma_start3A_166 = arith.constant 0 : i32
          %dma_start3A_167 = tpu.memref_slice %arg7[%dma_start3A_164, %dma_start3A_165, %dma_start3A_166] : memref<3x80x128xf32, #tpu.memory_space<vmem>> -> memref<1x80x128xf32, #tpu.memory_space<vmem>>
          %dma_start3A_168 = tpu.memref_squeeze %dma_start3A_167 : memref<1x80x128xf32, #tpu.memory_space<vmem>> -> memref<80x128xf32, #tpu.memory_space<vmem>>
          %dma_start3A_169 = arith.constant 0 : i32
          %dma_start3A_170 = tpu.memref_slice %arg6[%add3A_163, %dma_start3A_169] : memref<50x80xi32, #tpu.memory_space<vmem>> -> memref<1x80xi32, #tpu.memory_space<vmem>>
          %dma_start3A_171 = tpu.memref_squeeze %dma_start3A_170 : memref<1x80xi32, #tpu.memory_space<vmem>> -> memref<80xi32, #tpu.memory_space<vmem>>
          %dma_start3A_172 = arith.constant 0 : i32
          %dma_start3A_173 = arith.constant 0 : i32
          %dma_start3A_174 = tpu.memref_slice %arg2[%dma_start3A_172, %dma_start3A_173] : memref<10000x128xf32, #tpu.memory_space<hbm>> -> memref<10000x128xf32, #tpu.memory_space<hbm>>
          tpu.enqueue_indirect_dma source(%dma_start3A_174 : memref<10000x128xf32, #tpu.memory_space<hbm>>) target(%dma_start3A_168 : memref<80x128xf32, #tpu.memory_space<vmem>>) offsets(%dma_start3A_171 : memref<80xi32, #tpu.memory_space<vmem>>) semaphore(%arg11 : memref<!tpu.dma_semaphore, #tpu.memory_space<semaphore_mem>>)
        } else {
        }
        %add3A_133 = arith.constant 2 : i32
        %add3A_134 = arith.addi %add3A_101, %add3A_133 : i32
        %lt3A_135 = arith.constant 25 : i32
        %lt3A_136 = arith.cmpi slt, %add3A_134, %lt3A_135 : i32
        %convert_element_type3A_137 = arith.extui %lt3A_136 : i1 to i32
        %cond3A_138 = arith.constant 0 : i32
        %cond3A_139 = arith.cmpi ne, %convert_element_type3A_137, %cond3A_138 : i32
        scf.if %cond3A_139 {
          %dma_wait3A_150 = arith.constant 0 : i32
          %dma_wait3A_151 = arith.constant 2 : i32
          %dma_wait3A_152 = arith.constant 0 : i32
          %dma_wait3A_153 = arith.constant 0 : i32
          %dma_wait3A_154 = tpu.memref_slice %arg7[%dma_wait3A_151, %dma_wait3A_152, %dma_wait3A_153] : memref<3x80x128xf32, #tpu.memory_space<vmem>> -> memref<1x80x128xf32, #tpu.memory_space<vmem>>
          %dma_wait3A_155 = tpu.memref_squeeze %dma_wait3A_154 : memref<1x80x128xf32, #tpu.memory_space<vmem>> -> memref<80x128xf32, #tpu.memory_space<vmem>>
          %dma_wait3A_156 = arith.constant 0 : i32
          %dma_wait3A_157 = tpu.memref_slice %arg6[%dma_wait3A_150, %dma_wait3A_156] : memref<50x80xi32, #tpu.memory_space<vmem>> -> memref<1x80xi32, #tpu.memory_space<vmem>>
          %dma_wait3A_158 = tpu.memref_squeeze %dma_wait3A_157 : memref<1x80xi32, #tpu.memory_space<vmem>> -> memref<80xi32, #tpu.memory_space<vmem>>
          %dma_wait3A_159 = arith.constant 0 : i32
          %dma_wait3A_160 = arith.constant 0 : i32
          %dma_wait3A_161 = tpu.memref_slice %arg2[%dma_wait3A_159, %dma_wait3A_160] : memref<10000x128xf32, #tpu.memory_space<hbm>> -> memref<10000x128xf32, #tpu.memory_space<hbm>>
          tpu.wait_indirect_dma semaphore(%arg11 : memref<!tpu.dma_semaphore, #tpu.memory_space<semaphore_mem>>) src(%dma_wait3A_161 : memref<10000x128xf32, #tpu.memory_space<hbm>>) dst(%dma_wait3A_155 : memref<80x128xf32, #tpu.memory_space<vmem>>)
          %add3A_162 = arith.constant 25 : i32
          %add3A_163 = arith.addi %add3A_162, %add3A_134 : i32
          %dma_start3A_164 = arith.constant 2 : i32
          %dma_start3A_165 = arith.constant 0 : i32
          %dma_start3A_166 = arith.constant 0 : i32
          %dma_start3A_167 = tpu.memref_slice %arg7[%dma_start3A_164, %dma_start3A_165, %dma_start3A_166] : memref<3x80x128xf32, #tpu.memory_space<vmem>> -> memref<1x80x128xf32, #tpu.memory_space<vmem>>
          %dma_start3A_168 = tpu.memref_squeeze %dma_start3A_167 : memref<1x80x128xf32, #tpu.memory_space<vmem>> -> memref<80x128xf32, #tpu.memory_space<vmem>>
          %dma_start3A_169 = arith.constant 0 : i32
          %dma_start3A_170 = tpu.memref_slice %arg6[%add3A_163, %dma_start3A_169] : memref<50x80xi32, #tpu.memory_space<vmem>> -> memref<1x80xi32, #tpu.memory_space<vmem>>
          %dma_start3A_171 = tpu.memref_squeeze %dma_start3A_170 : memref<1x80xi32, #tpu.memory_space<vmem>> -> memref<80xi32, #tpu.memory_space<vmem>>
          %dma_start3A_172 = arith.constant 0 : i32
          %dma_start3A_173 = arith.constant 0 : i32
          %dma_start3A_174 = tpu.memref_slice %arg8[%dma_start3A_172, %dma_start3A_173] : memref<10000x128xf32, #tpu.memory_space<vmem_shared>> -> memref<10000x128xf32, #tpu.memory_space<vmem_shared>>
          tpu.enqueue_indirect_dma source(%dma_start3A_168 : memref<80x128xf32, #tpu.memory_space<vmem>>) target(%dma_start3A_174 : memref<10000x128xf32, #tpu.memory_space<vmem_shared>>) offsets(%dma_start3A_171 : memref<80xi32, #tpu.memory_space<vmem>>) semaphore(%arg14 : memref<!tpu.dma_semaphore, #tpu.memory_space<semaphore_mem>>) {add = true}
        } else {
        }
        %ge3A_140 = arith.constant 2 : i32
        %ge3A_141 = arith.cmpi sge, %add3A_134, %ge3A_140 : i32
        %add3A_142 = arith.constant 1 : i32
        %add3A_143 = arith.addi %add3A_134, %add3A_142 : i32
        %lt3A_144 = arith.constant 25 : i32
        %lt3A_145 = arith.cmpi slt, %add3A_143, %lt3A_144 : i32
        %and3A_146 = arith.andi %ge3A_141, %lt3A_145 : i1
        %convert_element_type3A_147 = arith.extui %and3A_146 : i1 to i32
        %cond3A_148 = arith.constant 0 : i32
        %cond3A_149 = arith.cmpi ne, %convert_element_type3A_147, %cond3A_148 : i32
        scf.if %cond3A_149 {
          %dma_wait3A_150 = arith.constant 0 : i32
          %dma_wait3A_151 = arith.constant 25 : i32
          %dma_wait3A_152 = arith.constant 0 : i32
          %dma_wait3A_153 = arith.constant 0 : i32
          %dma_wait3A_154 = tpu.memref_slice %arg7[%dma_wait3A_150, %dma_wait3A_152, %dma_wait3A_153] : memref<3x80x128xf32, #tpu.memory_space<vmem>> -> memref<1x80x128xf32, #tpu.memory_space<vmem>>
          %dma_wait3A_155 = tpu.memref_squeeze %dma_wait3A_154 : memref<1x80x128xf32, #tpu.memory_space<vmem>> -> memref<80x128xf32, #tpu.memory_space<vmem>>
          %dma_wait3A_156 = arith.constant 0 : i32
          %dma_wait3A_157 = tpu.memref_slice %arg6[%dma_wait3A_151, %dma_wait3A_156] : memref<50x80xi32, #tpu.memory_space<vmem>> -> memref<1x80xi32, #tpu.memory_space<vmem>>
          %dma_wait3A_158 = tpu.memref_squeeze %dma_wait3A_157 : memref<1x80xi32, #tpu.memory_space<vmem>> -> memref<80xi32, #tpu.memory_space<vmem>>
          %dma_wait3A_159 = arith.constant 0 : i32
          %dma_wait3A_160 = arith.constant 0 : i32
          %dma_wait3A_161 = tpu.memref_slice %arg8[%dma_wait3A_159, %dma_wait3A_160] : memref<10000x128xf32, #tpu.memory_space<vmem_shared>> -> memref<10000x128xf32, #tpu.memory_space<vmem_shared>>
          tpu.wait_indirect_dma semaphore(%arg12 : memref<!tpu.dma_semaphore, #tpu.memory_space<semaphore_mem>>) src(%dma_wait3A_155 : memref<80x128xf32, #tpu.memory_space<vmem>>) dst(%dma_wait3A_161 : memref<10000x128xf32, #tpu.memory_space<vmem_shared>>)
          %add3A_162 = arith.constant 1 : i32
          %add3A_163 = arith.addi %add3A_134, %add3A_162 : i32
          %dma_start3A_164 = arith.constant 0 : i32
          %dma_start3A_165 = arith.constant 0 : i32
          %dma_start3A_166 = arith.constant 0 : i32
          %dma_start3A_167 = tpu.memref_slice %arg7[%dma_start3A_164, %dma_start3A_165, %dma_start3A_166] : memref<3x80x128xf32, #tpu.memory_space<vmem>> -> memref<1x80x128xf32, #tpu.memory_space<vmem>>
          %dma_start3A_168 = tpu.memref_squeeze %dma_start3A_167 : memref<1x80x128xf32, #tpu.memory_space<vmem>> -> memref<80x128xf32, #tpu.memory_space<vmem>>
          %dma_start3A_169 = arith.constant 0 : i32
          %dma_start3A_170 = tpu.memref_slice %arg6[%add3A_163, %dma_start3A_169] : memref<50x80xi32, #tpu.memory_space<vmem>> -> memref<1x80xi32, #tpu.memory_space<vmem>>
          %dma_start3A_171 = tpu.memref_squeeze %dma_start3A_170 : memref<1x80xi32, #tpu.memory_space<vmem>> -> memref<80xi32, #tpu.memory_space<vmem>>
          %dma_start3A_172 = arith.constant 0 : i32
          %dma_start3A_173 = arith.constant 0 : i32
          %dma_start3A_174 = tpu.memref_slice %arg2[%dma_start3A_172, %dma_start3A_173] : memref<10000x128xf32, #tpu.memory_space<hbm>> -> memref<10000x128xf32, #tpu.memory_space<hbm>>
          tpu.enqueue_indirect_dma source(%dma_start3A_174 : memref<10000x128xf32, #tpu.memory_space<hbm>>) target(%dma_start3A_168 : memref<80x128xf32, #tpu.memory_space<vmem>>) offsets(%dma_start3A_171 : memref<80xi32, #tpu.memory_space<vmem>>) semaphore(%arg9 : memref<!tpu.dma_semaphore, #tpu.memory_space<semaphore_mem>>)
        } else {
        }
      }
      %scan3A_61 = arith.constant 9 : i32
      %dma_wait3A = arith.constant 0 : i32
      %dma_wait3A_62 = arith.constant 25 : i32
      %dma_wait3A_63 = arith.constant 0 : i32
      %dma_wait3A_64 = arith.constant 0 : i32
      %dma_wait3A_65 = tpu.memref_slice %arg7[%dma_wait3A, %dma_wait3A_63, %dma_wait3A_64] : memref<3x80x128xf32, #tpu.memory_space<vmem>> -> memref<1x80x128xf32, #tpu.memory_space<vmem>>
      %dma_wait3A_66 = tpu.memref_squeeze %dma_wait3A_65 : memref<1x80x128xf32, #tpu.memory_space<vmem>> -> memref<80x128xf32, #tpu.memory_space<vmem>>
      %dma_wait3A_67 = arith.constant 0 : i32
      %dma_wait3A_68 = tpu.memref_slice %arg6[%dma_wait3A_62, %dma_wait3A_67] : memref<50x80xi32, #tpu.memory_space<vmem>> -> memref<1x80xi32, #tpu.memory_space<vmem>>
      %dma_wait3A_69 = tpu.memref_squeeze %dma_wait3A_68 : memref<1x80xi32, #tpu.memory_space<vmem>> -> memref<80xi32, #tpu.memory_space<vmem>>
      %dma_wait3A_70 = arith.constant 0 : i32
      %dma_wait3A_71 = arith.constant 0 : i32
      %dma_wait3A_72 = tpu.memref_slice %arg8[%dma_wait3A_70, %dma_wait3A_71] : memref<10000x128xf32, #tpu.memory_space<vmem_shared>> -> memref<10000x128xf32, #tpu.memory_space<vmem_shared>>
      tpu.wait_indirect_dma semaphore(%arg12 : memref<!tpu.dma_semaphore, #tpu.memory_space<semaphore_mem>>) src(%dma_wait3A_66 : memref<80x128xf32, #tpu.memory_space<vmem>>) dst(%dma_wait3A_72 : memref<10000x128xf32, #tpu.memory_space<vmem_shared>>)
      %dma_wait3A_73 = arith.constant 1 : i32
      %dma_wait3A_74 = arith.constant 25 : i32
      %dma_wait3A_75 = arith.constant 0 : i32
      %dma_wait3A_76 = arith.constant 0 : i32
      %dma_wait3A_77 = tpu.memref_slice %arg7[%dma_wait3A_73, %dma_wait3A_75, %dma_wait3A_76] : memref<3x80x128xf32, #tpu.memory_space<vmem>> -> memref<1x80x128xf32, #tpu.memory_space<vmem>>
      %dma_wait3A_78 = tpu.memref_squeeze %dma_wait3A_77 : memref<1x80x128xf32, #tpu.memory_space<vmem>> -> memref<80x128xf32, #tpu.memory_space<vmem>>
      %dma_wait3A_79 = arith.constant 0 : i32
      %dma_wait3A_80 = tpu.memref_slice %arg6[%dma_wait3A_74, %dma_wait3A_79] : memref<50x80xi32, #tpu.memory_space<vmem>> -> memref<1x80xi32, #tpu.memory_space<vmem>>
      %dma_wait3A_81 = tpu.memref_squeeze %dma_wait3A_80 : memref<1x80xi32, #tpu.memory_space<vmem>> -> memref<80xi32, #tpu.memory_space<vmem>>
      %dma_wait3A_82 = arith.constant 0 : i32
      %dma_wait3A_83 = arith.constant 0 : i32
      %dma_wait3A_84 = tpu.memref_slice %arg8[%dma_wait3A_82, %dma_wait3A_83] : memref<10000x128xf32, #tpu.memory_space<vmem_shared>> -> memref<10000x128xf32, #tpu.memory_space<vmem_shared>>
      tpu.wait_indirect_dma semaphore(%arg13 : memref<!tpu.dma_semaphore, #tpu.memory_space<semaphore_mem>>) src(%dma_wait3A_78 : memref<80x128xf32, #tpu.memory_space<vmem>>) dst(%dma_wait3A_84 : memref<10000x128xf32, #tpu.memory_space<vmem_shared>>)
      %dma_wait3A_85 = arith.constant 2 : i32
      %dma_wait3A_86 = arith.constant 25 : i32
      %dma_wait3A_87 = arith.constant 0 : i32
      %dma_wait3A_88 = arith.constant 0 : i32
      %dma_wait3A_89 = tpu.memref_slice %arg7[%dma_wait3A_85, %dma_wait3A_87, %dma_wait3A_88] : memref<3x80x128xf32, #tpu.memory_space<vmem>> -> memref<1x80x128xf32, #tpu.memory_space<vmem>>
      %dma_wait3A_90 = tpu.memref_squeeze %dma_wait3A_89 : memref<1x80x128xf32, #tpu.memory_space<vmem>> -> memref<80x128xf32, #tpu.memory_space<vmem>>
      %dma_wait3A_91 = arith.constant 0 : i32
      %dma_wait3A_92 = tpu.memref_slice %arg6[%dma_wait3A_86, %dma_wait3A_91] : memref<50x80xi32, #tpu.memory_space<vmem>> -> memref<1x80xi32, #tpu.memory_space<vmem>>
      %dma_wait3A_93 = tpu.memref_squeeze %dma_wait3A_92 : memref<1x80xi32, #tpu.memory_space<vmem>> -> memref<80xi32, #tpu.memory_space<vmem>>
      %dma_wait3A_94 = arith.constant 0 : i32
      %dma_wait3A_95 = arith.constant 0 : i32
      %dma_wait3A_96 = tpu.memref_slice %arg8[%dma_wait3A_94, %dma_wait3A_95] : memref<10000x128xf32, #tpu.memory_space<vmem_shared>> -> memref<10000x128xf32, #tpu.memory_space<vmem_shared>>
      tpu.wait_indirect_dma semaphore(%arg14 : memref<!tpu.dma_semaphore, #tpu.memory_space<semaphore_mem>>) src(%dma_wait3A_90 : memref<80x128xf32, #tpu.memory_space<vmem>>) dst(%dma_wait3A_96 : memref<10000x128xf32, #tpu.memory_space<vmem_shared>>)
    }
    %scan3A_7 = arith.constant 5 : i32
    %barrier3A_8 = arith.constant 0 : index
    tpu.barrier barrier_id(%barrier3A_8)
    %eq3A_9 = arith.constant 0 : i32
    %eq3A_10 = arith.cmpi eq, %arg0, %eq3A_9 : i32
    %convert_element_type3A = arith.extui %eq3A_10 : i1 to i32
    %cond3A = arith.constant 0 : i32
    %cond3A_11 = arith.cmpi ne, %convert_element_type3A, %cond3A : i32
    scf.if %cond3A_11 {
      "tpu.region"() ({
        %run_scoped3A = tpu.sem_alloc : memref<!tpu.dma_semaphore, #tpu.memory_space<semaphore_mem>>
        %dma_start3A = arith.constant 0 : i32
        %dma_start3A_17 = tpu.memref_slice %arg4[%multiple_of3A, %dma_start3A] : memref<10000x128xf32, #tpu.memory_space<hbm>> -> memref<632x128xf32, #tpu.memory_space<hbm>>
        %dma_start3A_18 = arith.constant 0 : i32
        %dma_start3A_19 = tpu.memref_slice %arg8[%multiple_of3A, %dma_start3A_18] : memref<10000x128xf32, #tpu.memory_space<vmem_shared>> -> memref<632x128xf32, #tpu.memory_space<vmem_shared>>
        tpu.enqueue_dma source(%dma_start3A_19 : memref<632x128xf32, #tpu.memory_space<vmem_shared>>) target(%dma_start3A_17 : memref<632x128xf32, #tpu.memory_space<hbm>>) target_semaphore(%run_scoped3A : memref<!tpu.dma_semaphore, #tpu.memory_space<semaphore_mem>>)
        %dma_wait3A = arith.constant 0 : i32
        %dma_wait3A_20 = tpu.memref_slice %arg4[%multiple_of3A, %dma_wait3A] : memref<10000x128xf32, #tpu.memory_space<hbm>> -> memref<632x128xf32, #tpu.memory_space<hbm>>
        %dma_wait3A_21 = arith.constant 0 : i32
        %dma_wait3A_22 = tpu.memref_slice %arg8[%multiple_of3A, %dma_wait3A_21] : memref<10000x128xf32, #tpu.memory_space<vmem_shared>> -> memref<632x128xf32, #tpu.memory_space<vmem_shared>>
        tpu.wait_dma2 semaphore(%run_scoped3A : memref<!tpu.dma_semaphore, #tpu.memory_space<semaphore_mem>>) src(%dma_wait3A_22 : memref<632x128xf32, #tpu.memory_space<vmem_shared>>) dst(%dma_wait3A_20 : memref<632x128xf32, #tpu.memory_space<hbm>>)
        tpu.yield
      }) : () -> ()
    } else {
    }
    %eq3A_12 = arith.constant 1 : i32
    %eq3A_13 = arith.cmpi eq, %arg0, %eq3A_12 : i32
    %convert_element_type3A_14 = arith.extui %eq3A_13 : i1 to i32
    %cond3A_15 = arith.constant 0 : i32
    %cond3A_16 = arith.cmpi ne, %convert_element_type3A_14, %cond3A_15 : i32
    scf.if %cond3A_16 {
      "tpu.region"() ({
        %run_scoped3A = tpu.sem_alloc : memref<!tpu.dma_semaphore, #tpu.memory_space<semaphore_mem>>
        %dma_start3A = arith.constant 0 : i32
        %dma_start3A_17 = tpu.memref_slice %arg5[%multiple_of3A, %dma_start3A] : memref<10000x128xf32, #tpu.memory_space<hbm>> -> memref<632x128xf32, #tpu.memory_space<hbm>>
        %dma_start3A_18 = arith.constant 0 : i32
        %dma_start3A_19 = tpu.memref_slice %arg8[%multiple_of3A, %dma_start3A_18] : memref<10000x128xf32, #tpu.memory_space<vmem_shared>> -> memref<632x128xf32, #tpu.memory_space<vmem_shared>>
        tpu.enqueue_dma source(%dma_start3A_19 : memref<632x128xf32, #tpu.memory_space<vmem_shared>>) target(%dma_start3A_17 : memref<632x128xf32, #tpu.memory_space<hbm>>) target_semaphore(%run_scoped3A : memref<!tpu.dma_semaphore, #tpu.memory_space<semaphore_mem>>)
        %dma_wait3A = arith.constant 0 : i32
        %dma_wait3A_20 = tpu.memref_slice %arg5[%multiple_of3A, %dma_wait3A] : memref<10000x128xf32, #tpu.memory_space<hbm>> -> memref<632x128xf32, #tpu.memory_space<hbm>>
        %dma_wait3A_21 = arith.constant 0 : i32
        %dma_wait3A_22 = tpu.memref_slice %arg8[%multiple_of3A, %dma_wait3A_21] : memref<10000x128xf32, #tpu.memory_space<vmem_shared>> -> memref<632x128xf32, #tpu.memory_space<vmem_shared>>
        tpu.wait_dma2 semaphore(%run_scoped3A : memref<!tpu.dma_semaphore, #tpu.memory_space<semaphore_mem>>) src(%dma_wait3A_22 : memref<632x128xf32, #tpu.memory_space<vmem_shared>>) dst(%dma_wait3A_20 : memref<632x128xf32, #tpu.memory_space<hbm>>)
        tpu.yield
      }) : () -> ()
    } else {
    }
    return
  }
}

#map = affine_map<(d0, d1) -> (0, 0)>
#map1 = affine_map<(d0, d1) -> (0, 0, 0, 0)>
module attributes {stable_mosaic.version = 14 : i64} {
  func.func @_sc_scatter(%arg0: i32, %arg1: i32, %arg2: memref<10000x128xf32, #tpu.memory_space<hbm>>, %arg3: memref<32x5x50x80xi32, #tpu.memory_space<hbm>>, %arg4: memref<10000x128xf32, #tpu.memory_space<hbm>>, %arg5: memref<10000x128xf32, #tpu.memory_space<hbm>>, %arg6: memref<50x80xi32, #tpu.memory_space<vmem>>, %arg7: memref<3x80x128xf32, #tpu.memory_space<vmem>>, %arg8: memref<10000x128xf32, #tpu.memory_space<vmem_shared>>, %arg9: memref<!tpu.dma_semaphore, #tpu.memory_space<semaphore_mem>>, %arg10: memref<!tpu.dma_semaphore, #tpu.memory_space<semaphore_mem>>, %arg11: memref<!tpu.dma_semaphore, #tpu.memory_space<semaphore_mem>>, %arg12: memref<!tpu.dma_semaphore, #tpu.memory_space<semaphore_mem>>, %arg13: memref<!tpu.dma_semaphore, #tpu.memory_space<semaphore_mem>>, %arg14: memref<!tpu.dma_semaphore, #tpu.memory_space<semaphore_mem>>) attributes {dimension_semantics = [#tpu.dimension_semantics<core_parallel>, #tpu.dimension_semantics<subcore_parallel>], iteration_bounds = array<i64: 2, 16>, scalar_prefetch = 0 : i64, scratch_operands = 9 : i64, tpu.core_type = #tpu.core_type<sc_vector_subcore>, window_params = [{transform_indices = #map}, {transform_indices = #map1}, {transform_indices = #map}, {transform_indices = #map}]} {
    %mul3A = arith.constant 16 : i32
    %mul3A_0 = arith.muli %arg0, %mul3A : i32
    %add3A = arith.addi %mul3A_0, %arg1 : i32
    %eq3A = arith.constant 15 : i32
    %eq3A_1 = arith.cmpi eq, %arg1, %eq3A : i32
    %mul3A_2 = arith.constant 632 : i32
    %mul3A_3 = arith.muli %arg1, %mul3A_2 : i32
    %jit3A = arith.constant 9368 : i32
    %select_n3A = arith.select %eq3A_1, %jit3A, %mul3A_3 : i32
    %multiple_of3A = tpu.assume_multiple %select_n3A, 8 : i32
    "tpu.region"() ({
      %run_scoped3A = tpu.sem_alloc : memref<!tpu.dma_semaphore, #tpu.memory_space<semaphore_mem>>
      %dma_start3A = arith.constant 0 : i32
      %dma_start3A_17 = tpu.memref_slice %arg8[%multiple_of3A, %dma_start3A] : memref<10000x128xf32, #tpu.memory_space<vmem_shared>> -> memref<632x128xf32, #tpu.memory_space<vmem_shared>>
      %dma_start3A_18 = arith.constant 0 : i32
      %dma_start3A_19 = tpu.memref_slice %arg2[%multiple_of3A, %dma_start3A_18] : memref<10000x128xf32, #tpu.memory_space<hbm>> -> memref<632x128xf32, #tpu.memory_space<hbm>>
      tpu.enqueue_dma source(%dma_start3A_19 : memref<632x128xf32, #tpu.memory_space<hbm>>) target(%dma_start3A_17 : memref<632x128xf32, #tpu.memory_space<vmem_shared>>) target_semaphore(%run_scoped3A : memref<!tpu.dma_semaphore, #tpu.memory_space<semaphore_mem>>)
      %dma_wait3A = arith.constant 0 : i32
      %dma_wait3A_20 = tpu.memref_slice %arg8[%multiple_of3A, %dma_wait3A] : memref<10000x128xf32, #tpu.memory_space<vmem_shared>> -> memref<632x128xf32, #tpu.memory_space<vmem_shared>>
      %dma_wait3A_21 = arith.constant 0 : i32
      %dma_wait3A_22 = tpu.memref_slice %arg2[%multiple_of3A, %dma_wait3A_21] : memref<10000x128xf32, #tpu.memory_space<hbm>> -> memref<632x128xf32, #tpu.memory_space<hbm>>
      tpu.wait_dma2 semaphore(%run_scoped3A : memref<!tpu.dma_semaphore, #tpu.memory_space<semaphore_mem>>) src(%dma_wait3A_22 : memref<632x128xf32, #tpu.memory_space<hbm>>) dst(%dma_wait3A_20 : memref<632x128xf32, #tpu.memory_space<vmem_shared>>)
      tpu.yield
    }) : () -> ()
    %barrier3A = arith.constant 0 : index
    tpu.barrier barrier_id(%barrier3A)
    %scan3A = arith.constant 0 : i32
    %scan3A_4 = arith.constant 5 : i32
    %scan3A_5 = arith.addi %scan3A, %scan3A_4 : i32
    %scan3A_6 = arith.constant 1 : i32
    scf.for %scan3A_17 = %scan3A to %scan3A_5 step %scan3A_6  : i32 {
      %mul3A_18 = arith.constant 1 : i32
      %mul3A_19 = arith.muli %scan3A_17, %mul3A_18 : i32
      %add3A_20 = arith.constant 0 : i32
      %add3A_21 = arith.addi %add3A_20, %mul3A_19 : i32
      "tpu.region"() ({
        %run_scoped3A = tpu.sem_alloc : memref<!tpu.dma_semaphore, #tpu.memory_space<semaphore_mem>>
        %dma_start3A_97 = arith.constant 0 : i32
        %dma_start3A_98 = arith.constant 0 : i32
        %dma_start3A_99 = arith.constant 0 : i32
        %dma_start3A_100 = tpu.memref_slice %arg3[%add3A, %dma_start3A_97, %dma_start3A_98, %dma_start3A_99] : memref<32x5x50x80xi32, #tpu.memory_space<hbm>> -> memref<1x5x50x80xi32, #tpu.memory_space<hbm>>
        %dma_start3A_101 = tpu.memref_squeeze %dma_start3A_100 : memref<1x5x50x80xi32, #tpu.memory_space<hbm>> -> memref<5x50x80xi32, #tpu.memory_space<hbm>>
        %dma_start3A_102 = arith.constant 0 : i32
        %dma_start3A_103 = arith.constant 0 : i32
        %dma_start3A_104 = tpu.memref_slice %dma_start3A_101[%add3A_21, %dma_start3A_102, %dma_start3A_103] : memref<5x50x80xi32, #tpu.memory_space<hbm>> -> memref<1x50x80xi32, #tpu.memory_space<hbm>>
        %dma_start3A_105 = tpu.memref_squeeze %dma_start3A_104 : memref<1x50x80xi32, #tpu.memory_space<hbm>> -> memref<50x80xi32, #tpu.memory_space<hbm>>
        %dma_start3A_106 = arith.constant 0 : i32
        %dma_start3A_107 = arith.constant 0 : i32
        %dma_start3A_108 = arith.constant 0 : i32
        %dma_start3A_109 = tpu.memref_slice %arg3[%add3A, %dma_start3A_106, %dma_start3A_107, %dma_start3A_108] : memref<32x5x50x80xi32, #tpu.memory_space<hbm>> -> memref<1x5x50x80xi32, #tpu.memory_space<hbm>>
        %dma_start3A_110 = tpu.memref_squeeze %dma_start3A_109 : memref<1x5x50x80xi32, #tpu.memory_space<hbm>> -> memref<5x50x80xi32, #tpu.memory_space<hbm>>
        %dma_start3A_111 = arith.constant 0 : i32
        %dma_start3A_112 = arith.constant 0 : i32
        %dma_start3A_113 = tpu.memref_slice %dma_start3A_110[%add3A_21, %dma_start3A_111, %dma_start3A_112] : memref<5x50x80xi32, #tpu.memory_space<hbm>> -> memref<1x50x80xi32, #tpu.memory_space<hbm>>
        %dma_start3A_114 = tpu.memref_squeeze %dma_start3A_113 : memref<1x50x80xi32, #tpu.memory_space<hbm>> -> memref<50x80xi32, #tpu.memory_space<hbm>>
        tpu.enqueue_dma source(%dma_start3A_114 : memref<50x80xi32, #tpu.memory_space<hbm>>) target(%arg6 : memref<50x80xi32, #tpu.memory_space<vmem>>) target_semaphore(%run_scoped3A : memref<!tpu.dma_semaphore, #tpu.memory_space<semaphore_mem>>)
        %dma_wait3A_115 = arith.constant 0 : i32
        %dma_wait3A_116 = arith.constant 0 : i32
        %dma_wait3A_117 = arith.constant 0 : i32
        %dma_wait3A_118 = tpu.memref_slice %arg3[%add3A, %dma_wait3A_115, %dma_wait3A_116, %dma_wait3A_117] : memref<32x5x50x80xi32, #tpu.memory_space<hbm>> -> memref<1x5x50x80xi32, #tpu.memory_space<hbm>>
        %dma_wait3A_119 = tpu.memref_squeeze %dma_wait3A_118 : memref<1x5x50x80xi32, #tpu.memory_space<hbm>> -> memref<5x50x80xi32, #tpu.memory_space<hbm>>
        %dma_wait3A_120 = arith.constant 0 : i32
        %dma_wait3A_121 = arith.constant 0 : i32
        %dma_wait3A_122 = tpu.memref_slice %dma_wait3A_119[%add3A_21, %dma_wait3A_120, %dma_wait3A_121] : memref<5x50x80xi32, #tpu.memory_space<hbm>> -> memref<1x50x80xi32, #tpu.memory_space<hbm>>
        %dma_wait3A_123 = tpu.memref_squeeze %dma_wait3A_122 : memref<1x50x80xi32, #tpu.memory_space<hbm>> -> memref<50x80xi32, #tpu.memory_space<hbm>>
        %dma_wait3A_124 = arith.constant 0 : i32
        %dma_wait3A_125 = arith.constant 0 : i32
        %dma_wait3A_126 = arith.constant 0 : i32
        %dma_wait3A_127 = tpu.memref_slice %arg3[%add3A, %dma_wait3A_124, %dma_wait3A_125, %dma_wait3A_126] : memref<32x5x50x80xi32, #tpu.memory_space<hbm>> -> memref<1x5x50x80xi32, #tpu.memory_space<hbm>>
        %dma_wait3A_128 = tpu.memref_squeeze %dma_wait3A_127 : memref<1x5x50x80xi32, #tpu.memory_space<hbm>> -> memref<5x50x80xi32, #tpu.memory_space<hbm>>
        %dma_wait3A_129 = arith.constant 0 : i32
        %dma_wait3A_130 = arith.constant 0 : i32
        %dma_wait3A_131 = tpu.memref_slice %dma_wait3A_128[%add3A_21, %dma_wait3A_129, %dma_wait3A_130] : memref<5x50x80xi32, #tpu.memory_space<hbm>> -> memref<1x50x80xi32, #tpu.memory_space<hbm>>
        %dma_wait3A_132 = tpu.memref_squeeze %dma_wait3A_131 : memref<1x50x80xi32, #tpu.memory_space<hbm>> -> memref<50x80xi32, #tpu.memory_space<hbm>>
        tpu.wait_dma2 semaphore(%run_scoped3A : memref<!tpu.dma_semaphore, #tpu.memory_space<semaphore_mem>>) src(%dma_wait3A_132 : memref<50x80xi32, #tpu.memory_space<hbm>>) dst(%arg6 : memref<50x80xi32, #tpu.memory_space<vmem>>)
        tpu.yield
      }) : () -> ()
      %dma_start3A = arith.constant 0 : i32
      %dma_start3A_22 = arith.constant 0 : i32
      %dma_start3A_23 = arith.constant 0 : i32
      %dma_start3A_24 = arith.constant 0 : i32
      %dma_start3A_25 = tpu.memref_slice %arg7[%dma_start3A_22, %dma_start3A_23, %dma_start3A_24] : memref<3x80x128xf32, #tpu.memory_space<vmem>> -> memref<1x80x128xf32, #tpu.memory_space<vmem>>
      %dma_start3A_26 = tpu.memref_squeeze %dma_start3A_25 : memref<1x80x128xf32, #tpu.memory_space<vmem>> -> memref<80x128xf32, #tpu.memory_space<vmem>>
      %dma_start3A_27 = arith.constant 0 : i32
      %dma_start3A_28 = tpu.memref_slice %arg6[%dma_start3A, %dma_start3A_27] : memref<50x80xi32, #tpu.memory_space<vmem>> -> memref<1x80xi32, #tpu.memory_space<vmem>>
      %dma_start3A_29 = tpu.memref_squeeze %dma_start3A_28 : memref<1x80xi32, #tpu.memory_space<vmem>> -> memref<80xi32, #tpu.memory_space<vmem>>
      %dma_start3A_30 = arith.constant 0 : i32
      %dma_start3A_31 = arith.constant 0 : i32
      %dma_start3A_32 = tpu.memref_slice %arg2[%dma_start3A_30, %dma_start3A_31] : memref<10000x128xf32, #tpu.memory_space<hbm>> -> memref<10000x128xf32, #tpu.memory_space<hbm>>
      tpu.enqueue_indirect_dma source(%dma_start3A_32 : memref<10000x128xf32, #tpu.memory_space<hbm>>) target(%dma_start3A_26 : memref<80x128xf32, #tpu.memory_space<vmem>>) offsets(%dma_start3A_29 : memref<80xi32, #tpu.memory_space<vmem>>) semaphore(%arg9 : memref<!tpu.dma_semaphore, #tpu.memory_space<semaphore_mem>>)
      %dma_start3A_33 = arith.constant 1 : i32
      %dma_start3A_34 = arith.constant 1 : i32
      %dma_start3A_35 = arith.constant 0 : i32
      %dma_start3A_36 = arith.constant 0 : i32
      %dma_start3A_37 = tpu.memref_slice %arg7[%dma_start3A_34, %dma_start3A_35, %dma_start3A_36] : memref<3x80x128xf32, #tpu.memory_space<vmem>> -> memref<1x80x128xf32, #tpu.memory_space<vmem>>
      %dma_start3A_38 = tpu.memref_squeeze %dma_start3A_37 : memref<1x80x128xf32, #tpu.memory_space<vmem>> -> memref<80x128xf32, #tpu.memory_space<vmem>>
      %dma_start3A_39 = arith.constant 0 : i32
      %dma_start3A_40 = tpu.memref_slice %arg6[%dma_start3A_33, %dma_start3A_39] : memref<50x80xi32, #tpu.memory_space<vmem>> -> memref<1x80xi32, #tpu.memory_space<vmem>>
      %dma_start3A_41 = tpu.memref_squeeze %dma_start3A_40 : memref<1x80xi32, #tpu.memory_space<vmem>> -> memref<80xi32, #tpu.memory_space<vmem>>
      %dma_start3A_42 = arith.constant 0 : i32
      %dma_start3A_43 = arith.constant 0 : i32
      %dma_start3A_44 = tpu.memref_slice %arg2[%dma_start3A_42, %dma_start3A_43] : memref<10000x128xf32, #tpu.memory_space<hbm>> -> memref<10000x128xf32, #tpu.memory_space<hbm>>
      tpu.enqueue_indirect_dma source(%dma_start3A_44 : memref<10000x128xf32, #tpu.memory_space<hbm>>) target(%dma_start3A_38 : memref<80x128xf32, #tpu.memory_space<vmem>>) offsets(%dma_start3A_41 : memref<80xi32, #tpu.memory_space<vmem>>) semaphore(%arg10 : memref<!tpu.dma_semaphore, #tpu.memory_space<semaphore_mem>>)
      %dma_start3A_45 = arith.constant 2 : i32
      %dma_start3A_46 = arith.constant 2 : i32
      %dma_start3A_47 = arith.constant 0 : i32
      %dma_start3A_48 = arith.constant 0 : i32
      %dma_start3A_49 = tpu.memref_slice %arg7[%dma_start3A_46, %dma_start3A_47, %dma_start3A_48] : memref<3x80x128xf32, #tpu.memory_space<vmem>> -> memref<1x80x128xf32, #tpu.memory_space<vmem>>
      %dma_start3A_50 = tpu.memref_squeeze %dma_start3A_49 : memref<1x80x128xf32, #tpu.memory_space<vmem>> -> memref<80x128xf32, #tpu.memory_space<vmem>>
      %dma_start3A_51 = arith.constant 0 : i32
      %dma_start3A_52 = tpu.memref_slice %arg6[%dma_start3A_45, %dma_start3A_51] : memref<50x80xi32, #tpu.memory_space<vmem>> -> memref<1x80xi32, #tpu.memory_space<vmem>>
      %dma_start3A_53 = tpu.memref_squeeze %dma_start3A_52 : memref<1x80xi32, #tpu.memory_space<vmem>> -> memref<80xi32, #tpu.memory_space<vmem>>
      %dma_start3A_54 = arith.constant 0 : i32
      %dma_start3A_55 = arith.constant 0 : i32
      %dma_start3A_56 = tpu.memref_slice %arg2[%dma_start3A_54, %dma_start3A_55] : memref<10000x128xf32, #tpu.memory_space<hbm>> -> memref<10000x128xf32, #tpu.memory_space<hbm>>
      tpu.enqueue_indirect_dma source(%dma_start3A_56 : memref<10000x128xf32, #tpu.memory_space<hbm>>) target(%dma_start3A_50 : memref<80x128xf32, #tpu.memory_space<vmem>>) offsets(%dma_start3A_53 : memref<80xi32, #tpu.memory_space<vmem>>) semaphore(%arg11 : memref<!tpu.dma_semaphore, #tpu.memory_space<semaphore_mem>>)
      %scan3A_57 = arith.constant 0 : i32
      %scan3A_58 = arith.constant 9 : i32
      %scan3A_59 = arith.addi %scan3A_57, %scan3A_58 : i32
      %scan3A_60 = arith.constant 1 : i32
      scf.for %scan3A_97 = %scan3A_57 to %scan3A_59 step %scan3A_60  : i32 {
        %mul3A_98 = arith.constant 3 : i32
        %mul3A_99 = arith.muli %scan3A_97, %mul3A_98 : i32
        %add3A_100 = arith.constant 0 : i32
        %add3A_101 = arith.addi %add3A_100, %mul3A_99 : i32
        %add3A_102 = arith.constant 0 : i32
        %add3A_103 = arith.addi %add3A_101, %add3A_102 : i32
        %lt3A = arith.constant 25 : i32
        %lt3A_104 = arith.cmpi slt, %add3A_103, %lt3A : i32
        %convert_element_type3A_105 = arith.extui %lt3A_104 : i1 to i32
        %cond3A_106 = arith.constant 0 : i32
        %cond3A_107 = arith.cmpi ne, %convert_element_type3A_105, %cond3A_106 : i32
        scf.if %cond3A_107 {
          %dma_wait3A_150 = arith.constant 0 : i32
          %dma_wait3A_151 = arith.constant 0 : i32
          %dma_wait3A_152 = arith.constant 0 : i32
          %dma_wait3A_153 = arith.constant 0 : i32
          %dma_wait3A_154 = tpu.memref_slice %arg7[%dma_wait3A_151, %dma_wait3A_152, %dma_wait3A_153] : memref<3x80x128xf32, #tpu.memory_space<vmem>> -> memref<1x80x128xf32, #tpu.memory_space<vmem>>
          %dma_wait3A_155 = tpu.memref_squeeze %dma_wait3A_154 : memref<1x80x128xf32, #tpu.memory_space<vmem>> -> memref<80x128xf32, #tpu.memory_space<vmem>>
          %dma_wait3A_156 = arith.constant 0 : i32
          %dma_wait3A_157 = tpu.memref_slice %arg6[%dma_wait3A_150, %dma_wait3A_156] : memref<50x80xi32, #tpu.memory_space<vmem>> -> memref<1x80xi32, #tpu.memory_space<vmem>>
          %dma_wait3A_158 = tpu.memref_squeeze %dma_wait3A_157 : memref<1x80xi32, #tpu.memory_space<vmem>> -> memref<80xi32, #tpu.memory_space<vmem>>
          %dma_wait3A_159 = arith.constant 0 : i32
          %dma_wait3A_160 = arith.constant 0 : i32
          %dma_wait3A_161 = tpu.memref_slice %arg2[%dma_wait3A_159, %dma_wait3A_160] : memref<10000x128xf32, #tpu.memory_space<hbm>> -> memref<10000x128xf32, #tpu.memory_space<hbm>>
          tpu.wait_indirect_dma semaphore(%arg9 : memref<!tpu.dma_semaphore, #tpu.memory_space<semaphore_mem>>) src(%dma_wait3A_161 : memref<10000x128xf32, #tpu.memory_space<hbm>>) dst(%dma_wait3A_155 : memref<80x128xf32, #tpu.memory_space<vmem>>)
          %add3A_162 = arith.constant 25 : i32
          %add3A_163 = arith.addi %add3A_162, %add3A_103 : i32
          %dma_start3A_164 = arith.constant 0 : i32
          %dma_start3A_165 = arith.constant 0 : i32
          %dma_start3A_166 = arith.constant 0 : i32
          %dma_start3A_167 = tpu.memref_slice %arg7[%dma_start3A_164, %dma_start3A_165, %dma_start3A_166] : memref<3x80x128xf32, #tpu.memory_space<vmem>> -> memref<1x80x128xf32, #tpu.memory_space<vmem>>
          %dma_start3A_168 = tpu.memref_squeeze %dma_start3A_167 : memref<1x80x128xf32, #tpu.memory_space<vmem>> -> memref<80x128xf32, #tpu.memory_space<vmem>>
          %dma_start3A_169 = arith.constant 0 : i32
          %dma_start3A_170 = tpu.memref_slice %arg6[%add3A_163, %dma_start3A_169] : memref<50x80xi32, #tpu.memory_space<vmem>> -> memref<1x80xi32, #tpu.memory_space<vmem>>
          %dma_start3A_171 = tpu.memref_squeeze %dma_start3A_170 : memref<1x80xi32, #tpu.memory_space<vmem>> -> memref<80xi32, #tpu.memory_space<vmem>>
          %dma_start3A_172 = arith.constant 0 : i32
          %dma_start3A_173 = arith.constant 0 : i32
          %dma_start3A_174 = tpu.memref_slice %arg8[%dma_start3A_172, %dma_start3A_173] : memref<10000x128xf32, #tpu.memory_space<vmem_shared>> -> memref<10000x128xf32, #tpu.memory_space<vmem_shared>>
          tpu.enqueue_indirect_dma source(%dma_start3A_168 : memref<80x128xf32, #tpu.memory_space<vmem>>) target(%dma_start3A_174 : memref<10000x128xf32, #tpu.memory_space<vmem_shared>>) offsets(%dma_start3A_171 : memref<80xi32, #tpu.memory_space<vmem>>) semaphore(%arg12 : memref<!tpu.dma_semaphore, #tpu.memory_space<semaphore_mem>>) {add = true}
        } else {
        }
        %ge3A = arith.constant 2 : i32
        %ge3A_108 = arith.cmpi sge, %add3A_103, %ge3A : i32
        %add3A_109 = arith.constant 1 : i32
        %add3A_110 = arith.addi %add3A_103, %add3A_109 : i32
        %lt3A_111 = arith.constant 25 : i32
        %lt3A_112 = arith.cmpi slt, %add3A_110, %lt3A_111 : i32
        %and3A = arith.andi %ge3A_108, %lt3A_112 : i1
        %convert_element_type3A_113 = arith.extui %and3A : i1 to i32
        %cond3A_114 = arith.constant 0 : i32
        %cond3A_115 = arith.cmpi ne, %convert_element_type3A_113, %cond3A_114 : i32
        scf.if %cond3A_115 {
          %dma_wait3A_150 = arith.constant 1 : i32
          %dma_wait3A_151 = arith.constant 25 : i32
          %dma_wait3A_152 = arith.constant 0 : i32
          %dma_wait3A_153 = arith.constant 0 : i32
          %dma_wait3A_154 = tpu.memref_slice %arg7[%dma_wait3A_150, %dma_wait3A_152, %dma_wait3A_153] : memref<3x80x128xf32, #tpu.memory_space<vmem>> -> memref<1x80x128xf32, #tpu.memory_space<vmem>>
          %dma_wait3A_155 = tpu.memref_squeeze %dma_wait3A_154 : memref<1x80x128xf32, #tpu.memory_space<vmem>> -> memref<80x128xf32, #tpu.memory_space<vmem>>
          %dma_wait3A_156 = arith.constant 0 : i32
          %dma_wait3A_157 = tpu.memref_slice %arg6[%dma_wait3A_151, %dma_wait3A_156] : memref<50x80xi32, #tpu.memory_space<vmem>> -> memref<1x80xi32, #tpu.memory_space<vmem>>
          %dma_wait3A_158 = tpu.memref_squeeze %dma_wait3A_157 : memref<1x80xi32, #tpu.memory_space<vmem>> -> memref<80xi32, #tpu.memory_space<vmem>>
          %dma_wait3A_159 = arith.constant 0 : i32
          %dma_wait3A_160 = arith.constant 0 : i32
          %dma_wait3A_161 = tpu.memref_slice %arg8[%dma_wait3A_159, %dma_wait3A_160] : memref<10000x128xf32, #tpu.memory_space<vmem_shared>> -> memref<10000x128xf32, #tpu.memory_space<vmem_shared>>
          tpu.wait_indirect_dma semaphore(%arg13 : memref<!tpu.dma_semaphore, #tpu.memory_space<semaphore_mem>>) src(%dma_wait3A_155 : memref<80x128xf32, #tpu.memory_space<vmem>>) dst(%dma_wait3A_161 : memref<10000x128xf32, #tpu.memory_space<vmem_shared>>)
          %add3A_162 = arith.constant 1 : i32
          %add3A_163 = arith.addi %add3A_103, %add3A_162 : i32
          %dma_start3A_164 = arith.constant 1 : i32
          %dma_start3A_165 = arith.constant 0 : i32
          %dma_start3A_166 = arith.constant 0 : i32
          %dma_start3A_167 = tpu.memref_slice %arg7[%dma_start3A_164, %dma_start3A_165, %dma_start3A_166] : memref<3x80x128xf32, #tpu.memory_space<vmem>> -> memref<1x80x128xf32, #tpu.memory_space<vmem>>
          %dma_start3A_168 = tpu.memref_squeeze %dma_start3A_167 : memref<1x80x128xf32, #tpu.memory_space<vmem>> -> memref<80x128xf32, #tpu.memory_space<vmem>>
          %dma_start3A_169 = arith.constant 0 : i32
          %dma_start3A_170 = tpu.memref_slice %arg6[%add3A_163, %dma_start3A_169] : memref<50x80xi32, #tpu.memory_space<vmem>> -> memref<1x80xi32, #tpu.memory_space<vmem>>
          %dma_start3A_171 = tpu.memref_squeeze %dma_start3A_170 : memref<1x80xi32, #tpu.memory_space<vmem>> -> memref<80xi32, #tpu.memory_space<vmem>>
          %dma_start3A_172 = arith.constant 0 : i32
          %dma_start3A_173 = arith.constant 0 : i32
          %dma_start3A_174 = tpu.memref_slice %arg2[%dma_start3A_172, %dma_start3A_173] : memref<10000x128xf32, #tpu.memory_space<hbm>> -> memref<10000x128xf32, #tpu.memory_space<hbm>>
          tpu.enqueue_indirect_dma source(%dma_start3A_174 : memref<10000x128xf32, #tpu.memory_space<hbm>>) target(%dma_start3A_168 : memref<80x128xf32, #tpu.memory_space<vmem>>) offsets(%dma_start3A_171 : memref<80xi32, #tpu.memory_space<vmem>>) semaphore(%arg10 : memref<!tpu.dma_semaphore, #tpu.memory_space<semaphore_mem>>)
        } else {
        }
        %add3A_116 = arith.constant 1 : i32
        %add3A_117 = arith.addi %add3A_101, %add3A_116 : i32
        %lt3A_118 = arith.constant 25 : i32
        %lt3A_119 = arith.cmpi slt, %add3A_117, %lt3A_118 : i32
        %convert_element_type3A_120 = arith.extui %lt3A_119 : i1 to i32
        %cond3A_121 = arith.constant 0 : i32
        %cond3A_122 = arith.cmpi ne, %convert_element_type3A_120, %cond3A_121 : i32
        scf.if %cond3A_122 {
          %dma_wait3A_150 = arith.constant 0 : i32
          %dma_wait3A_151 = arith.constant 1 : i32
          %dma_wait3A_152 = arith.constant 0 : i32
          %dma_wait3A_153 = arith.constant 0 : i32
          %dma_wait3A_154 = tpu.memref_slice %arg7[%dma_wait3A_151, %dma_wait3A_152, %dma_wait3A_153] : memref<3x80x128xf32, #tpu.memory_space<vmem>> -> memref<1x80x128xf32, #tpu.memory_space<vmem>>
          %dma_wait3A_155 = tpu.memref_squeeze %dma_wait3A_154 : memref<1x80x128xf32, #tpu.memory_space<vmem>> -> memref<80x128xf32, #tpu.memory_space<vmem>>
          %dma_wait3A_156 = arith.constant 0 : i32
          %dma_wait3A_157 = tpu.memref_slice %arg6[%dma_wait3A_150, %dma_wait3A_156] : memref<50x80xi32, #tpu.memory_space<vmem>> -> memref<1x80xi32, #tpu.memory_space<vmem>>
          %dma_wait3A_158 = tpu.memref_squeeze %dma_wait3A_157 : memref<1x80xi32, #tpu.memory_space<vmem>> -> memref<80xi32, #tpu.memory_space<vmem>>
          %dma_wait3A_159 = arith.constant 0 : i32
          %dma_wait3A_160 = arith.constant 0 : i32
          %dma_wait3A_161 = tpu.memref_slice %arg2[%dma_wait3A_159, %dma_wait3A_160] : memref<10000x128xf32, #tpu.memory_space<hbm>> -> memref<10000x128xf32, #tpu.memory_space<hbm>>
          tpu.wait_indirect_dma semaphore(%arg10 : memref<!tpu.dma_semaphore, #tpu.memory_space<semaphore_mem>>) src(%dma_wait3A_161 : memref<10000x128xf32, #tpu.memory_space<hbm>>) dst(%dma_wait3A_155 : memref<80x128xf32, #tpu.memory_space<vmem>>)
          %add3A_162 = arith.constant 25 : i32
          %add3A_163 = arith.addi %add3A_162, %add3A_117 : i32
          %dma_start3A_164 = arith.constant 1 : i32
          %dma_start3A_165 = arith.constant 0 : i32
          %dma_start3A_166 = arith.constant 0 : i32
          %dma_start3A_167 = tpu.memref_slice %arg7[%dma_start3A_164, %dma_start3A_165, %dma_start3A_166] : memref<3x80x128xf32, #tpu.memory_space<vmem>> -> memref<1x80x128xf32, #tpu.memory_space<vmem>>
          %dma_start3A_168 = tpu.memref_squeeze %dma_start3A_167 : memref<1x80x128xf32, #tpu.memory_space<vmem>> -> memref<80x128xf32, #tpu.memory_space<vmem>>
          %dma_start3A_169 = arith.constant 0 : i32
          %dma_start3A_170 = tpu.memref_slice %arg6[%add3A_163, %dma_start3A_169] : memref<50x80xi32, #tpu.memory_space<vmem>> -> memref<1x80xi32, #tpu.memory_space<vmem>>
          %dma_start3A_171 = tpu.memref_squeeze %dma_start3A_170 : memref<1x80xi32, #tpu.memory_space<vmem>> -> memref<80xi32, #tpu.memory_space<vmem>>
          %dma_start3A_172 = arith.constant 0 : i32
          %dma_start3A_173 = arith.constant 0 : i32
          %dma_start3A_174 = tpu.memref_slice %arg8[%dma_start3A_172, %dma_start3A_173] : memref<10000x128xf32, #tpu.memory_space<vmem_shared>> -> memref<10000x128xf32, #tpu.memory_space<vmem_shared>>
          tpu.enqueue_indirect_dma source(%dma_start3A_168 : memref<80x128xf32, #tpu.memory_space<vmem>>) target(%dma_start3A_174 : memref<10000x128xf32, #tpu.memory_space<vmem_shared>>) offsets(%dma_start3A_171 : memref<80xi32, #tpu.memory_space<vmem>>) semaphore(%arg13 : memref<!tpu.dma_semaphore, #tpu.memory_space<semaphore_mem>>) {add = true}
        } else {
        }
        %ge3A_123 = arith.constant 2 : i32
        %ge3A_124 = arith.cmpi sge, %add3A_117, %ge3A_123 : i32
        %add3A_125 = arith.constant 1 : i32
        %add3A_126 = arith.addi %add3A_117, %add3A_125 : i32
        %lt3A_127 = arith.constant 25 : i32
        %lt3A_128 = arith.cmpi slt, %add3A_126, %lt3A_127 : i32
        %and3A_129 = arith.andi %ge3A_124, %lt3A_128 : i1
        %convert_element_type3A_130 = arith.extui %and3A_129 : i1 to i32
        %cond3A_131 = arith.constant 0 : i32
        %cond3A_132 = arith.cmpi ne, %convert_element_type3A_130, %cond3A_131 : i32
        scf.if %cond3A_132 {
          %dma_wait3A_150 = arith.constant 2 : i32
          %dma_wait3A_151 = arith.constant 25 : i32
          %dma_wait3A_152 = arith.constant 0 : i32
          %dma_wait3A_153 = arith.constant 0 : i32
          %dma_wait3A_154 = tpu.memref_slice %arg7[%dma_wait3A_150, %dma_wait3A_152, %dma_wait3A_153] : memref<3x80x128xf32, #tpu.memory_space<vmem>> -> memref<1x80x128xf32, #tpu.memory_space<vmem>>
          %dma_wait3A_155 = tpu.memref_squeeze %dma_wait3A_154 : memref<1x80x128xf32, #tpu.memory_space<vmem>> -> memref<80x128xf32, #tpu.memory_space<vmem>>
          %dma_wait3A_156 = arith.constant 0 : i32
          %dma_wait3A_157 = tpu.memref_slice %arg6[%dma_wait3A_151, %dma_wait3A_156] : memref<50x80xi32, #tpu.memory_space<vmem>> -> memref<1x80xi32, #tpu.memory_space<vmem>>
          %dma_wait3A_158 = tpu.memref_squeeze %dma_wait3A_157 : memref<1x80xi32, #tpu.memory_space<vmem>> -> memref<80xi32, #tpu.memory_space<vmem>>
          %dma_wait3A_159 = arith.constant 0 : i32
          %dma_wait3A_160 = arith.constant 0 : i32
          %dma_wait3A_161 = tpu.memref_slice %arg8[%dma_wait3A_159, %dma_wait3A_160] : memref<10000x128xf32, #tpu.memory_space<vmem_shared>> -> memref<10000x128xf32, #tpu.memory_space<vmem_shared>>
          tpu.wait_indirect_dma semaphore(%arg14 : memref<!tpu.dma_semaphore, #tpu.memory_space<semaphore_mem>>) src(%dma_wait3A_155 : memref<80x128xf32, #tpu.memory_space<vmem>>) dst(%dma_wait3A_161 : memref<10000x128xf32, #tpu.memory_space<vmem_shared>>)
          %add3A_162 = arith.constant 1 : i32
          %add3A_163 = arith.addi %add3A_117, %add3A_162 : i32
          %dma_start3A_164 = arith.constant 2 : i32
          %dma_start3A_165 = arith.constant 0 : i32
          %dma_start3A_166 = arith.constant 0 : i32
          %dma_start3A_167 = tpu.memref_slice %arg7[%dma_start3A_164, %dma_start3A_165, %dma_start3A_166] : memref<3x80x128xf32, #tpu.memory_space<vmem>> -> memref<1x80x128xf32, #tpu.memory_space<vmem>>
          %dma_start3A_168 = tpu.memref_squeeze %dma_start3A_167 : memref<1x80x128xf32, #tpu.memory_space<vmem>> -> memref<80x128xf32, #tpu.memory_space<vmem>>
          %dma_start3A_169 = arith.constant 0 : i32
          %dma_start3A_170 = tpu.memref_slice %arg6[%add3A_163, %dma_start3A_169] : memref<50x80xi32, #tpu.memory_space<vmem>> -> memref<1x80xi32, #tpu.memory_space<vmem>>
          %dma_start3A_171 = tpu.memref_squeeze %dma_start3A_170 : memref<1x80xi32, #tpu.memory_space<vmem>> -> memref<80xi32, #tpu.memory_space<vmem>>
          %dma_start3A_172 = arith.constant 0 : i32
          %dma_start3A_173 = arith.constant 0 : i32
          %dma_start3A_174 = tpu.memref_slice %arg2[%dma_start3A_172, %dma_start3A_173] : memref<10000x128xf32, #tpu.memory_space<hbm>> -> memref<10000x128xf32, #tpu.memory_space<hbm>>
          tpu.enqueue_indirect_dma source(%dma_start3A_174 : memref<10000x128xf32, #tpu.memory_space<hbm>>) target(%dma_start3A_168 : memref<80x128xf32, #tpu.memory_space<vmem>>) offsets(%dma_start3A_171 : memref<80xi32, #tpu.memory_space<vmem>>) semaphore(%arg11 : memref<!tpu.dma_semaphore, #tpu.memory_space<semaphore_mem>>)
        } else {
        }
        %add3A_133 = arith.constant 2 : i32
        %add3A_134 = arith.addi %add3A_101, %add3A_133 : i32
        %lt3A_135 = arith.constant 25 : i32
        %lt3A_136 = arith.cmpi slt, %add3A_134, %lt3A_135 : i32
        %convert_element_type3A_137 = arith.extui %lt3A_136 : i1 to i32
        %cond3A_138 = arith.constant 0 : i32
        %cond3A_139 = arith.cmpi ne, %convert_element_type3A_137, %cond3A_138 : i32
        scf.if %cond3A_139 {
          %dma_wait3A_150 = arith.constant 0 : i32
          %dma_wait3A_151 = arith.constant 2 : i32
          %dma_wait3A_152 = arith.constant 0 : i32
          %dma_wait3A_153 = arith.constant 0 : i32
          %dma_wait3A_154 = tpu.memref_slice %arg7[%dma_wait3A_151, %dma_wait3A_152, %dma_wait3A_153] : memref<3x80x128xf32, #tpu.memory_space<vmem>> -> memref<1x80x128xf32, #tpu.memory_space<vmem>>
          %dma_wait3A_155 = tpu.memref_squeeze %dma_wait3A_154 : memref<1x80x128xf32, #tpu.memory_space<vmem>> -> memref<80x128xf32, #tpu.memory_space<vmem>>
          %dma_wait3A_156 = arith.constant 0 : i32
          %dma_wait3A_157 = tpu.memref_slice %arg6[%dma_wait3A_150, %dma_wait3A_156] : memref<50x80xi32, #tpu.memory_space<vmem>> -> memref<1x80xi32, #tpu.memory_space<vmem>>
          %dma_wait3A_158 = tpu.memref_squeeze %dma_wait3A_157 : memref<1x80xi32, #tpu.memory_space<vmem>> -> memref<80xi32, #tpu.memory_space<vmem>>
          %dma_wait3A_159 = arith.constant 0 : i32
          %dma_wait3A_160 = arith.constant 0 : i32
          %dma_wait3A_161 = tpu.memref_slice %arg2[%dma_wait3A_159, %dma_wait3A_160] : memref<10000x128xf32, #tpu.memory_space<hbm>> -> memref<10000x128xf32, #tpu.memory_space<hbm>>
          tpu.wait_indirect_dma semaphore(%arg11 : memref<!tpu.dma_semaphore, #tpu.memory_space<semaphore_mem>>) src(%dma_wait3A_161 : memref<10000x128xf32, #tpu.memory_space<hbm>>) dst(%dma_wait3A_155 : memref<80x128xf32, #tpu.memory_space<vmem>>)
          %add3A_162 = arith.constant 25 : i32
          %add3A_163 = arith.addi %add3A_162, %add3A_134 : i32
          %dma_start3A_164 = arith.constant 2 : i32
          %dma_start3A_165 = arith.constant 0 : i32
          %dma_start3A_166 = arith.constant 0 : i32
          %dma_start3A_167 = tpu.memref_slice %arg7[%dma_start3A_164, %dma_start3A_165, %dma_start3A_166] : memref<3x80x128xf32, #tpu.memory_space<vmem>> -> memref<1x80x128xf32, #tpu.memory_space<vmem>>
          %dma_start3A_168 = tpu.memref_squeeze %dma_start3A_167 : memref<1x80x128xf32, #tpu.memory_space<vmem>> -> memref<80x128xf32, #tpu.memory_space<vmem>>
          %dma_start3A_169 = arith.constant 0 : i32
          %dma_start3A_170 = tpu.memref_slice %arg6[%add3A_163, %dma_start3A_169] : memref<50x80xi32, #tpu.memory_space<vmem>> -> memref<1x80xi32, #tpu.memory_space<vmem>>
          %dma_start3A_171 = tpu.memref_squeeze %dma_start3A_170 : memref<1x80xi32, #tpu.memory_space<vmem>> -> memref<80xi32, #tpu.memory_space<vmem>>
          %dma_start3A_172 = arith.constant 0 : i32
          %dma_start3A_173 = arith.constant 0 : i32
          %dma_start3A_174 = tpu.memref_slice %arg8[%dma_start3A_172, %dma_start3A_173] : memref<10000x128xf32, #tpu.memory_space<vmem_shared>> -> memref<10000x128xf32, #tpu.memory_space<vmem_shared>>
          tpu.enqueue_indirect_dma source(%dma_start3A_168 : memref<80x128xf32, #tpu.memory_space<vmem>>) target(%dma_start3A_174 : memref<10000x128xf32, #tpu.memory_space<vmem_shared>>) offsets(%dma_start3A_171 : memref<80xi32, #tpu.memory_space<vmem>>) semaphore(%arg14 : memref<!tpu.dma_semaphore, #tpu.memory_space<semaphore_mem>>) {add = true}
        } else {
        }
        %ge3A_140 = arith.constant 2 : i32
        %ge3A_141 = arith.cmpi sge, %add3A_134, %ge3A_140 : i32
        %add3A_142 = arith.constant 1 : i32
        %add3A_143 = arith.addi %add3A_134, %add3A_142 : i32
        %lt3A_144 = arith.constant 25 : i32
        %lt3A_145 = arith.cmpi slt, %add3A_143, %lt3A_144 : i32
        %and3A_146 = arith.andi %ge3A_141, %lt3A_145 : i1
        %convert_element_type3A_147 = arith.extui %and3A_146 : i1 to i32
        %cond3A_148 = arith.constant 0 : i32
        %cond3A_149 = arith.cmpi ne, %convert_element_type3A_147, %cond3A_148 : i32
        scf.if %cond3A_149 {
          %dma_wait3A_150 = arith.constant 0 : i32
          %dma_wait3A_151 = arith.constant 25 : i32
          %dma_wait3A_152 = arith.constant 0 : i32
          %dma_wait3A_153 = arith.constant 0 : i32
          %dma_wait3A_154 = tpu.memref_slice %arg7[%dma_wait3A_150, %dma_wait3A_152, %dma_wait3A_153] : memref<3x80x128xf32, #tpu.memory_space<vmem>> -> memref<1x80x128xf32, #tpu.memory_space<vmem>>
          %dma_wait3A_155 = tpu.memref_squeeze %dma_wait3A_154 : memref<1x80x128xf32, #tpu.memory_space<vmem>> -> memref<80x128xf32, #tpu.memory_space<vmem>>
          %dma_wait3A_156 = arith.constant 0 : i32
          %dma_wait3A_157 = tpu.memref_slice %arg6[%dma_wait3A_151, %dma_wait3A_156] : memref<50x80xi32, #tpu.memory_space<vmem>> -> memref<1x80xi32, #tpu.memory_space<vmem>>
          %dma_wait3A_158 = tpu.memref_squeeze %dma_wait3A_157 : memref<1x80xi32, #tpu.memory_space<vmem>> -> memref<80xi32, #tpu.memory_space<vmem>>
          %dma_wait3A_159 = arith.constant 0 : i32
          %dma_wait3A_160 = arith.constant 0 : i32
          %dma_wait3A_161 = tpu.memref_slice %arg8[%dma_wait3A_159, %dma_wait3A_160] : memref<10000x128xf32, #tpu.memory_space<vmem_shared>> -> memref<10000x128xf32, #tpu.memory_space<vmem_shared>>
          tpu.wait_indirect_dma semaphore(%arg12 : memref<!tpu.dma_semaphore, #tpu.memory_space<semaphore_mem>>) src(%dma_wait3A_155 : memref<80x128xf32, #tpu.memory_space<vmem>>) dst(%dma_wait3A_161 : memref<10000x128xf32, #tpu.memory_space<vmem_shared>>)
          %add3A_162 = arith.constant 1 : i32
          %add3A_163 = arith.addi %add3A_134, %add3A_162 : i32
          %dma_start3A_164 = arith.constant 0 : i32
          %dma_start3A_165 = arith.constant 0 : i32
          %dma_start3A_166 = arith.constant 0 : i32
          %dma_start3A_167 = tpu.memref_slice %arg7[%dma_start3A_164, %dma_start3A_165, %dma_start3A_166] : memref<3x80x128xf32, #tpu.memory_space<vmem>> -> memref<1x80x128xf32, #tpu.memory_space<vmem>>
          %dma_start3A_168 = tpu.memref_squeeze %dma_start3A_167 : memref<1x80x128xf32, #tpu.memory_space<vmem>> -> memref<80x128xf32, #tpu.memory_space<vmem>>
          %dma_start3A_169 = arith.constant 0 : i32
          %dma_start3A_170 = tpu.memref_slice %arg6[%add3A_163, %dma_start3A_169] : memref<50x80xi32, #tpu.memory_space<vmem>> -> memref<1x80xi32, #tpu.memory_space<vmem>>
          %dma_start3A_171 = tpu.memref_squeeze %dma_start3A_170 : memref<1x80xi32, #tpu.memory_space<vmem>> -> memref<80xi32, #tpu.memory_space<vmem>>
          %dma_start3A_172 = arith.constant 0 : i32
          %dma_start3A_173 = arith.constant 0 : i32
          %dma_start3A_174 = tpu.memref_slice %arg2[%dma_start3A_172, %dma_start3A_173] : memref<10000x128xf32, #tpu.memory_space<hbm>> -> memref<10000x128xf32, #tpu.memory_space<hbm>>
          tpu.enqueue_indirect_dma source(%dma_start3A_174 : memref<10000x128xf32, #tpu.memory_space<hbm>>) target(%dma_start3A_168 : memref<80x128xf32, #tpu.memory_space<vmem>>) offsets(%dma_start3A_171 : memref<80xi32, #tpu.memory_space<vmem>>) semaphore(%arg9 : memref<!tpu.dma_semaphore, #tpu.memory_space<semaphore_mem>>)
        } else {
        }
      }
      %scan3A_61 = arith.constant 9 : i32
      %dma_wait3A = arith.constant 0 : i32
      %dma_wait3A_62 = arith.constant 25 : i32
      %dma_wait3A_63 = arith.constant 0 : i32
      %dma_wait3A_64 = arith.constant 0 : i32
      %dma_wait3A_65 = tpu.memref_slice %arg7[%dma_wait3A, %dma_wait3A_63, %dma_wait3A_64] : memref<3x80x128xf32, #tpu.memory_space<vmem>> -> memref<1x80x128xf32, #tpu.memory_space<vmem>>
      %dma_wait3A_66 = tpu.memref_squeeze %dma_wait3A_65 : memref<1x80x128xf32, #tpu.memory_space<vmem>> -> memref<80x128xf32, #tpu.memory_space<vmem>>
      %dma_wait3A_67 = arith.constant 0 : i32
      %dma_wait3A_68 = tpu.memref_slice %arg6[%dma_wait3A_62, %dma_wait3A_67] : memref<50x80xi32, #tpu.memory_space<vmem>> -> memref<1x80xi32, #tpu.memory_space<vmem>>
      %dma_wait3A_69 = tpu.memref_squeeze %dma_wait3A_68 : memref<1x80xi32, #tpu.memory_space<vmem>> -> memref<80xi32, #tpu.memory_space<vmem>>
      %dma_wait3A_70 = arith.constant 0 : i32
      %dma_wait3A_71 = arith.constant 0 : i32
      %dma_wait3A_72 = tpu.memref_slice %arg8[%dma_wait3A_70, %dma_wait3A_71] : memref<10000x128xf32, #tpu.memory_space<vmem_shared>> -> memref<10000x128xf32, #tpu.memory_space<vmem_shared>>
      tpu.wait_indirect_dma semaphore(%arg12 : memref<!tpu.dma_semaphore, #tpu.memory_space<semaphore_mem>>) src(%dma_wait3A_66 : memref<80x128xf32, #tpu.memory_space<vmem>>) dst(%dma_wait3A_72 : memref<10000x128xf32, #tpu.memory_space<vmem_shared>>)
      %dma_wait3A_73 = arith.constant 1 : i32
      %dma_wait3A_74 = arith.constant 25 : i32
      %dma_wait3A_75 = arith.constant 0 : i32
      %dma_wait3A_76 = arith.constant 0 : i32
      %dma_wait3A_77 = tpu.memref_slice %arg7[%dma_wait3A_73, %dma_wait3A_75, %dma_wait3A_76] : memref<3x80x128xf32, #tpu.memory_space<vmem>> -> memref<1x80x128xf32, #tpu.memory_space<vmem>>
      %dma_wait3A_78 = tpu.memref_squeeze %dma_wait3A_77 : memref<1x80x128xf32, #tpu.memory_space<vmem>> -> memref<80x128xf32, #tpu.memory_space<vmem>>
      %dma_wait3A_79 = arith.constant 0 : i32
      %dma_wait3A_80 = tpu.memref_slice %arg6[%dma_wait3A_74, %dma_wait3A_79] : memref<50x80xi32, #tpu.memory_space<vmem>> -> memref<1x80xi32, #tpu.memory_space<vmem>>
      %dma_wait3A_81 = tpu.memref_squeeze %dma_wait3A_80 : memref<1x80xi32, #tpu.memory_space<vmem>> -> memref<80xi32, #tpu.memory_space<vmem>>
      %dma_wait3A_82 = arith.constant 0 : i32
      %dma_wait3A_83 = arith.constant 0 : i32
      %dma_wait3A_84 = tpu.memref_slice %arg8[%dma_wait3A_82, %dma_wait3A_83] : memref<10000x128xf32, #tpu.memory_space<vmem_shared>> -> memref<10000x128xf32, #tpu.memory_space<vmem_shared>>
      tpu.wait_indirect_dma semaphore(%arg13 : memref<!tpu.dma_semaphore, #tpu.memory_space<semaphore_mem>>) src(%dma_wait3A_78 : memref<80x128xf32, #tpu.memory_space<vmem>>) dst(%dma_wait3A_84 : memref<10000x128xf32, #tpu.memory_space<vmem_shared>>)
      %dma_wait3A_85 = arith.constant 2 : i32
      %dma_wait3A_86 = arith.constant 25 : i32
      %dma_wait3A_87 = arith.constant 0 : i32
      %dma_wait3A_88 = arith.constant 0 : i32
      %dma_wait3A_89 = tpu.memref_slice %arg7[%dma_wait3A_85, %dma_wait3A_87, %dma_wait3A_88] : memref<3x80x128xf32, #tpu.memory_space<vmem>> -> memref<1x80x128xf32, #tpu.memory_space<vmem>>
      %dma_wait3A_90 = tpu.memref_squeeze %dma_wait3A_89 : memref<1x80x128xf32, #tpu.memory_space<vmem>> -> memref<80x128xf32, #tpu.memory_space<vmem>>
      %dma_wait3A_91 = arith.constant 0 : i32
      %dma_wait3A_92 = tpu.memref_slice %arg6[%dma_wait3A_86, %dma_wait3A_91] : memref<50x80xi32, #tpu.memory_space<vmem>> -> memref<1x80xi32, #tpu.memory_space<vmem>>
      %dma_wait3A_93 = tpu.memref_squeeze %dma_wait3A_92 : memref<1x80xi32, #tpu.memory_space<vmem>> -> memref<80xi32, #tpu.memory_space<vmem>>
      %dma_wait3A_94 = arith.constant 0 : i32
      %dma_wait3A_95 = arith.constant 0 : i32
      %dma_wait3A_96 = tpu.memref_slice %arg8[%dma_wait3A_94, %dma_wait3A_95] : memref<10000x128xf32, #tpu.memory_space<vmem_shared>> -> memref<10000x128xf32, #tpu.memory_space<vmem_shared>>
      tpu.wait_indirect_dma semaphore(%arg14 : memref<!tpu.dma_semaphore, #tpu.memory_space<semaphore_mem>>) src(%dma_wait3A_90 : memref<80x128xf32, #tpu.memory_space<vmem>>) dst(%dma_wait3A_96 : memref<10000x128xf32, #tpu.memory_space<vmem_shared>>)
    }
    %scan3A_7 = arith.constant 5 : i32
    %barrier3A_8 = arith.constant 0 : index
    tpu.barrier barrier_id(%barrier3A_8)
    %eq3A_9 = arith.constant 0 : i32
    %eq3A_10 = arith.cmpi eq, %arg0, %eq3A_9 : i32
    %convert_element_type3A = arith.extui %eq3A_10 : i1 to i32
    %cond3A = arith.constant 0 : i32
    %cond3A_11 = arith.cmpi ne, %convert_element_type3A, %cond3A : i32
    scf.if %cond3A_11 {
      "tpu.region"() ({
        %run_scoped3A = tpu.sem_alloc : memref<!tpu.dma_semaphore, #tpu.memory_space<semaphore_mem>>
        %dma_start3A = arith.constant 0 : i32
        %dma_start3A_17 = tpu.memref_slice %arg4[%multiple_of3A, %dma_start3A] : memref<10000x128xf32, #tpu.memory_space<hbm>> -> memref<632x128xf32, #tpu.memory_space<hbm>>
        %dma_start3A_18 = arith.constant 0 : i32
        %dma_start3A_19 = tpu.memref_slice %arg8[%multiple_of3A, %dma_start3A_18] : memref<10000x128xf32, #tpu.memory_space<vmem_shared>> -> memref<632x128xf32, #tpu.memory_space<vmem_shared>>
        tpu.enqueue_dma source(%dma_start3A_19 : memref<632x128xf32, #tpu.memory_space<vmem_shared>>) target(%dma_start3A_17 : memref<632x128xf32, #tpu.memory_space<hbm>>) target_semaphore(%run_scoped3A : memref<!tpu.dma_semaphore, #tpu.memory_space<semaphore_mem>>)
        %dma_wait3A = arith.constant 0 : i32
        %dma_wait3A_20 = tpu.memref_slice %arg4[%multiple_of3A, %dma_wait3A] : memref<10000x128xf32, #tpu.memory_space<hbm>> -> memref<632x128xf32, #tpu.memory_space<hbm>>
        %dma_wait3A_21 = arith.constant 0 : i32
        %dma_wait3A_22 = tpu.memref_slice %arg8[%multiple_of3A, %dma_wait3A_21] : memref<10000x128xf32, #tpu.memory_space<vmem_shared>> -> memref<632x128xf32, #tpu.memory_space<vmem_shared>>
        tpu.wait_dma2 semaphore(%run_scoped3A : memref<!tpu.dma_semaphore, #tpu.memory_space<semaphore_mem>>) src(%dma_wait3A_22 : memref<632x128xf32, #tpu.memory_space<vmem_shared>>) dst(%dma_wait3A_20 : memref<632x128xf32, #tpu.memory_space<hbm>>)
        tpu.yield
      }) : () -> ()
    } else {
    }
    %eq3A_12 = arith.constant 1 : i32
    %eq3A_13 = arith.cmpi eq, %arg0, %eq3A_12 : i32
    %convert_element_type3A_14 = arith.extui %eq3A_13 : i1 to i32
    %cond3A_15 = arith.constant 0 : i32
    %cond3A_16 = arith.cmpi ne, %convert_element_type3A_14, %cond3A_15 : i32
    scf.if %cond3A_16 {
      "tpu.region"() ({
        %run_scoped3A = tpu.sem_alloc : memref<!tpu.dma_semaphore, #tpu.memory_space<semaphore_mem>>
        %dma_start3A = arith.constant 0 : i32
        %dma_start3A_17 = tpu.memref_slice %arg5[%multiple_of3A, %dma_start3A] : memref<10000x128xf32, #tpu.memory_space<hbm>> -> memref<632x128xf32, #tpu.memory_space<hbm>>
        %dma_start3A_18 = arith.constant 0 : i32
        %dma_start3A_19 = tpu.memref_slice %arg8[%multiple_of3A, %dma_start3A_18] : memref<10000x128xf32, #tpu.memory_space<vmem_shared>> -> memref<632x128xf32, #tpu.memory_space<vmem_shared>>
        tpu.enqueue_dma source(%dma_start3A_19 : memref<632x128xf32, #tpu.memory_space<vmem_shared>>) target(%dma_start3A_17 : memref<632x128xf32, #tpu.memory_space<hbm>>) target_semaphore(%run_scoped3A : memref<!tpu.dma_semaphore, #tpu.memory_space<semaphore_mem>>)
        %dma_wait3A = arith.constant 0 : i32
        %dma_wait3A_20 = tpu.memref_slice %arg5[%multiple_of3A, %dma_wait3A] : memref<10000x128xf32, #tpu.memory_space<hbm>> -> memref<632x128xf32, #tpu.memory_space<hbm>>
        %dma_wait3A_21 = arith.constant 0 : i32
        %dma_wait3A_22 = tpu.memref_slice %arg8[%multiple_of3A, %dma_wait3A_21] : memref<10000x128xf32, #tpu.memory_space<vmem_shared>> -> memref<632x128xf32, #tpu.memory_space<vmem_shared>>
        tpu.wait_dma2 semaphore(%run_scoped3A : memref<!tpu.dma_semaphore, #tpu.memory_space<semaphore_mem>>) src(%dma_wait3A_22 : memref<632x128xf32, #tpu.memory_space<vmem_shared>>) dst(%dma_wait3A_20 : memref<632x128xf32, #tpu.memory_space<hbm>>)
        tpu.yield
      }) : () -> ()
    } else {
    }
    return
  }
}

#map = affine_map<(d0, d1) -> (0, 0)>
#map1 = affine_map<(d0, d1) -> (0, 0, 0, 0)>
module attributes {stable_mosaic.version = 14 : i64} {
  func.func @_sc_scatter(%arg0: i32, %arg1: i32, %arg2: memref<10000x128xf32, #tpu.memory_space<hbm>>, %arg3: memref<32x5x50x80xi32, #tpu.memory_space<hbm>>, %arg4: memref<10000x128xf32, #tpu.memory_space<hbm>>, %arg5: memref<10000x128xf32, #tpu.memory_space<hbm>>, %arg6: memref<50x80xi32, #tpu.memory_space<vmem>>, %arg7: memref<3x80x128xf32, #tpu.memory_space<vmem>>, %arg8: memref<10000x128xf32, #tpu.memory_space<vmem_shared>>, %arg9: memref<!tpu.dma_semaphore, #tpu.memory_space<semaphore_mem>>, %arg10: memref<!tpu.dma_semaphore, #tpu.memory_space<semaphore_mem>>, %arg11: memref<!tpu.dma_semaphore, #tpu.memory_space<semaphore_mem>>, %arg12: memref<!tpu.dma_semaphore, #tpu.memory_space<semaphore_mem>>, %arg13: memref<!tpu.dma_semaphore, #tpu.memory_space<semaphore_mem>>, %arg14: memref<!tpu.dma_semaphore, #tpu.memory_space<semaphore_mem>>) attributes {dimension_semantics = [#tpu.dimension_semantics<core_parallel>, #tpu.dimension_semantics<subcore_parallel>], iteration_bounds = array<i64: 2, 16>, scalar_prefetch = 0 : i64, scratch_operands = 9 : i64, tpu.core_type = #tpu.core_type<sc_vector_subcore>, window_params = [{transform_indices = #map}, {transform_indices = #map1}, {transform_indices = #map}, {transform_indices = #map}]} {
    %mul3A = arith.constant 16 : i32
    %mul3A_0 = arith.muli %arg0, %mul3A : i32
    %add3A = arith.addi %mul3A_0, %arg1 : i32
    %eq3A = arith.constant 15 : i32
    %eq3A_1 = arith.cmpi eq, %arg1, %eq3A : i32
    %mul3A_2 = arith.constant 632 : i32
    %mul3A_3 = arith.muli %arg1, %mul3A_2 : i32
    %jit3A = arith.constant 9368 : i32
    %select_n3A = arith.select %eq3A_1, %jit3A, %mul3A_3 : i32
    %multiple_of3A = tpu.assume_multiple %select_n3A, 8 : i32
    "tpu.region"() ({
      %run_scoped3A = tpu.sem_alloc : memref<!tpu.dma_semaphore, #tpu.memory_space<semaphore_mem>>
      %dma_start3A = arith.constant 0 : i32
      %dma_start3A_17 = tpu.memref_slice %arg8[%multiple_of3A, %dma_start3A] : memref<10000x128xf32, #tpu.memory_space<vmem_shared>> -> memref<632x128xf32, #tpu.memory_space<vmem_shared>>
      %dma_start3A_18 = arith.constant 0 : i32
      %dma_start3A_19 = tpu.memref_slice %arg2[%multiple_of3A, %dma_start3A_18] : memref<10000x128xf32, #tpu.memory_space<hbm>> -> memref<632x128xf32, #tpu.memory_space<hbm>>
      tpu.enqueue_dma source(%dma_start3A_19 : memref<632x128xf32, #tpu.memory_space<hbm>>) target(%dma_start3A_17 : memref<632x128xf32, #tpu.memory_space<vmem_shared>>) target_semaphore(%run_scoped3A : memref<!tpu.dma_semaphore, #tpu.memory_space<semaphore_mem>>)
      %dma_wait3A = arith.constant 0 : i32
      %dma_wait3A_20 = tpu.memref_slice %arg8[%multiple_of3A, %dma_wait3A] : memref<10000x128xf32, #tpu.memory_space<vmem_shared>> -> memref<632x128xf32, #tpu.memory_space<vmem_shared>>
      %dma_wait3A_21 = arith.constant 0 : i32
      %dma_wait3A_22 = tpu.memref_slice %arg2[%multiple_of3A, %dma_wait3A_21] : memref<10000x128xf32, #tpu.memory_space<hbm>> -> memref<632x128xf32, #tpu.memory_space<hbm>>
      tpu.wait_dma2 semaphore(%run_scoped3A : memref<!tpu.dma_semaphore, #tpu.memory_space<semaphore_mem>>) src(%dma_wait3A_22 : memref<632x128xf32, #tpu.memory_space<hbm>>) dst(%dma_wait3A_20 : memref<632x128xf32, #tpu.memory_space<vmem_shared>>)
      tpu.yield
    }) : () -> ()
    %barrier3A = arith.constant 0 : index
    tpu.barrier barrier_id(%barrier3A)
    %scan3A = arith.constant 0 : i32
    %scan3A_4 = arith.constant 5 : i32
    %scan3A_5 = arith.addi %scan3A, %scan3A_4 : i32
    %scan3A_6 = arith.constant 1 : i32
    scf.for %scan3A_17 = %scan3A to %scan3A_5 step %scan3A_6  : i32 {
      %mul3A_18 = arith.constant 1 : i32
      %mul3A_19 = arith.muli %scan3A_17, %mul3A_18 : i32
      %add3A_20 = arith.constant 0 : i32
      %add3A_21 = arith.addi %add3A_20, %mul3A_19 : i32
      "tpu.region"() ({
        %run_scoped3A = tpu.sem_alloc : memref<!tpu.dma_semaphore, #tpu.memory_space<semaphore_mem>>
        %dma_start3A_97 = arith.constant 0 : i32
        %dma_start3A_98 = arith.constant 0 : i32
        %dma_start3A_99 = arith.constant 0 : i32
        %dma_start3A_100 = tpu.memref_slice %arg3[%add3A, %dma_start3A_97, %dma_start3A_98, %dma_start3A_99] : memref<32x5x50x80xi32, #tpu.memory_space<hbm>> -> memref<1x5x50x80xi32, #tpu.memory_space<hbm>>
        %dma_start3A_101 = tpu.memref_squeeze %dma_start3A_100 : memref<1x5x50x80xi32, #tpu.memory_space<hbm>> -> memref<5x50x80xi32, #tpu.memory_space<hbm>>
        %dma_start3A_102 = arith.constant 0 : i32
        %dma_start3A_103 = arith.constant 0 : i32
        %dma_start3A_104 = tpu.memref_slice %dma_start3A_101[%add3A_21, %dma_start3A_102, %dma_start3A_103] : memref<5x50x80xi32, #tpu.memory_space<hbm>> -> memref<1x50x80xi32, #tpu.memory_space<hbm>>
        %dma_start3A_105 = tpu.memref_squeeze %dma_start3A_104 : memref<1x50x80xi32, #tpu.memory_space<hbm>> -> memref<50x80xi32, #tpu.memory_space<hbm>>
        %dma_start3A_106 = arith.constant 0 : i32
        %dma_start3A_107 = arith.constant 0 : i32
        %dma_start3A_108 = arith.constant 0 : i32
        %dma_start3A_109 = tpu.memref_slice %arg3[%add3A, %dma_start3A_106, %dma_start3A_107, %dma_start3A_108] : memref<32x5x50x80xi32, #tpu.memory_space<hbm>> -> memref<1x5x50x80xi32, #tpu.memory_space<hbm>>
        %dma_start3A_110 = tpu.memref_squeeze %dma_start3A_109 : memref<1x5x50x80xi32, #tpu.memory_space<hbm>> -> memref<5x50x80xi32, #tpu.memory_space<hbm>>
        %dma_start3A_111 = arith.constant 0 : i32
        %dma_start3A_112 = arith.constant 0 : i32
        %dma_start3A_113 = tpu.memref_slice %dma_start3A_110[%add3A_21, %dma_start3A_111, %dma_start3A_112] : memref<5x50x80xi32, #tpu.memory_space<hbm>> -> memref<1x50x80xi32, #tpu.memory_space<hbm>>
        %dma_start3A_114 = tpu.memref_squeeze %dma_start3A_113 : memref<1x50x80xi32, #tpu.memory_space<hbm>> -> memref<50x80xi32, #tpu.memory_space<hbm>>
        tpu.enqueue_dma source(%dma_start3A_114 : memref<50x80xi32, #tpu.memory_space<hbm>>) target(%arg6 : memref<50x80xi32, #tpu.memory_space<vmem>>) target_semaphore(%run_scoped3A : memref<!tpu.dma_semaphore, #tpu.memory_space<semaphore_mem>>)
        %dma_wait3A_115 = arith.constant 0 : i32
        %dma_wait3A_116 = arith.constant 0 : i32
        %dma_wait3A_117 = arith.constant 0 : i32
        %dma_wait3A_118 = tpu.memref_slice %arg3[%add3A, %dma_wait3A_115, %dma_wait3A_116, %dma_wait3A_117] : memref<32x5x50x80xi32, #tpu.memory_space<hbm>> -> memref<1x5x50x80xi32, #tpu.memory_space<hbm>>
        %dma_wait3A_119 = tpu.memref_squeeze %dma_wait3A_118 : memref<1x5x50x80xi32, #tpu.memory_space<hbm>> -> memref<5x50x80xi32, #tpu.memory_space<hbm>>
        %dma_wait3A_120 = arith.constant 0 : i32
        %dma_wait3A_121 = arith.constant 0 : i32
        %dma_wait3A_122 = tpu.memref_slice %dma_wait3A_119[%add3A_21, %dma_wait3A_120, %dma_wait3A_121] : memref<5x50x80xi32, #tpu.memory_space<hbm>> -> memref<1x50x80xi32, #tpu.memory_space<hbm>>
        %dma_wait3A_123 = tpu.memref_squeeze %dma_wait3A_122 : memref<1x50x80xi32, #tpu.memory_space<hbm>> -> memref<50x80xi32, #tpu.memory_space<hbm>>
        %dma_wait3A_124 = arith.constant 0 : i32
        %dma_wait3A_125 = arith.constant 0 : i32
        %dma_wait3A_126 = arith.constant 0 : i32
        %dma_wait3A_127 = tpu.memref_slice %arg3[%add3A, %dma_wait3A_124, %dma_wait3A_125, %dma_wait3A_126] : memref<32x5x50x80xi32, #tpu.memory_space<hbm>> -> memref<1x5x50x80xi32, #tpu.memory_space<hbm>>
        %dma_wait3A_128 = tpu.memref_squeeze %dma_wait3A_127 : memref<1x5x50x80xi32, #tpu.memory_space<hbm>> -> memref<5x50x80xi32, #tpu.memory_space<hbm>>
        %dma_wait3A_129 = arith.constant 0 : i32
        %dma_wait3A_130 = arith.constant 0 : i32
        %dma_wait3A_131 = tpu.memref_slice %dma_wait3A_128[%add3A_21, %dma_wait3A_129, %dma_wait3A_130] : memref<5x50x80xi32, #tpu.memory_space<hbm>> -> memref<1x50x80xi32, #tpu.memory_space<hbm>>
        %dma_wait3A_132 = tpu.memref_squeeze %dma_wait3A_131 : memref<1x50x80xi32, #tpu.memory_space<hbm>> -> memref<50x80xi32, #tpu.memory_space<hbm>>
        tpu.wait_dma2 semaphore(%run_scoped3A : memref<!tpu.dma_semaphore, #tpu.memory_space<semaphore_mem>>) src(%dma_wait3A_132 : memref<50x80xi32, #tpu.memory_space<hbm>>) dst(%arg6 : memref<50x80xi32, #tpu.memory_space<vmem>>)
        tpu.yield
      }) : () -> ()
      %dma_start3A = arith.constant 0 : i32
      %dma_start3A_22 = arith.constant 0 : i32
      %dma_start3A_23 = arith.constant 0 : i32
      %dma_start3A_24 = arith.constant 0 : i32
      %dma_start3A_25 = tpu.memref_slice %arg7[%dma_start3A_22, %dma_start3A_23, %dma_start3A_24] : memref<3x80x128xf32, #tpu.memory_space<vmem>> -> memref<1x80x128xf32, #tpu.memory_space<vmem>>
      %dma_start3A_26 = tpu.memref_squeeze %dma_start3A_25 : memref<1x80x128xf32, #tpu.memory_space<vmem>> -> memref<80x128xf32, #tpu.memory_space<vmem>>
      %dma_start3A_27 = arith.constant 0 : i32
      %dma_start3A_28 = tpu.memref_slice %arg6[%dma_start3A, %dma_start3A_27] : memref<50x80xi32, #tpu.memory_space<vmem>> -> memref<1x80xi32, #tpu.memory_space<vmem>>
      %dma_start3A_29 = tpu.memref_squeeze %dma_start3A_28 : memref<1x80xi32, #tpu.memory_space<vmem>> -> memref<80xi32, #tpu.memory_space<vmem>>
      %dma_start3A_30 = arith.constant 0 : i32
      %dma_start3A_31 = arith.constant 0 : i32
      %dma_start3A_32 = tpu.memref_slice %arg2[%dma_start3A_30, %dma_start3A_31] : memref<10000x128xf32, #tpu.memory_space<hbm>> -> memref<10000x128xf32, #tpu.memory_space<hbm>>
      tpu.enqueue_indirect_dma source(%dma_start3A_32 : memref<10000x128xf32, #tpu.memory_space<hbm>>) target(%dma_start3A_26 : memref<80x128xf32, #tpu.memory_space<vmem>>) offsets(%dma_start3A_29 : memref<80xi32, #tpu.memory_space<vmem>>) semaphore(%arg9 : memref<!tpu.dma_semaphore, #tpu.memory_space<semaphore_mem>>)
      %dma_start3A_33 = arith.constant 1 : i32
      %dma_start3A_34 = arith.constant 1 : i32
      %dma_start3A_35 = arith.constant 0 : i32
      %dma_start3A_36 = arith.constant 0 : i32
      %dma_start3A_37 = tpu.memref_slice %arg7[%dma_start3A_34, %dma_start3A_35, %dma_start3A_36] : memref<3x80x128xf32, #tpu.memory_space<vmem>> -> memref<1x80x128xf32, #tpu.memory_space<vmem>>
      %dma_start3A_38 = tpu.memref_squeeze %dma_start3A_37 : memref<1x80x128xf32, #tpu.memory_space<vmem>> -> memref<80x128xf32, #tpu.memory_space<vmem>>
      %dma_start3A_39 = arith.constant 0 : i32
      %dma_start3A_40 = tpu.memref_slice %arg6[%dma_start3A_33, %dma_start3A_39] : memref<50x80xi32, #tpu.memory_space<vmem>> -> memref<1x80xi32, #tpu.memory_space<vmem>>
      %dma_start3A_41 = tpu.memref_squeeze %dma_start3A_40 : memref<1x80xi32, #tpu.memory_space<vmem>> -> memref<80xi32, #tpu.memory_space<vmem>>
      %dma_start3A_42 = arith.constant 0 : i32
      %dma_start3A_43 = arith.constant 0 : i32
      %dma_start3A_44 = tpu.memref_slice %arg2[%dma_start3A_42, %dma_start3A_43] : memref<10000x128xf32, #tpu.memory_space<hbm>> -> memref<10000x128xf32, #tpu.memory_space<hbm>>
      tpu.enqueue_indirect_dma source(%dma_start3A_44 : memref<10000x128xf32, #tpu.memory_space<hbm>>) target(%dma_start3A_38 : memref<80x128xf32, #tpu.memory_space<vmem>>) offsets(%dma_start3A_41 : memref<80xi32, #tpu.memory_space<vmem>>) semaphore(%arg10 : memref<!tpu.dma_semaphore, #tpu.memory_space<semaphore_mem>>)
      %dma_start3A_45 = arith.constant 2 : i32
      %dma_start3A_46 = arith.constant 2 : i32
      %dma_start3A_47 = arith.constant 0 : i32
      %dma_start3A_48 = arith.constant 0 : i32
      %dma_start3A_49 = tpu.memref_slice %arg7[%dma_start3A_46, %dma_start3A_47, %dma_start3A_48] : memref<3x80x128xf32, #tpu.memory_space<vmem>> -> memref<1x80x128xf32, #tpu.memory_space<vmem>>
      %dma_start3A_50 = tpu.memref_squeeze %dma_start3A_49 : memref<1x80x128xf32, #tpu.memory_space<vmem>> -> memref<80x128xf32, #tpu.memory_space<vmem>>
      %dma_start3A_51 = arith.constant 0 : i32
      %dma_start3A_52 = tpu.memref_slice %arg6[%dma_start3A_45, %dma_start3A_51] : memref<50x80xi32, #tpu.memory_space<vmem>> -> memref<1x80xi32, #tpu.memory_space<vmem>>
      %dma_start3A_53 = tpu.memref_squeeze %dma_start3A_52 : memref<1x80xi32, #tpu.memory_space<vmem>> -> memref<80xi32, #tpu.memory_space<vmem>>
      %dma_start3A_54 = arith.constant 0 : i32
      %dma_start3A_55 = arith.constant 0 : i32
      %dma_start3A_56 = tpu.memref_slice %arg2[%dma_start3A_54, %dma_start3A_55] : memref<10000x128xf32, #tpu.memory_space<hbm>> -> memref<10000x128xf32, #tpu.memory_space<hbm>>
      tpu.enqueue_indirect_dma source(%dma_start3A_56 : memref<10000x128xf32, #tpu.memory_space<hbm>>) target(%dma_start3A_50 : memref<80x128xf32, #tpu.memory_space<vmem>>) offsets(%dma_start3A_53 : memref<80xi32, #tpu.memory_space<vmem>>) semaphore(%arg11 : memref<!tpu.dma_semaphore, #tpu.memory_space<semaphore_mem>>)
      %scan3A_57 = arith.constant 0 : i32
      %scan3A_58 = arith.constant 9 : i32
      %scan3A_59 = arith.addi %scan3A_57, %scan3A_58 : i32
      %scan3A_60 = arith.constant 1 : i32
      scf.for %scan3A_97 = %scan3A_57 to %scan3A_59 step %scan3A_60  : i32 {
        %mul3A_98 = arith.constant 3 : i32
        %mul3A_99 = arith.muli %scan3A_97, %mul3A_98 : i32
        %add3A_100 = arith.constant 0 : i32
        %add3A_101 = arith.addi %add3A_100, %mul3A_99 : i32
        %add3A_102 = arith.constant 0 : i32
        %add3A_103 = arith.addi %add3A_101, %add3A_102 : i32
        %lt3A = arith.constant 25 : i32
        %lt3A_104 = arith.cmpi slt, %add3A_103, %lt3A : i32
        %convert_element_type3A_105 = arith.extui %lt3A_104 : i1 to i32
        %cond3A_106 = arith.constant 0 : i32
        %cond3A_107 = arith.cmpi ne, %convert_element_type3A_105, %cond3A_106 : i32
        scf.if %cond3A_107 {
          %dma_wait3A_150 = arith.constant 0 : i32
          %dma_wait3A_151 = arith.constant 0 : i32
          %dma_wait3A_152 = arith.constant 0 : i32
          %dma_wait3A_153 = arith.constant 0 : i32
          %dma_wait3A_154 = tpu.memref_slice %arg7[%dma_wait3A_151, %dma_wait3A_152, %dma_wait3A_153] : memref<3x80x128xf32, #tpu.memory_space<vmem>> -> memref<1x80x128xf32, #tpu.memory_space<vmem>>
          %dma_wait3A_155 = tpu.memref_squeeze %dma_wait3A_154 : memref<1x80x128xf32, #tpu.memory_space<vmem>> -> memref<80x128xf32, #tpu.memory_space<vmem>>
          %dma_wait3A_156 = arith.constant 0 : i32
          %dma_wait3A_157 = tpu.memref_slice %arg6[%dma_wait3A_150, %dma_wait3A_156] : memref<50x80xi32, #tpu.memory_space<vmem>> -> memref<1x80xi32, #tpu.memory_space<vmem>>
          %dma_wait3A_158 = tpu.memref_squeeze %dma_wait3A_157 : memref<1x80xi32, #tpu.memory_space<vmem>> -> memref<80xi32, #tpu.memory_space<vmem>>
          %dma_wait3A_159 = arith.constant 0 : i32
          %dma_wait3A_160 = arith.constant 0 : i32
          %dma_wait3A_161 = tpu.memref_slice %arg2[%dma_wait3A_159, %dma_wait3A_160] : memref<10000x128xf32, #tpu.memory_space<hbm>> -> memref<10000x128xf32, #tpu.memory_space<hbm>>
          tpu.wait_indirect_dma semaphore(%arg9 : memref<!tpu.dma_semaphore, #tpu.memory_space<semaphore_mem>>) src(%dma_wait3A_161 : memref<10000x128xf32, #tpu.memory_space<hbm>>) dst(%dma_wait3A_155 : memref<80x128xf32, #tpu.memory_space<vmem>>)
          %add3A_162 = arith.constant 25 : i32
          %add3A_163 = arith.addi %add3A_162, %add3A_103 : i32
          %dma_start3A_164 = arith.constant 0 : i32
          %dma_start3A_165 = arith.constant 0 : i32
          %dma_start3A_166 = arith.constant 0 : i32
          %dma_start3A_167 = tpu.memref_slice %arg7[%dma_start3A_164, %dma_start3A_165, %dma_start3A_166] : memref<3x80x128xf32, #tpu.memory_space<vmem>> -> memref<1x80x128xf32, #tpu.memory_space<vmem>>
          %dma_start3A_168 = tpu.memref_squeeze %dma_start3A_167 : memref<1x80x128xf32, #tpu.memory_space<vmem>> -> memref<80x128xf32, #tpu.memory_space<vmem>>
          %dma_start3A_169 = arith.constant 0 : i32
          %dma_start3A_170 = tpu.memref_slice %arg6[%add3A_163, %dma_start3A_169] : memref<50x80xi32, #tpu.memory_space<vmem>> -> memref<1x80xi32, #tpu.memory_space<vmem>>
          %dma_start3A_171 = tpu.memref_squeeze %dma_start3A_170 : memref<1x80xi32, #tpu.memory_space<vmem>> -> memref<80xi32, #tpu.memory_space<vmem>>
          %dma_start3A_172 = arith.constant 0 : i32
          %dma_start3A_173 = arith.constant 0 : i32
          %dma_start3A_174 = tpu.memref_slice %arg8[%dma_start3A_172, %dma_start3A_173] : memref<10000x128xf32, #tpu.memory_space<vmem_shared>> -> memref<10000x128xf32, #tpu.memory_space<vmem_shared>>
          tpu.enqueue_indirect_dma source(%dma_start3A_168 : memref<80x128xf32, #tpu.memory_space<vmem>>) target(%dma_start3A_174 : memref<10000x128xf32, #tpu.memory_space<vmem_shared>>) offsets(%dma_start3A_171 : memref<80xi32, #tpu.memory_space<vmem>>) semaphore(%arg12 : memref<!tpu.dma_semaphore, #tpu.memory_space<semaphore_mem>>) {add = true}
        } else {
        }
        %ge3A = arith.constant 2 : i32
        %ge3A_108 = arith.cmpi sge, %add3A_103, %ge3A : i32
        %add3A_109 = arith.constant 1 : i32
        %add3A_110 = arith.addi %add3A_103, %add3A_109 : i32
        %lt3A_111 = arith.constant 25 : i32
        %lt3A_112 = arith.cmpi slt, %add3A_110, %lt3A_111 : i32
        %and3A = arith.andi %ge3A_108, %lt3A_112 : i1
        %convert_element_type3A_113 = arith.extui %and3A : i1 to i32
        %cond3A_114 = arith.constant 0 : i32
        %cond3A_115 = arith.cmpi ne, %convert_element_type3A_113, %cond3A_114 : i32
        scf.if %cond3A_115 {
          %dma_wait3A_150 = arith.constant 1 : i32
          %dma_wait3A_151 = arith.constant 25 : i32
          %dma_wait3A_152 = arith.constant 0 : i32
          %dma_wait3A_153 = arith.constant 0 : i32
          %dma_wait3A_154 = tpu.memref_slice %arg7[%dma_wait3A_150, %dma_wait3A_152, %dma_wait3A_153] : memref<3x80x128xf32, #tpu.memory_space<vmem>> -> memref<1x80x128xf32, #tpu.memory_space<vmem>>
          %dma_wait3A_155 = tpu.memref_squeeze %dma_wait3A_154 : memref<1x80x128xf32, #tpu.memory_space<vmem>> -> memref<80x128xf32, #tpu.memory_space<vmem>>
          %dma_wait3A_156 = arith.constant 0 : i32
          %dma_wait3A_157 = tpu.memref_slice %arg6[%dma_wait3A_151, %dma_wait3A_156] : memref<50x80xi32, #tpu.memory_space<vmem>> -> memref<1x80xi32, #tpu.memory_space<vmem>>
          %dma_wait3A_158 = tpu.memref_squeeze %dma_wait3A_157 : memref<1x80xi32, #tpu.memory_space<vmem>> -> memref<80xi32, #tpu.memory_space<vmem>>
          %dma_wait3A_159 = arith.constant 0 : i32
          %dma_wait3A_160 = arith.constant 0 : i32
          %dma_wait3A_161 = tpu.memref_slice %arg8[%dma_wait3A_159, %dma_wait3A_160] : memref<10000x128xf32, #tpu.memory_space<vmem_shared>> -> memref<10000x128xf32, #tpu.memory_space<vmem_shared>>
          tpu.wait_indirect_dma semaphore(%arg13 : memref<!tpu.dma_semaphore, #tpu.memory_space<semaphore_mem>>) src(%dma_wait3A_155 : memref<80x128xf32, #tpu.memory_space<vmem>>) dst(%dma_wait3A_161 : memref<10000x128xf32, #tpu.memory_space<vmem_shared>>)
          %add3A_162 = arith.constant 1 : i32
          %add3A_163 = arith.addi %add3A_103, %add3A_162 : i32
          %dma_start3A_164 = arith.constant 1 : i32
          %dma_start3A_165 = arith.constant 0 : i32
          %dma_start3A_166 = arith.constant 0 : i32
          %dma_start3A_167 = tpu.memref_slice %arg7[%dma_start3A_164, %dma_start3A_165, %dma_start3A_166] : memref<3x80x128xf32, #tpu.memory_space<vmem>> -> memref<1x80x128xf32, #tpu.memory_space<vmem>>
          %dma_start3A_168 = tpu.memref_squeeze %dma_start3A_167 : memref<1x80x128xf32, #tpu.memory_space<vmem>> -> memref<80x128xf32, #tpu.memory_space<vmem>>
          %dma_start3A_169 = arith.constant 0 : i32
          %dma_start3A_170 = tpu.memref_slice %arg6[%add3A_163, %dma_start3A_169] : memref<50x80xi32, #tpu.memory_space<vmem>> -> memref<1x80xi32, #tpu.memory_space<vmem>>
          %dma_start3A_171 = tpu.memref_squeeze %dma_start3A_170 : memref<1x80xi32, #tpu.memory_space<vmem>> -> memref<80xi32, #tpu.memory_space<vmem>>
          %dma_start3A_172 = arith.constant 0 : i32
          %dma_start3A_173 = arith.constant 0 : i32
          %dma_start3A_174 = tpu.memref_slice %arg2[%dma_start3A_172, %dma_start3A_173] : memref<10000x128xf32, #tpu.memory_space<hbm>> -> memref<10000x128xf32, #tpu.memory_space<hbm>>
          tpu.enqueue_indirect_dma source(%dma_start3A_174 : memref<10000x128xf32, #tpu.memory_space<hbm>>) target(%dma_start3A_168 : memref<80x128xf32, #tpu.memory_space<vmem>>) offsets(%dma_start3A_171 : memref<80xi32, #tpu.memory_space<vmem>>) semaphore(%arg10 : memref<!tpu.dma_semaphore, #tpu.memory_space<semaphore_mem>>)
        } else {
        }
        %add3A_116 = arith.constant 1 : i32
        %add3A_117 = arith.addi %add3A_101, %add3A_116 : i32
        %lt3A_118 = arith.constant 25 : i32
        %lt3A_119 = arith.cmpi slt, %add3A_117, %lt3A_118 : i32
        %convert_element_type3A_120 = arith.extui %lt3A_119 : i1 to i32
        %cond3A_121 = arith.constant 0 : i32
        %cond3A_122 = arith.cmpi ne, %convert_element_type3A_120, %cond3A_121 : i32
        scf.if %cond3A_122 {
          %dma_wait3A_150 = arith.constant 0 : i32
          %dma_wait3A_151 = arith.constant 1 : i32
          %dma_wait3A_152 = arith.constant 0 : i32
          %dma_wait3A_153 = arith.constant 0 : i32
          %dma_wait3A_154 = tpu.memref_slice %arg7[%dma_wait3A_151, %dma_wait3A_152, %dma_wait3A_153] : memref<3x80x128xf32, #tpu.memory_space<vmem>> -> memref<1x80x128xf32, #tpu.memory_space<vmem>>
          %dma_wait3A_155 = tpu.memref_squeeze %dma_wait3A_154 : memref<1x80x128xf32, #tpu.memory_space<vmem>> -> memref<80x128xf32, #tpu.memory_space<vmem>>
          %dma_wait3A_156 = arith.constant 0 : i32
          %dma_wait3A_157 = tpu.memref_slice %arg6[%dma_wait3A_150, %dma_wait3A_156] : memref<50x80xi32, #tpu.memory_space<vmem>> -> memref<1x80xi32, #tpu.memory_space<vmem>>
          %dma_wait3A_158 = tpu.memref_squeeze %dma_wait3A_157 : memref<1x80xi32, #tpu.memory_space<vmem>> -> memref<80xi32, #tpu.memory_space<vmem>>
          %dma_wait3A_159 = arith.constant 0 : i32
          %dma_wait3A_160 = arith.constant 0 : i32
          %dma_wait3A_161 = tpu.memref_slice %arg2[%dma_wait3A_159, %dma_wait3A_160] : memref<10000x128xf32, #tpu.memory_space<hbm>> -> memref<10000x128xf32, #tpu.memory_space<hbm>>
          tpu.wait_indirect_dma semaphore(%arg10 : memref<!tpu.dma_semaphore, #tpu.memory_space<semaphore_mem>>) src(%dma_wait3A_161 : memref<10000x128xf32, #tpu.memory_space<hbm>>) dst(%dma_wait3A_155 : memref<80x128xf32, #tpu.memory_space<vmem>>)
          %add3A_162 = arith.constant 25 : i32
          %add3A_163 = arith.addi %add3A_162, %add3A_117 : i32
          %dma_start3A_164 = arith.constant 1 : i32
          %dma_start3A_165 = arith.constant 0 : i32
          %dma_start3A_166 = arith.constant 0 : i32
          %dma_start3A_167 = tpu.memref_slice %arg7[%dma_start3A_164, %dma_start3A_165, %dma_start3A_166] : memref<3x80x128xf32, #tpu.memory_space<vmem>> -> memref<1x80x128xf32, #tpu.memory_space<vmem>>
          %dma_start3A_168 = tpu.memref_squeeze %dma_start3A_167 : memref<1x80x128xf32, #tpu.memory_space<vmem>> -> memref<80x128xf32, #tpu.memory_space<vmem>>
          %dma_start3A_169 = arith.constant 0 : i32
          %dma_start3A_170 = tpu.memref_slice %arg6[%add3A_163, %dma_start3A_169] : memref<50x80xi32, #tpu.memory_space<vmem>> -> memref<1x80xi32, #tpu.memory_space<vmem>>
          %dma_start3A_171 = tpu.memref_squeeze %dma_start3A_170 : memref<1x80xi32, #tpu.memory_space<vmem>> -> memref<80xi32, #tpu.memory_space<vmem>>
          %dma_start3A_172 = arith.constant 0 : i32
          %dma_start3A_173 = arith.constant 0 : i32
          %dma_start3A_174 = tpu.memref_slice %arg8[%dma_start3A_172, %dma_start3A_173] : memref<10000x128xf32, #tpu.memory_space<vmem_shared>> -> memref<10000x128xf32, #tpu.memory_space<vmem_shared>>
          tpu.enqueue_indirect_dma source(%dma_start3A_168 : memref<80x128xf32, #tpu.memory_space<vmem>>) target(%dma_start3A_174 : memref<10000x128xf32, #tpu.memory_space<vmem_shared>>) offsets(%dma_start3A_171 : memref<80xi32, #tpu.memory_space<vmem>>) semaphore(%arg13 : memref<!tpu.dma_semaphore, #tpu.memory_space<semaphore_mem>>) {add = true}
        } else {
        }
        %ge3A_123 = arith.constant 2 : i32
        %ge3A_124 = arith.cmpi sge, %add3A_117, %ge3A_123 : i32
        %add3A_125 = arith.constant 1 : i32
        %add3A_126 = arith.addi %add3A_117, %add3A_125 : i32
        %lt3A_127 = arith.constant 25 : i32
        %lt3A_128 = arith.cmpi slt, %add3A_126, %lt3A_127 : i32
        %and3A_129 = arith.andi %ge3A_124, %lt3A_128 : i1
        %convert_element_type3A_130 = arith.extui %and3A_129 : i1 to i32
        %cond3A_131 = arith.constant 0 : i32
        %cond3A_132 = arith.cmpi ne, %convert_element_type3A_130, %cond3A_131 : i32
        scf.if %cond3A_132 {
          %dma_wait3A_150 = arith.constant 2 : i32
          %dma_wait3A_151 = arith.constant 25 : i32
          %dma_wait3A_152 = arith.constant 0 : i32
          %dma_wait3A_153 = arith.constant 0 : i32
          %dma_wait3A_154 = tpu.memref_slice %arg7[%dma_wait3A_150, %dma_wait3A_152, %dma_wait3A_153] : memref<3x80x128xf32, #tpu.memory_space<vmem>> -> memref<1x80x128xf32, #tpu.memory_space<vmem>>
          %dma_wait3A_155 = tpu.memref_squeeze %dma_wait3A_154 : memref<1x80x128xf32, #tpu.memory_space<vmem>> -> memref<80x128xf32, #tpu.memory_space<vmem>>
          %dma_wait3A_156 = arith.constant 0 : i32
          %dma_wait3A_157 = tpu.memref_slice %arg6[%dma_wait3A_151, %dma_wait3A_156] : memref<50x80xi32, #tpu.memory_space<vmem>> -> memref<1x80xi32, #tpu.memory_space<vmem>>
          %dma_wait3A_158 = tpu.memref_squeeze %dma_wait3A_157 : memref<1x80xi32, #tpu.memory_space<vmem>> -> memref<80xi32, #tpu.memory_space<vmem>>
          %dma_wait3A_159 = arith.constant 0 : i32
          %dma_wait3A_160 = arith.constant 0 : i32
          %dma_wait3A_161 = tpu.memref_slice %arg8[%dma_wait3A_159, %dma_wait3A_160] : memref<10000x128xf32, #tpu.memory_space<vmem_shared>> -> memref<10000x128xf32, #tpu.memory_space<vmem_shared>>
          tpu.wait_indirect_dma semaphore(%arg14 : memref<!tpu.dma_semaphore, #tpu.memory_space<semaphore_mem>>) src(%dma_wait3A_155 : memref<80x128xf32, #tpu.memory_space<vmem>>) dst(%dma_wait3A_161 : memref<10000x128xf32, #tpu.memory_space<vmem_shared>>)
          %add3A_162 = arith.constant 1 : i32
          %add3A_163 = arith.addi %add3A_117, %add3A_162 : i32
          %dma_start3A_164 = arith.constant 2 : i32
          %dma_start3A_165 = arith.constant 0 : i32
          %dma_start3A_166 = arith.constant 0 : i32
          %dma_start3A_167 = tpu.memref_slice %arg7[%dma_start3A_164, %dma_start3A_165, %dma_start3A_166] : memref<3x80x128xf32, #tpu.memory_space<vmem>> -> memref<1x80x128xf32, #tpu.memory_space<vmem>>
          %dma_start3A_168 = tpu.memref_squeeze %dma_start3A_167 : memref<1x80x128xf32, #tpu.memory_space<vmem>> -> memref<80x128xf32, #tpu.memory_space<vmem>>
          %dma_start3A_169 = arith.constant 0 : i32
          %dma_start3A_170 = tpu.memref_slice %arg6[%add3A_163, %dma_start3A_169] : memref<50x80xi32, #tpu.memory_space<vmem>> -> memref<1x80xi32, #tpu.memory_space<vmem>>
          %dma_start3A_171 = tpu.memref_squeeze %dma_start3A_170 : memref<1x80xi32, #tpu.memory_space<vmem>> -> memref<80xi32, #tpu.memory_space<vmem>>
          %dma_start3A_172 = arith.constant 0 : i32
          %dma_start3A_173 = arith.constant 0 : i32
          %dma_start3A_174 = tpu.memref_slice %arg2[%dma_start3A_172, %dma_start3A_173] : memref<10000x128xf32, #tpu.memory_space<hbm>> -> memref<10000x128xf32, #tpu.memory_space<hbm>>
          tpu.enqueue_indirect_dma source(%dma_start3A_174 : memref<10000x128xf32, #tpu.memory_space<hbm>>) target(%dma_start3A_168 : memref<80x128xf32, #tpu.memory_space<vmem>>) offsets(%dma_start3A_171 : memref<80xi32, #tpu.memory_space<vmem>>) semaphore(%arg11 : memref<!tpu.dma_semaphore, #tpu.memory_space<semaphore_mem>>)
        } else {
        }
        %add3A_133 = arith.constant 2 : i32
        %add3A_134 = arith.addi %add3A_101, %add3A_133 : i32
        %lt3A_135 = arith.constant 25 : i32
        %lt3A_136 = arith.cmpi slt, %add3A_134, %lt3A_135 : i32
        %convert_element_type3A_137 = arith.extui %lt3A_136 : i1 to i32
        %cond3A_138 = arith.constant 0 : i32
        %cond3A_139 = arith.cmpi ne, %convert_element_type3A_137, %cond3A_138 : i32
        scf.if %cond3A_139 {
          %dma_wait3A_150 = arith.constant 0 : i32
          %dma_wait3A_151 = arith.constant 2 : i32
          %dma_wait3A_152 = arith.constant 0 : i32
          %dma_wait3A_153 = arith.constant 0 : i32
          %dma_wait3A_154 = tpu.memref_slice %arg7[%dma_wait3A_151, %dma_wait3A_152, %dma_wait3A_153] : memref<3x80x128xf32, #tpu.memory_space<vmem>> -> memref<1x80x128xf32, #tpu.memory_space<vmem>>
          %dma_wait3A_155 = tpu.memref_squeeze %dma_wait3A_154 : memref<1x80x128xf32, #tpu.memory_space<vmem>> -> memref<80x128xf32, #tpu.memory_space<vmem>>
          %dma_wait3A_156 = arith.constant 0 : i32
          %dma_wait3A_157 = tpu.memref_slice %arg6[%dma_wait3A_150, %dma_wait3A_156] : memref<50x80xi32, #tpu.memory_space<vmem>> -> memref<1x80xi32, #tpu.memory_space<vmem>>
          %dma_wait3A_158 = tpu.memref_squeeze %dma_wait3A_157 : memref<1x80xi32, #tpu.memory_space<vmem>> -> memref<80xi32, #tpu.memory_space<vmem>>
          %dma_wait3A_159 = arith.constant 0 : i32
          %dma_wait3A_160 = arith.constant 0 : i32
          %dma_wait3A_161 = tpu.memref_slice %arg2[%dma_wait3A_159, %dma_wait3A_160] : memref<10000x128xf32, #tpu.memory_space<hbm>> -> memref<10000x128xf32, #tpu.memory_space<hbm>>
          tpu.wait_indirect_dma semaphore(%arg11 : memref<!tpu.dma_semaphore, #tpu.memory_space<semaphore_mem>>) src(%dma_wait3A_161 : memref<10000x128xf32, #tpu.memory_space<hbm>>) dst(%dma_wait3A_155 : memref<80x128xf32, #tpu.memory_space<vmem>>)
          %add3A_162 = arith.constant 25 : i32
          %add3A_163 = arith.addi %add3A_162, %add3A_134 : i32
          %dma_start3A_164 = arith.constant 2 : i32
          %dma_start3A_165 = arith.constant 0 : i32
          %dma_start3A_166 = arith.constant 0 : i32
          %dma_start3A_167 = tpu.memref_slice %arg7[%dma_start3A_164, %dma_start3A_165, %dma_start3A_166] : memref<3x80x128xf32, #tpu.memory_space<vmem>> -> memref<1x80x128xf32, #tpu.memory_space<vmem>>
          %dma_start3A_168 = tpu.memref_squeeze %dma_start3A_167 : memref<1x80x128xf32, #tpu.memory_space<vmem>> -> memref<80x128xf32, #tpu.memory_space<vmem>>
          %dma_start3A_169 = arith.constant 0 : i32
          %dma_start3A_170 = tpu.memref_slice %arg6[%add3A_163, %dma_start3A_169] : memref<50x80xi32, #tpu.memory_space<vmem>> -> memref<1x80xi32, #tpu.memory_space<vmem>>
          %dma_start3A_171 = tpu.memref_squeeze %dma_start3A_170 : memref<1x80xi32, #tpu.memory_space<vmem>> -> memref<80xi32, #tpu.memory_space<vmem>>
          %dma_start3A_172 = arith.constant 0 : i32
          %dma_start3A_173 = arith.constant 0 : i32
          %dma_start3A_174 = tpu.memref_slice %arg8[%dma_start3A_172, %dma_start3A_173] : memref<10000x128xf32, #tpu.memory_space<vmem_shared>> -> memref<10000x128xf32, #tpu.memory_space<vmem_shared>>
          tpu.enqueue_indirect_dma source(%dma_start3A_168 : memref<80x128xf32, #tpu.memory_space<vmem>>) target(%dma_start3A_174 : memref<10000x128xf32, #tpu.memory_space<vmem_shared>>) offsets(%dma_start3A_171 : memref<80xi32, #tpu.memory_space<vmem>>) semaphore(%arg14 : memref<!tpu.dma_semaphore, #tpu.memory_space<semaphore_mem>>) {add = true}
        } else {
        }
        %ge3A_140 = arith.constant 2 : i32
        %ge3A_141 = arith.cmpi sge, %add3A_134, %ge3A_140 : i32
        %add3A_142 = arith.constant 1 : i32
        %add3A_143 = arith.addi %add3A_134, %add3A_142 : i32
        %lt3A_144 = arith.constant 25 : i32
        %lt3A_145 = arith.cmpi slt, %add3A_143, %lt3A_144 : i32
        %and3A_146 = arith.andi %ge3A_141, %lt3A_145 : i1
        %convert_element_type3A_147 = arith.extui %and3A_146 : i1 to i32
        %cond3A_148 = arith.constant 0 : i32
        %cond3A_149 = arith.cmpi ne, %convert_element_type3A_147, %cond3A_148 : i32
        scf.if %cond3A_149 {
          %dma_wait3A_150 = arith.constant 0 : i32
          %dma_wait3A_151 = arith.constant 25 : i32
          %dma_wait3A_152 = arith.constant 0 : i32
          %dma_wait3A_153 = arith.constant 0 : i32
          %dma_wait3A_154 = tpu.memref_slice %arg7[%dma_wait3A_150, %dma_wait3A_152, %dma_wait3A_153] : memref<3x80x128xf32, #tpu.memory_space<vmem>> -> memref<1x80x128xf32, #tpu.memory_space<vmem>>
          %dma_wait3A_155 = tpu.memref_squeeze %dma_wait3A_154 : memref<1x80x128xf32, #tpu.memory_space<vmem>> -> memref<80x128xf32, #tpu.memory_space<vmem>>
          %dma_wait3A_156 = arith.constant 0 : i32
          %dma_wait3A_157 = tpu.memref_slice %arg6[%dma_wait3A_151, %dma_wait3A_156] : memref<50x80xi32, #tpu.memory_space<vmem>> -> memref<1x80xi32, #tpu.memory_space<vmem>>
          %dma_wait3A_158 = tpu.memref_squeeze %dma_wait3A_157 : memref<1x80xi32, #tpu.memory_space<vmem>> -> memref<80xi32, #tpu.memory_space<vmem>>
          %dma_wait3A_159 = arith.constant 0 : i32
          %dma_wait3A_160 = arith.constant 0 : i32
          %dma_wait3A_161 = tpu.memref_slice %arg8[%dma_wait3A_159, %dma_wait3A_160] : memref<10000x128xf32, #tpu.memory_space<vmem_shared>> -> memref<10000x128xf32, #tpu.memory_space<vmem_shared>>
          tpu.wait_indirect_dma semaphore(%arg12 : memref<!tpu.dma_semaphore, #tpu.memory_space<semaphore_mem>>) src(%dma_wait3A_155 : memref<80x128xf32, #tpu.memory_space<vmem>>) dst(%dma_wait3A_161 : memref<10000x128xf32, #tpu.memory_space<vmem_shared>>)
          %add3A_162 = arith.constant 1 : i32
          %add3A_163 = arith.addi %add3A_134, %add3A_162 : i32
          %dma_start3A_164 = arith.constant 0 : i32
          %dma_start3A_165 = arith.constant 0 : i32
          %dma_start3A_166 = arith.constant 0 : i32
          %dma_start3A_167 = tpu.memref_slice %arg7[%dma_start3A_164, %dma_start3A_165, %dma_start3A_166] : memref<3x80x128xf32, #tpu.memory_space<vmem>> -> memref<1x80x128xf32, #tpu.memory_space<vmem>>
          %dma_start3A_168 = tpu.memref_squeeze %dma_start3A_167 : memref<1x80x128xf32, #tpu.memory_space<vmem>> -> memref<80x128xf32, #tpu.memory_space<vmem>>
          %dma_start3A_169 = arith.constant 0 : i32
          %dma_start3A_170 = tpu.memref_slice %arg6[%add3A_163, %dma_start3A_169] : memref<50x80xi32, #tpu.memory_space<vmem>> -> memref<1x80xi32, #tpu.memory_space<vmem>>
          %dma_start3A_171 = tpu.memref_squeeze %dma_start3A_170 : memref<1x80xi32, #tpu.memory_space<vmem>> -> memref<80xi32, #tpu.memory_space<vmem>>
          %dma_start3A_172 = arith.constant 0 : i32
          %dma_start3A_173 = arith.constant 0 : i32
          %dma_start3A_174 = tpu.memref_slice %arg2[%dma_start3A_172, %dma_start3A_173] : memref<10000x128xf32, #tpu.memory_space<hbm>> -> memref<10000x128xf32, #tpu.memory_space<hbm>>
          tpu.enqueue_indirect_dma source(%dma_start3A_174 : memref<10000x128xf32, #tpu.memory_space<hbm>>) target(%dma_start3A_168 : memref<80x128xf32, #tpu.memory_space<vmem>>) offsets(%dma_start3A_171 : memref<80xi32, #tpu.memory_space<vmem>>) semaphore(%arg9 : memref<!tpu.dma_semaphore, #tpu.memory_space<semaphore_mem>>)
        } else {
        }
      }
      %scan3A_61 = arith.constant 9 : i32
      %dma_wait3A = arith.constant 0 : i32
      %dma_wait3A_62 = arith.constant 25 : i32
      %dma_wait3A_63 = arith.constant 0 : i32
      %dma_wait3A_64 = arith.constant 0 : i32
      %dma_wait3A_65 = tpu.memref_slice %arg7[%dma_wait3A, %dma_wait3A_63, %dma_wait3A_64] : memref<3x80x128xf32, #tpu.memory_space<vmem>> -> memref<1x80x128xf32, #tpu.memory_space<vmem>>
      %dma_wait3A_66 = tpu.memref_squeeze %dma_wait3A_65 : memref<1x80x128xf32, #tpu.memory_space<vmem>> -> memref<80x128xf32, #tpu.memory_space<vmem>>
      %dma_wait3A_67 = arith.constant 0 : i32
      %dma_wait3A_68 = tpu.memref_slice %arg6[%dma_wait3A_62, %dma_wait3A_67] : memref<50x80xi32, #tpu.memory_space<vmem>> -> memref<1x80xi32, #tpu.memory_space<vmem>>
      %dma_wait3A_69 = tpu.memref_squeeze %dma_wait3A_68 : memref<1x80xi32, #tpu.memory_space<vmem>> -> memref<80xi32, #tpu.memory_space<vmem>>
      %dma_wait3A_70 = arith.constant 0 : i32
      %dma_wait3A_71 = arith.constant 0 : i32
      %dma_wait3A_72 = tpu.memref_slice %arg8[%dma_wait3A_70, %dma_wait3A_71] : memref<10000x128xf32, #tpu.memory_space<vmem_shared>> -> memref<10000x128xf32, #tpu.memory_space<vmem_shared>>
      tpu.wait_indirect_dma semaphore(%arg12 : memref<!tpu.dma_semaphore, #tpu.memory_space<semaphore_mem>>) src(%dma_wait3A_66 : memref<80x128xf32, #tpu.memory_space<vmem>>) dst(%dma_wait3A_72 : memref<10000x128xf32, #tpu.memory_space<vmem_shared>>)
      %dma_wait3A_73 = arith.constant 1 : i32
      %dma_wait3A_74 = arith.constant 25 : i32
      %dma_wait3A_75 = arith.constant 0 : i32
      %dma_wait3A_76 = arith.constant 0 : i32
      %dma_wait3A_77 = tpu.memref_slice %arg7[%dma_wait3A_73, %dma_wait3A_75, %dma_wait3A_76] : memref<3x80x128xf32, #tpu.memory_space<vmem>> -> memref<1x80x128xf32, #tpu.memory_space<vmem>>
      %dma_wait3A_78 = tpu.memref_squeeze %dma_wait3A_77 : memref<1x80x128xf32, #tpu.memory_space<vmem>> -> memref<80x128xf32, #tpu.memory_space<vmem>>
      %dma_wait3A_79 = arith.constant 0 : i32
      %dma_wait3A_80 = tpu.memref_slice %arg6[%dma_wait3A_74, %dma_wait3A_79] : memref<50x80xi32, #tpu.memory_space<vmem>> -> memref<1x80xi32, #tpu.memory_space<vmem>>
      %dma_wait3A_81 = tpu.memref_squeeze %dma_wait3A_80 : memref<1x80xi32, #tpu.memory_space<vmem>> -> memref<80xi32, #tpu.memory_space<vmem>>
      %dma_wait3A_82 = arith.constant 0 : i32
      %dma_wait3A_83 = arith.constant 0 : i32
      %dma_wait3A_84 = tpu.memref_slice %arg8[%dma_wait3A_82, %dma_wait3A_83] : memref<10000x128xf32, #tpu.memory_space<vmem_shared>> -> memref<10000x128xf32, #tpu.memory_space<vmem_shared>>
      tpu.wait_indirect_dma semaphore(%arg13 : memref<!tpu.dma_semaphore, #tpu.memory_space<semaphore_mem>>) src(%dma_wait3A_78 : memref<80x128xf32, #tpu.memory_space<vmem>>) dst(%dma_wait3A_84 : memref<10000x128xf32, #tpu.memory_space<vmem_shared>>)
      %dma_wait3A_85 = arith.constant 2 : i32
      %dma_wait3A_86 = arith.constant 25 : i32
      %dma_wait3A_87 = arith.constant 0 : i32
      %dma_wait3A_88 = arith.constant 0 : i32
      %dma_wait3A_89 = tpu.memref_slice %arg7[%dma_wait3A_85, %dma_wait3A_87, %dma_wait3A_88] : memref<3x80x128xf32, #tpu.memory_space<vmem>> -> memref<1x80x128xf32, #tpu.memory_space<vmem>>
      %dma_wait3A_90 = tpu.memref_squeeze %dma_wait3A_89 : memref<1x80x128xf32, #tpu.memory_space<vmem>> -> memref<80x128xf32, #tpu.memory_space<vmem>>
      %dma_wait3A_91 = arith.constant 0 : i32
      %dma_wait3A_92 = tpu.memref_slice %arg6[%dma_wait3A_86, %dma_wait3A_91] : memref<50x80xi32, #tpu.memory_space<vmem>> -> memref<1x80xi32, #tpu.memory_space<vmem>>
      %dma_wait3A_93 = tpu.memref_squeeze %dma_wait3A_92 : memref<1x80xi32, #tpu.memory_space<vmem>> -> memref<80xi32, #tpu.memory_space<vmem>>
      %dma_wait3A_94 = arith.constant 0 : i32
      %dma_wait3A_95 = arith.constant 0 : i32
      %dma_wait3A_96 = tpu.memref_slice %arg8[%dma_wait3A_94, %dma_wait3A_95] : memref<10000x128xf32, #tpu.memory_space<vmem_shared>> -> memref<10000x128xf32, #tpu.memory_space<vmem_shared>>
      tpu.wait_indirect_dma semaphore(%arg14 : memref<!tpu.dma_semaphore, #tpu.memory_space<semaphore_mem>>) src(%dma_wait3A_90 : memref<80x128xf32, #tpu.memory_space<vmem>>) dst(%dma_wait3A_96 : memref<10000x128xf32, #tpu.memory_space<vmem_shared>>)
    }
    %scan3A_7 = arith.constant 5 : i32
    %barrier3A_8 = arith.constant 0 : index
    tpu.barrier barrier_id(%barrier3A_8)
    %eq3A_9 = arith.constant 0 : i32
    %eq3A_10 = arith.cmpi eq, %arg0, %eq3A_9 : i32
    %convert_element_type3A = arith.extui %eq3A_10 : i1 to i32
    %cond3A = arith.constant 0 : i32
    %cond3A_11 = arith.cmpi ne, %convert_element_type3A, %cond3A : i32
    scf.if %cond3A_11 {
      "tpu.region"() ({
        %run_scoped3A = tpu.sem_alloc : memref<!tpu.dma_semaphore, #tpu.memory_space<semaphore_mem>>
        %dma_start3A = arith.constant 0 : i32
        %dma_start3A_17 = tpu.memref_slice %arg4[%multiple_of3A, %dma_start3A] : memref<10000x128xf32, #tpu.memory_space<hbm>> -> memref<632x128xf32, #tpu.memory_space<hbm>>
        %dma_start3A_18 = arith.constant 0 : i32
        %dma_start3A_19 = tpu.memref_slice %arg8[%multiple_of3A, %dma_start3A_18] : memref<10000x128xf32, #tpu.memory_space<vmem_shared>> -> memref<632x128xf32, #tpu.memory_space<vmem_shared>>
        tpu.enqueue_dma source(%dma_start3A_19 : memref<632x128xf32, #tpu.memory_space<vmem_shared>>) target(%dma_start3A_17 : memref<632x128xf32, #tpu.memory_space<hbm>>) target_semaphore(%run_scoped3A : memref<!tpu.dma_semaphore, #tpu.memory_space<semaphore_mem>>)
        %dma_wait3A = arith.constant 0 : i32
        %dma_wait3A_20 = tpu.memref_slice %arg4[%multiple_of3A, %dma_wait3A] : memref<10000x128xf32, #tpu.memory_space<hbm>> -> memref<632x128xf32, #tpu.memory_space<hbm>>
        %dma_wait3A_21 = arith.constant 0 : i32
        %dma_wait3A_22 = tpu.memref_slice %arg8[%multiple_of3A, %dma_wait3A_21] : memref<10000x128xf32, #tpu.memory_space<vmem_shared>> -> memref<632x128xf32, #tpu.memory_space<vmem_shared>>
        tpu.wait_dma2 semaphore(%run_scoped3A : memref<!tpu.dma_semaphore, #tpu.memory_space<semaphore_mem>>) src(%dma_wait3A_22 : memref<632x128xf32, #tpu.memory_space<vmem_shared>>) dst(%dma_wait3A_20 : memref<632x128xf32, #tpu.memory_space<hbm>>)
        tpu.yield
      }) : () -> ()
    } else {
    }
    %eq3A_12 = arith.constant 1 : i32
    %eq3A_13 = arith.cmpi eq, %arg0, %eq3A_12 : i32
    %convert_element_type3A_14 = arith.extui %eq3A_13 : i1 to i32
    %cond3A_15 = arith.constant 0 : i32
    %cond3A_16 = arith.cmpi ne, %convert_element_type3A_14, %cond3A_15 : i32
    scf.if %cond3A_16 {
      "tpu.region"() ({
        %run_scoped3A = tpu.sem_alloc : memref<!tpu.dma_semaphore, #tpu.memory_space<semaphore_mem>>
        %dma_start3A = arith.constant 0 : i32
        %dma_start3A_17 = tpu.memref_slice %arg5[%multiple_of3A, %dma_start3A] : memref<10000x128xf32, #tpu.memory_space<hbm>> -> memref<632x128xf32, #tpu.memory_space<hbm>>
        %dma_start3A_18 = arith.constant 0 : i32
        %dma_start3A_19 = tpu.memref_slice %arg8[%multiple_of3A, %dma_start3A_18] : memref<10000x128xf32, #tpu.memory_space<vmem_shared>> -> memref<632x128xf32, #tpu.memory_space<vmem_shared>>
        tpu.enqueue_dma source(%dma_start3A_19 : memref<632x128xf32, #tpu.memory_space<vmem_shared>>) target(%dma_start3A_17 : memref<632x128xf32, #tpu.memory_space<hbm>>) target_semaphore(%run_scoped3A : memref<!tpu.dma_semaphore, #tpu.memory_space<semaphore_mem>>)
        %dma_wait3A = arith.constant 0 : i32
        %dma_wait3A_20 = tpu.memref_slice %arg5[%multiple_of3A, %dma_wait3A] : memref<10000x128xf32, #tpu.memory_space<hbm>> -> memref<632x128xf32, #tpu.memory_space<hbm>>
        %dma_wait3A_21 = arith.constant 0 : i32
        %dma_wait3A_22 = tpu.memref_slice %arg8[%multiple_of3A, %dma_wait3A_21] : memref<10000x128xf32, #tpu.memory_space<vmem_shared>> -> memref<632x128xf32, #tpu.memory_space<vmem_shared>>
        tpu.wait_dma2 semaphore(%run_scoped3A : memref<!tpu.dma_semaphore, #tpu.memory_space<semaphore_mem>>) src(%dma_wait3A_22 : memref<632x128xf32, #tpu.memory_space<vmem_shared>>) dst(%dma_wait3A_20 : memref<632x128xf32, #tpu.memory_space<hbm>>)
        tpu.yield
      }) : () -> ()
    } else {
    }
    return
  }
}

module attributes {stable_mosaic.version = 14 : i64} {
  func.func @_tc_emb_body(%arg0: memref<10000x128xf32, #tpu.memory_space<vmem>>, %arg1: memref<128x128xf32, #tpu.memory_space<vmem>>, %arg2: memref<1x128xf32, #tpu.memory_space<vmem>>, %arg3: memref<128x128xf32, #tpu.memory_space<vmem>>, %arg4: memref<10000x128xf32, #tpu.memory_space<vmem>>) attributes {dimension_semantics = [], scalar_prefetch = 0 : i64, scratch_operands = 0 : i64, tpu.core_type = #tpu.core_type<tc>} {
    %get3A = arith.constant 0 : index
    %get3A_0 = arith.constant 0 : index
    %get3A_1 = vector.load %arg0[%get3A, %get3A_0] : memref<10000x128xf32, #tpu.memory_space<vmem>>, vector<10000x128xf32>
    %get3A_2 = arith.constant 0 : index
    %get3A_3 = arith.constant 0 : index
    %get3A_4 = vector.load %arg1[%get3A_2, %get3A_3] : memref<128x128xf32, #tpu.memory_space<vmem>>, vector<128x128xf32>
    %dot_general3A = arith.constant dense<0.000000e+00> : vector<10000x128xf32>
    %dot_general3A_5 = tpu.matmul %get3A_1, %get3A_4, %dot_general3A {dimension_numbers = #tpu.dot_dimension_numbers<[1], [0], [0], [1], [0, 0, 1, 1], [], []>, precision = #tpu.contract_precision<fp32>, transpose_lhs_hint = false} : vector<10000x128xf32>, vector<128x128xf32>, vector<10000x128xf32> -> vector<10000x128xf32>
    %get3A_6 = arith.constant 0 : index
    %get3A_7 = arith.constant 0 : index
    %get3A_8 = vector.load %arg2[%get3A_6, %get3A_7] : memref<1x128xf32, #tpu.memory_space<vmem>>, vector<1x128xf32>
    %add3A = vector.broadcast %get3A_8 : vector<1x128xf32> to vector<10000x128xf32>
    %add3A_9 = arith.addf %dot_general3A_5, %add3A : vector<10000x128xf32>
    %get3A_10 = arith.constant 0 : index
    %get3A_11 = arith.constant 0 : index
    %get3A_12 = vector.load %arg3[%get3A_10, %get3A_11] : memref<128x128xf32, #tpu.memory_space<vmem>>, vector<128x128xf32>
    %dot_general3A_13 = arith.constant dense<0.000000e+00> : vector<10000x128xf32>
    %dot_general3A_14 = tpu.matmul %add3A_9, %get3A_12, %dot_general3A_13 {dimension_numbers = #tpu.dot_dimension_numbers<[1], [0], [0], [1], [0, 0, 1, 1], [], []>, precision = #tpu.contract_precision<fp32>, transpose_lhs_hint = false} : vector<10000x128xf32>, vector<128x128xf32>, vector<10000x128xf32> -> vector<10000x128xf32>
    %swap3A = arith.constant 0 : index
    %swap3A_15 = arith.constant 0 : index
    %swap3A_16 = vector.load %arg4[%swap3A, %swap3A_15] : memref<10000x128xf32, #tpu.memory_space<vmem>>, vector<10000x128xf32>
    tpu.vector_store %arg4[%swap3A, %swap3A_15], %dot_general3A_14 {strides = array<i32>} : memref<10000x128xf32, #tpu.memory_space<vmem>>, vector<10000x128xf32>,
    return
  }
}

module attributes {stable_mosaic.version = 14 : i64} {
  func.func @_tc_scale_body(%arg0: memref<10000x1xf32, #tpu.memory_space<vmem>>, %arg1: memref<10000x1xf32, #tpu.memory_space<vmem>>, %arg2: memref<10000x128xf32, #tpu.memory_space<vmem>>, %arg3: memref<10000x128xf32, #tpu.memory_space<vmem>>, %arg4: memref<10000x1xf32, #tpu.memory_space<vmem>>) attributes {dimension_semantics = [], scalar_prefetch = 0 : i64, scratch_operands = 0 : i64, tpu.core_type = #tpu.core_type<tc>} {
    %get3A = arith.constant 0 : index
    %get3A_0 = arith.constant 0 : index
    %get3A_1 = vector.load %arg0[%get3A, %get3A_0] : memref<10000x1xf32, #tpu.memory_space<vmem>>, vector<10000x1xf32>
    %add3A = arith.constant 1.000000e+00 : f32
    %add3A_2 = vector.broadcast %add3A : f32 to vector<10000x1xf32>
    %add3A_3 = arith.addf %add3A_2, %get3A_1 : vector<10000x1xf32>
    %get3A_4 = arith.constant 0 : index
    %get3A_5 = arith.constant 0 : index
    %get3A_6 = vector.load %arg1[%get3A_4, %get3A_5] : memref<10000x1xf32, #tpu.memory_space<vmem>>, vector<10000x1xf32>
    %add3A_7 = arith.addf %add3A_3, %get3A_6 : vector<10000x1xf32>
    %rsqrt3A = math.rsqrt %add3A_7 : vector<10000x1xf32>
    %get3A_8 = arith.constant 0 : index
    %get3A_9 = arith.constant 0 : index
    %get3A_10 = vector.load %arg2[%get3A_8, %get3A_9] : memref<10000x128xf32, #tpu.memory_space<vmem>>, vector<10000x128xf32>
    %mul3A = vector.broadcast %rsqrt3A : vector<10000x1xf32> to vector<10000x128xf32>
    %mul3A_11 = arith.mulf %mul3A, %get3A_10 : vector<10000x128xf32>
    %swap3A = arith.constant 0 : index
    %swap3A_12 = arith.constant 0 : index
    %swap3A_13 = vector.load %arg3[%swap3A, %swap3A_12] : memref<10000x128xf32, #tpu.memory_space<vmem>>, vector<10000x128xf32>
    tpu.vector_store %arg3[%swap3A, %swap3A_12], %mul3A_11 {strides = array<i32>} : memref<10000x128xf32, #tpu.memory_space<vmem>>, vector<10000x128xf32>,
    %swap3A_14 = arith.constant 0 : index
    %swap3A_15 = arith.constant 0 : index
    %swap3A_16 = vector.load %arg4[%swap3A_14, %swap3A_15] : memref<10000x1xf32, #tpu.memory_space<vmem>>, vector<10000x1xf32>
    tpu.vector_store %arg4[%swap3A_14, %swap3A_15], %rsqrt3A {strides = array<i32>} : memref<10000x1xf32, #tpu.memory_space<vmem>>, vector<10000x1xf32>,
    return
  }
}

module attributes {stable_mosaic.version = 14 : i64} {
  func.func @_tc_mid_body(%arg0: memref<10000x128xf32, #tpu.memory_space<vmem>>, %arg1: memref<10000x128xf32, #tpu.memory_space<vmem>>, %arg2: memref<10000x128xf32, #tpu.memory_space<vmem>>, %arg3: memref<10000x1xf32, #tpu.memory_space<vmem>>, %arg4: memref<1x128xf32, #tpu.memory_space<vmem>>, %arg5: memref<1x128xf32, #tpu.memory_space<vmem>>, %arg6: memref<1x128xf32, #tpu.memory_space<vmem>>, %arg7: memref<128x128xf32, #tpu.memory_space<vmem>>, %arg8: memref<10000x128xf32, #tpu.memory_space<vmem>>) attributes {dimension_semantics = [], scalar_prefetch = 0 : i64, scratch_operands = 0 : i64, tpu.core_type = #tpu.core_type<tc>} {
    %get3A = arith.constant 0 : index
    %get3A_0 = arith.constant 0 : index
    %get3A_1 = vector.load %arg3[%get3A, %get3A_0] : memref<10000x1xf32, #tpu.memory_space<vmem>>, vector<10000x1xf32>
    %get3A_2 = arith.constant 0 : index
    %get3A_3 = arith.constant 0 : index
    %get3A_4 = vector.load %arg0[%get3A_2, %get3A_3] : memref<10000x128xf32, #tpu.memory_space<vmem>>, vector<10000x128xf32>
    %get3A_5 = arith.constant 0 : index
    %get3A_6 = arith.constant 0 : index
    %get3A_7 = vector.load %arg1[%get3A_5, %get3A_6] : memref<10000x128xf32, #tpu.memory_space<vmem>>, vector<10000x128xf32>
    %add3A = arith.addf %get3A_4, %get3A_7 : vector<10000x128xf32>
    %get3A_8 = arith.constant 0 : index
    %get3A_9 = arith.constant 0 : index
    %get3A_10 = vector.load %arg2[%get3A_8, %get3A_9] : memref<10000x128xf32, #tpu.memory_space<vmem>>, vector<10000x128xf32>
    %sub3A = arith.subf %add3A, %get3A_10 : vector<10000x128xf32>
    %mul3A = vector.broadcast %get3A_1 : vector<10000x1xf32> to vector<10000x128xf32>
    %mul3A_11 = arith.mulf %mul3A, %sub3A : vector<10000x128xf32>
    %get3A_12 = arith.constant 0 : index
    %get3A_13 = arith.constant 0 : index
    %get3A_14 = vector.load %arg4[%get3A_12, %get3A_13] : memref<1x128xf32, #tpu.memory_space<vmem>>, vector<1x128xf32>
    %add3A_15 = vector.broadcast %get3A_14 : vector<1x128xf32> to vector<10000x128xf32>
    %add3A_16 = arith.addf %mul3A_11, %add3A_15 : vector<10000x128xf32>
    %reduce_sum3A = arith.constant dense<0.000000e+00> : vector<128xf32>
    %reduce_sum3A_17 = vector.multi_reduction <add>, %add3A_16, %reduce_sum3A [0] : vector<10000x128xf32> to vector<128xf32>
    %broadcast_in_dim3A = vector.shape_cast %reduce_sum3A_17 : vector<128xf32> to vector<1x128xf32>
    %div3A = arith.constant 1.000000e+04 : f32
    %div3A_18 = vector.broadcast %div3A : f32 to vector<1x128xf32>
    %div3A_19 = arith.divf %broadcast_in_dim3A, %div3A_18 : vector<1x128xf32>
    %sub3A_20 = vector.broadcast %div3A_19 : vector<1x128xf32> to vector<10000x128xf32>
    %sub3A_21 = arith.subf %add3A_16, %sub3A_20 : vector<10000x128xf32>
    %integer_pow3A = arith.mulf %sub3A_21, %sub3A_21 : vector<10000x128xf32>
    %reduce_sum3A_22 = arith.constant dense<0.000000e+00> : vector<128xf32>
    %reduce_sum3A_23 = vector.multi_reduction <add>, %integer_pow3A, %reduce_sum3A_22 [0] : vector<10000x128xf32> to vector<128xf32>
    %broadcast_in_dim3A_24 = vector.shape_cast %reduce_sum3A_23 : vector<128xf32> to vector<1x128xf32>
    %div3A_25 = arith.constant 1.000000e+04 : f32
    %div3A_26 = vector.broadcast %div3A_25 : f32 to vector<1x128xf32>
    %div3A_27 = arith.divf %broadcast_in_dim3A_24, %div3A_26 : vector<1x128xf32>
    %sub3A_28 = vector.broadcast %div3A_19 : vector<1x128xf32> to vector<10000x128xf32>
    %sub3A_29 = arith.subf %add3A_16, %sub3A_28 : vector<10000x128xf32>
    %add3A_30 = arith.constant 9.99999974E-6 : f32
    %add3A_31 = vector.broadcast %add3A_30 : f32 to vector<1x128xf32>
    %add3A_32 = arith.addf %div3A_27, %add3A_31 : vector<1x128xf32>
    %rsqrt3A = math.rsqrt %add3A_32 : vector<1x128xf32>
    %mul3A_33 = vector.broadcast %rsqrt3A : vector<1x128xf32> to vector<10000x128xf32>
    %mul3A_34 = arith.mulf %sub3A_29, %mul3A_33 : vector<10000x128xf32>
    %get3A_35 = arith.constant 0 : index
    %get3A_36 = arith.constant 0 : index
    %get3A_37 = vector.load %arg5[%get3A_35, %get3A_36] : memref<1x128xf32, #tpu.memory_space<vmem>>, vector<1x128xf32>
    %mul3A_38 = vector.broadcast %get3A_37 : vector<1x128xf32> to vector<10000x128xf32>
    %mul3A_39 = arith.mulf %mul3A_34, %mul3A_38 : vector<10000x128xf32>
    %get3A_40 = arith.constant 0 : index
    %get3A_41 = arith.constant 0 : index
    %get3A_42 = vector.load %arg6[%get3A_40, %get3A_41] : memref<1x128xf32, #tpu.memory_space<vmem>>, vector<1x128xf32>
    %add3A_43 = vector.broadcast %get3A_42 : vector<1x128xf32> to vector<10000x128xf32>
    %add3A_44 = arith.addf %mul3A_39, %add3A_43 : vector<10000x128xf32>
    %gt3A = arith.constant 0.000000e+00 : f32
    %gt3A_45 = vector.broadcast %gt3A : f32 to vector<10000x128xf32>
    %gt3A_46 = arith.cmpf ogt, %add3A_44, %gt3A_45 : vector<10000x128xf32>
    %mul3A_47 = arith.constant 0.00999999977 : f32
    %mul3A_48 = vector.broadcast %mul3A_47 : f32 to vector<10000x128xf32>
    %mul3A_49 = arith.mulf %mul3A_48, %add3A_44 : vector<10000x128xf32>
    %select_n3A = arith.select %gt3A_46, %add3A_44, %mul3A_49 : vector<10000x128xi1>, vector<10000x128xf32>
    %get3A_50 = arith.constant 0 : index
    %get3A_51 = arith.constant 0 : index
    %get3A_52 = vector.load %arg7[%get3A_50, %get3A_51] : memref<128x128xf32, #tpu.memory_space<vmem>>, vector<128x128xf32>
    %dot_general3A = arith.constant dense<0.000000e+00> : vector<10000x128xf32>
    %dot_general3A_53 = tpu.matmul %select_n3A, %get3A_52, %dot_general3A {dimension_numbers = #tpu.dot_dimension_numbers<[1], [0], [0], [1], [0, 0, 1, 1], [], []>, precision = #tpu.contract_precision<fp32>, transpose_lhs_hint = false} : vector<10000x128xf32>, vector<128x128xf32>, vector<10000x128xf32> -> vector<10000x128xf32>
    %mul3A_54 = vector.broadcast %get3A_1 : vector<10000x1xf32> to vector<10000x128xf32>
    %mul3A_55 = arith.mulf %mul3A_54, %dot_general3A_53 : vector<10000x128xf32>
    %swap3A = arith.constant 0 : index
    %swap3A_56 = arith.constant 0 : index
    %swap3A_57 = vector.load %arg8[%swap3A, %swap3A_56] : memref<10000x128xf32, #tpu.memory_space<vmem>>, vector<10000x128xf32>
    tpu.vector_store %arg8[%swap3A, %swap3A_56], %mul3A_55 {strides = array<i32>} : memref<10000x128xf32, #tpu.memory_space<vmem>>, vector<10000x128xf32>,
    return
  }
}

module attributes {stable_mosaic.version = 14 : i64} {
  func.func @_tc_final_body(%arg0: memref<10000x128xf32, #tpu.memory_space<vmem>>, %arg1: memref<10000x128xf32, #tpu.memory_space<vmem>>, %arg2: memref<10000x128xf32, #tpu.memory_space<vmem>>, %arg3: memref<10000x1xf32, #tpu.memory_space<vmem>>, %arg4: memref<1x128xf32, #tpu.memory_space<vmem>>, %arg5: memref<1x128xf32, #tpu.memory_space<vmem>>, %arg6: memref<1x128xf32, #tpu.memory_space<vmem>>, %arg7: memref<1x10000xi32, #tpu.memory_space<vmem>>, %arg8: memref<128x64xf32, #tpu.memory_space<vmem>>, %arg9: memref<1x64xf32, #tpu.memory_space<vmem>>, %arg10: memref<64x1xf32, #tpu.memory_space<vmem>>, %arg11: memref<1x1xf32, #tpu.memory_space<vmem>>, %arg12: memref<16x1xf32, #tpu.memory_space<vmem>>) attributes {dimension_semantics = [], scalar_prefetch = 0 : i64, scratch_operands = 0 : i64, tpu.core_type = #tpu.core_type<tc>} {
    %get3A = arith.constant 0 : index
    %get3A_0 = arith.constant 0 : index
    %get3A_1 = vector.load %arg3[%get3A, %get3A_0] : memref<10000x1xf32, #tpu.memory_space<vmem>>, vector<10000x1xf32>
    %get3A_2 = arith.constant 0 : index
    %get3A_3 = arith.constant 0 : index
    %get3A_4 = vector.load %arg0[%get3A_2, %get3A_3] : memref<10000x128xf32, #tpu.memory_space<vmem>>, vector<10000x128xf32>
    %get3A_5 = arith.constant 0 : index
    %get3A_6 = arith.constant 0 : index
    %get3A_7 = vector.load %arg1[%get3A_5, %get3A_6] : memref<10000x128xf32, #tpu.memory_space<vmem>>, vector<10000x128xf32>
    %add3A = arith.addf %get3A_4, %get3A_7 : vector<10000x128xf32>
    %get3A_8 = arith.constant 0 : index
    %get3A_9 = arith.constant 0 : index
    %get3A_10 = vector.load %arg2[%get3A_8, %get3A_9] : memref<10000x128xf32, #tpu.memory_space<vmem>>, vector<10000x128xf32>
    %sub3A = arith.subf %add3A, %get3A_10 : vector<10000x128xf32>
    %mul3A = vector.broadcast %get3A_1 : vector<10000x1xf32> to vector<10000x128xf32>
    %mul3A_11 = arith.mulf %mul3A, %sub3A : vector<10000x128xf32>
    %get3A_12 = arith.constant 0 : index
    %get3A_13 = arith.constant 0 : index
    %get3A_14 = vector.load %arg4[%get3A_12, %get3A_13] : memref<1x128xf32, #tpu.memory_space<vmem>>, vector<1x128xf32>
    %add3A_15 = vector.broadcast %get3A_14 : vector<1x128xf32> to vector<10000x128xf32>
    %add3A_16 = arith.addf %mul3A_11, %add3A_15 : vector<10000x128xf32>
    %reduce_sum3A = arith.constant dense<0.000000e+00> : vector<128xf32>
    %reduce_sum3A_17 = vector.multi_reduction <add>, %add3A_16, %reduce_sum3A [0] : vector<10000x128xf32> to vector<128xf32>
    %broadcast_in_dim3A = vector.shape_cast %reduce_sum3A_17 : vector<128xf32> to vector<1x128xf32>
    %div3A = arith.constant 1.000000e+04 : f32
    %div3A_18 = vector.broadcast %div3A : f32 to vector<1x128xf32>
    %div3A_19 = arith.divf %broadcast_in_dim3A, %div3A_18 : vector<1x128xf32>
    %sub3A_20 = vector.broadcast %div3A_19 : vector<1x128xf32> to vector<10000x128xf32>
    %sub3A_21 = arith.subf %add3A_16, %sub3A_20 : vector<10000x128xf32>
    %integer_pow3A = arith.mulf %sub3A_21, %sub3A_21 : vector<10000x128xf32>
    %reduce_sum3A_22 = arith.constant dense<0.000000e+00> : vector<128xf32>
    %reduce_sum3A_23 = vector.multi_reduction <add>, %integer_pow3A, %reduce_sum3A_22 [0] : vector<10000x128xf32> to vector<128xf32>
    %broadcast_in_dim3A_24 = vector.shape_cast %reduce_sum3A_23 : vector<128xf32> to vector<1x128xf32>
    %div3A_25 = arith.constant 1.000000e+04 : f32
    %div3A_26 = vector.broadcast %div3A_25 : f32 to vector<1x128xf32>
    %div3A_27 = arith.divf %broadcast_in_dim3A_24, %div3A_26 : vector<1x128xf32>
    %sub3A_28 = vector.broadcast %div3A_19 : vector<1x128xf32> to vector<10000x128xf32>
    %sub3A_29 = arith.subf %add3A_16, %sub3A_28 : vector<10000x128xf32>
    %add3A_30 = arith.constant 9.99999974E-6 : f32
    %add3A_31 = vector.broadcast %add3A_30 : f32 to vector<1x128xf32>
    %add3A_32 = arith.addf %div3A_27, %add3A_31 : vector<1x128xf32>
    %rsqrt3A = math.rsqrt %add3A_32 : vector<1x128xf32>
    %mul3A_33 = vector.broadcast %rsqrt3A : vector<1x128xf32> to vector<10000x128xf32>
    %mul3A_34 = arith.mulf %sub3A_29, %mul3A_33 : vector<10000x128xf32>
    %get3A_35 = arith.constant 0 : index
    %get3A_36 = arith.constant 0 : index
    %get3A_37 = vector.load %arg5[%get3A_35, %get3A_36] : memref<1x128xf32, #tpu.memory_space<vmem>>, vector<1x128xf32>
    %mul3A_38 = vector.broadcast %get3A_37 : vector<1x128xf32> to vector<10000x128xf32>
    %mul3A_39 = arith.mulf %mul3A_34, %mul3A_38 : vector<10000x128xf32>
    %get3A_40 = arith.constant 0 : index
    %get3A_41 = arith.constant 0 : index
    %get3A_42 = vector.load %arg6[%get3A_40, %get3A_41] : memref<1x128xf32, #tpu.memory_space<vmem>>, vector<1x128xf32>
    %add3A_43 = vector.broadcast %get3A_42 : vector<1x128xf32> to vector<10000x128xf32>
    %add3A_44 = arith.addf %mul3A_39, %add3A_43 : vector<10000x128xf32>
    %gt3A = arith.constant 0.000000e+00 : f32
    %gt3A_45 = vector.broadcast %gt3A : f32 to vector<10000x128xf32>
    %gt3A_46 = arith.cmpf ogt, %add3A_44, %gt3A_45 : vector<10000x128xf32>
    %mul3A_47 = arith.constant 0.00999999977 : f32
    %mul3A_48 = vector.broadcast %mul3A_47 : f32 to vector<10000x128xf32>
    %mul3A_49 = arith.mulf %mul3A_48, %add3A_44 : vector<10000x128xf32>
    %select_n3A = arith.select %gt3A_46, %add3A_44, %mul3A_49 : vector<10000x128xi1>, vector<10000x128xf32>
    %iota3A = tpu.iota {dimensions = array<i32: 0>} : vector<16x10000xi32>
    %get3A_50 = arith.constant 0 : index
    %get3A_51 = arith.constant 0 : index
    %get3A_52 = vector.load %arg7[%get3A_50, %get3A_51] : memref<1x10000xi32, #tpu.memory_space<vmem>>, vector<1x10000xi32>
    %eq3A = vector.broadcast %get3A_52 : vector<1x10000xi32> to vector<16x10000xi32>
    %eq3A_53 = arith.cmpi eq, %eq3A, %iota3A : vector<16x10000xi32>
    %convert_element_type3A = arith.extui %eq3A_53 : vector<16x10000xi1> to vector<16x10000xi32>
    %convert_element_type3A_54 = arith.sitofp %convert_element_type3A : vector<16x10000xi32> to vector<16x10000xf32>
    %dot_general3A = arith.constant dense<0.000000e+00> : vector<16x128xf32>
    %dot_general3A_55 = tpu.matmul %convert_element_type3A_54, %select_n3A, %dot_general3A {dimension_numbers = #tpu.dot_dimension_numbers<[1], [0], [0], [1], [0, 0, 1, 1], [], []>, precision = #tpu.contract_precision<fp32>, transpose_lhs_hint = false} : vector<16x10000xf32>, vector<10000x128xf32>, vector<16x128xf32> -> vector<16x128xf32>
    %get3A_56 = arith.constant 0 : index
    %get3A_57 = arith.constant 0 : index
    %get3A_58 = vector.load %arg8[%get3A_56, %get3A_57] : memref<128x64xf32, #tpu.memory_space<vmem>>, vector<128x64xf32>
    %dot_general3A_59 = arith.constant dense<0.000000e+00> : vector<16x64xf32>
    %dot_general3A_60 = tpu.matmul %dot_general3A_55, %get3A_58, %dot_general3A_59 {dimension_numbers = #tpu.dot_dimension_numbers<[1], [0], [0], [1], [0, 0, 1, 1], [], []>, precision = #tpu.contract_precision<fp32>, transpose_lhs_hint = false} : vector<16x128xf32>, vector<128x64xf32>, vector<16x64xf32> -> vector<16x64xf32>
    %get3A_61 = arith.constant 0 : index
    %get3A_62 = arith.constant 0 : index
    %get3A_63 = vector.load %arg9[%get3A_61, %get3A_62] : memref<1x64xf32, #tpu.memory_space<vmem>>, vector<1x64xf32>
    %add3A_64 = vector.broadcast %get3A_63 : vector<1x64xf32> to vector<16x64xf32>
    %add3A_65 = arith.addf %dot_general3A_60, %add3A_64 : vector<16x64xf32>
    %gt3A_66 = arith.constant 0.000000e+00 : f32
    %gt3A_67 = vector.broadcast %gt3A_66 : f32 to vector<16x64xf32>
    %gt3A_68 = arith.cmpf ogt, %add3A_65, %gt3A_67 : vector<16x64xf32>
    %mul3A_69 = arith.constant 0.00999999977 : f32
    %mul3A_70 = vector.broadcast %mul3A_69 : f32 to vector<16x64xf32>
    %mul3A_71 = arith.mulf %mul3A_70, %add3A_65 : vector<16x64xf32>
    %select_n3A_72 = arith.select %gt3A_68, %add3A_65, %mul3A_71 : vector<16x64xi1>, vector<16x64xf32>
    %get3A_73 = arith.constant 0 : index
    %get3A_74 = arith.constant 0 : index
    %get3A_75 = vector.load %arg10[%get3A_73, %get3A_74] : memref<64x1xf32, #tpu.memory_space<vmem>>, vector<64x1xf32>
    %dot_general3A_76 = arith.constant dense<0.000000e+00> : vector<16x1xf32>
    %dot_general3A_77 = tpu.matmul %select_n3A_72, %get3A_75, %dot_general3A_76 {dimension_numbers = #tpu.dot_dimension_numbers<[1], [0], [0], [1], [0, 0, 1, 1], [], []>, precision = #tpu.contract_precision<fp32>, transpose_lhs_hint = false} : vector<16x64xf32>, vector<64x1xf32>, vector<16x1xf32> -> vector<16x1xf32>
    %get3A_78 = arith.constant 0 : index
    %get3A_79 = arith.constant 0 : index
    %get3A_80 = vector.load %arg11[%get3A_78, %get3A_79] : memref<1x1xf32, #tpu.memory_space<vmem>>, vector<1x1xf32>
    %add3A_81 = vector.broadcast %get3A_80 : vector<1x1xf32> to vector<16x1xf32>
    %add3A_82 = arith.addf %dot_general3A_77, %add3A_81 : vector<16x1xf32>
    %swap3A = arith.constant 0 : index
    %swap3A_83 = arith.constant 0 : index
    %swap3A_84 = vector.load %arg12[%swap3A, %swap3A_83] : memref<16x1xf32, #tpu.memory_space<vmem>>, vector<16x1xf32>
    tpu.vector_store %arg12[%swap3A, %swap3A_83], %add3A_82 {strides = array<i32>} : memref<16x1xf32, #tpu.memory_space<vmem>>, vector<16x1xf32>,
    return
  }
}

</mosaic_0001>

<sc_bundles>
// kernel: kernel.11.cloned.1.call-start
scs
__scs_entry_jumppad:
0x0: {  	(pc) =	sbr.rel $0x88, $3  }
0x1: {  	(tag) =	ssettag $0x0;
	lr =	simm.s32 $0x1  }
0x2: {  	[smem:$0x3F8C] =	sst lr;
	_ =	strace $0xD0000000  }
0x3: {  	_ = 	snop  }
0x4: {  	_ = 	snop  }
0x5: {  	_ = 	snop  }
0x6: {  	_ = 	snop  }
0x7: {  	_ = 	snop  }
__scs_overlays_trampoline_lowered:
0x8: {  	[smem:$0x3F9B] =	sst s0  }
0x9: {  	[smem:$0x3F9C] =	sst s1  }
0xa: {  	[smem:$0x3F9D] =	sst s2  }
0xb: {  	[smem:$0x3F9E] =	sst s3  }
0xc: {  	[smem:$0x3F9F] =	sst s4  }
0xd: {  	[smem:$0x3FA0] =	sst s5  }
0xe: {  	[smem:$0x3FA1] =	sst s6  }
0xf: {  	[smem:$0x3FA2] =	sst s7  }
0x10: {  	[smem:$0x3FA3] =	sst s8  }
0x11: {  	[smem:$0x3FA4] =	sst s9;
	s0 =	simm.s32 @!p0 $0x0  }
0x12: {  	s1 =	sld [smem:$0x3F8A];
	s0 =	simm.s32 @p0 $0x1  }
0x13: {  	[smem:$0x3FA5] =	sst s0;
	s0 =	simm.s32 @!p1 $0x0  }
0x14: {  	s2 =	sld [smem:$0x3F89];
	s0 =	simm.s32 @p1 $0x1  }
0x15: {  	[smem:$0x3FA6] =	sst s0;
	s0 =	simm.s32 @!p2 $0x0  }
0x16: {  	s3 =	sld [smem:$0x3FDB];
	s0 =	simm.s32 @p2 $0x1  }
0x17: {  	s4 =	simm.s32 $0x1BF5;
	[smem:$0x3FA8] =	sst s0  }
0x18: {  	s0 =	sld [smem:$0x3F8B];
	_ =	swait.ge [sflag:s4], $0x0  }
0x19: {  	s7 =	sld [smem:$0x3F8C]  }
0x1a: {  	s8 =	sadd.s32 $0xFFFFE003, lr  }
0x1b: {  	s9 =	sadd.s32 $0xFFFFFEF7, lr;
	s5 =	simm.s32 $0xFFFFFFFF;
	p2 =	slt.u32 s8, $0xFFFFF086  }
0x1c: {  	p1 =	slt.u32 s9, $0xF7A;
	s5 =	simm.s32 @!p2 $0x0  }
0x1d: {  	s5 =	simm.s32 @p1 $0x1;
	p0 =	seq.s32 s7, s2  }
0x1e: {  	s7 =	smul.u32 @!p0 $0xF7A, s2;
	p2 =	seq.s32 @!p0 s5, $0x0  }
0x1f: {  	s9 =	smul.u32 $0xF7A, s1;
	s8 =	simm.s32 @!p0 $0x1BF5;
	p2 =	por !p2, p0  }
0x20: {  	[sflag:s8] =	ssyncset.s32 @!p0 $0xFFFFF086;
	s6 =	sadd.s32 @!p0 s3, s7;
	s7 =	simm.s32 @!p0 $0x108  }
0x21: {  	s3 =	sadd.s32 s3, s9;
	s6 =	sadd.s32 @!p0 $0x88, s6;
	s7 =	simm.s32 @p2 $0x1082  }
0x22: {  	[simem:s7], [sflag:s8] =	dma.local @!p0 [hbm:s6], $0xF7A  }
0x23: {  	s9 =	sor.u32 $0xD0000000, s2;
	s6 =	simm.s32 $0x108;
	_ =	swait.ge @!p0 [sflag:s8], $0x0  }
0x24: {  	s3 =	sadd.s32 $0x88, s3;
	s6 =	simm.s32 @!p1 $0x1082;
	[sflag:s4] =	ssyncset.s32 $0xFFFFF086  }
0x25: {  	[simem:s6], [sflag:s4] =	dma.local [hbm:s3], $0xF7A  }
0x26: {  	[smem:$0x3F8C] =	sst s1;
	(tag) =	ssettag s2;
	_ =	strace s9  }
0x27: {  	s1 =	sld [smem:$0x3F9C]  }
0x28: {  	s2 =	sld [smem:$0x3F9D]  }
0x29: {  	s4 =	sld [smem:$0x3F9F]  }
0x2a: {  	p0 =	seq.s32 s5, $0x0;
	s5 =	sld [smem:$0x3FA0]  }
0x2b: {  	s6 =	sld [smem:$0x3FA1]  }
0x2c: {  	s7 =	sld [smem:$0x3FA2]  }
0x2d: {  	s3 =	simm.s32 $0x108;
	s8 =	sld [smem:$0x3FA3]  }
0x2e: {  	s3 =	simm.s32 @!p0 $0x1082;
	s9 =	sld [smem:$0x3FA4]  }
0x2f: {  	lr =	sadd.s32 s0, s3;
	s0 =	sld [smem:$0x3F9B]  }
0x30: {  	s3 =	sld [smem:$0x3F9E]  }
0x31: {  	[smem:$0x3FA7] =	sst s10  }
0x32: {  	s10 =	sld [smem:$0x3FA5];
	_ =	sdelay $0x3  }
0x33: {  	p0 =	seq.s32 s10, $0x1;
	s10 =	sld [smem:$0x3FA7];
	_ =	sdelay $0x3  }
0x34: {  	[smem:$0x3FA7] =	sst s10  }
0x35: {  	s10 =	sld [smem:$0x3FA6];
	_ =	sdelay $0x3  }
0x36: {  	p1 =	seq.s32 s10, $0x1;
	s10 =	sld [smem:$0x3FA7];
	_ =	sdelay $0x3  }
0x37: {  	[smem:$0x3FA7] =	sst s10  }
0x38: {  	s10 =	sld [smem:$0x3FA8]  }
0x39: {  	_ = 	snop;
	(pc) =	sbr.ind lr, $3  }
0x3a: {  	_ = 	snop  }
0x3b: {  	_ = 	snop  }
0x3c: {  	p2 =	seq.s32 s10, $0x1;
	s10 =	sld [smem:$0x3FA7]  }
0x3d: {  	_ =	shalt  }
0x3e: {  	_ =	shalt  }
0x3f: {  	_ =	shalt  }
0x40: {  	_ =	shalt  }
0x41: {  	_ =	shalt  }
0x42: {  	_ =	shalt  }
0x43: {  	_ =	shalt  }
0x44: {  	_ =	shalt  }
0x45: {  	_ =	shalt  }
0x46: {  	_ =	shalt  }
0x47: {  	_ =	shalt  }
0x48: {  	_ =	shalt  }
0x49: {  	_ =	shalt  }
0x4a: {  	_ =	shalt  }
0x4b: {  	_ =	shalt  }
0x4c: {  	_ =	shalt  }
0x4d: {  	_ =	shalt  }
0x4e: {  	_ =	shalt  }
0x4f: {  	_ =	shalt  }
0x50: {  	_ =	shalt  }
0x51: {  	_ =	shalt  }
0x52: {  	_ =	shalt  }
0x53: {  	_ =	shalt  }
0x54: {  	_ =	shalt  }
0x55: {  	_ =	shalt  }
0x56: {  	_ =	shalt  }
0x57: {  	_ =	shalt  }
0x58: {  	_ =	shalt  }
0x59: {  	_ =	shalt  }
0x5a: {  	_ =	shalt  }
0x5b: {  	_ =	shalt  }
0x5c: {  	_ =	shalt  }
0x5d: {  	_ =	shalt  }
0x5e: {  	_ =	shalt  }
0x5f: {  	_ =	shalt  }
0x60: {  	_ =	shalt  }
0x61: {  	_ =	shalt  }
0x62: {  	_ =	shalt  }
0x63: {  	_ =	shalt  }
0x64: {  	_ =	shalt  }
0x65: {  	_ =	shalt  }
0x66: {  	_ =	shalt  }
0x67: {  	_ =	shalt  }
0x68: {  	_ =	shalt  }
0x69: {  	_ =	shalt  }
0x6a: {  	_ =	shalt  }
0x6b: {  	_ =	shalt  }
0x6c: {  	_ =	shalt  }
0x6d: {  	_ =	shalt  }
0x6e: {  	_ =	shalt  }
0x6f: {  	_ =	shalt  }
0x70: {  	_ =	shalt  }
0x71: {  	_ =	shalt  }
0x72: {  	_ =	shalt  }
0x73: {  	_ =	shalt  }
0x74: {  	_ =	shalt  }
0x75: {  	_ =	shalt  }
0x76: {  	_ =	shalt  }
0x77: {  	_ =	shalt  }
0x78: {  	_ =	shalt  }
0x79: {  	_ =	shalt  }
0x7a: {  	_ =	shalt  }
0x7b: {  	_ =	shalt  }
0x7c: {  	_ =	shalt  }
0x7d: {  	_ =	shalt  }
0x7e: {  	_ =	shalt  }
0x7f: {  	_ =	shalt  }
0x80: {  	_ =	shalt  }
0x81: {  	_ =	shalt  }
0x82: {  	_ =	shalt  }
0x83: {  	_ =	shalt  }
0x84: {  	_ =	shalt  }
0x85: {  	_ =	shalt  }
0x86: {  	_ =	shalt  }
0x87: {  	_ =	shalt  }
.Lfunc_end0:
.L_simem_size_0:
called_computation_lowered:
.L_overlay_start_0:
0x88: {  	s2 =	sld [smem:$0x3FD9]  }
0x89: {  	s3 =	sld [smem:$0x3FFE];
	_ =	sdelay $0x1  }
0x8a: {  	s1 =	srdreg.scid  }
0x8b: {  	s0 =	sand.u32 $0x1, s1  }
0x8c: {  	s16 =	sshll.u32 s0, $0xA;
	s2 =	sadd.s32 s3, s2  }
0x8d: {  	s2 =	sadd.s32 s2, s16  }
0x8e: {  	[smem:$0x3FB3] =	sst s2  }
0x8f: {  	_ = 	snop  }
0x90: {  	(tm) =	ssettm $0x1  }
0x91: {  	s17 =	sld [smem:$0x3FFB];
	_ =	sdelay $0x3  }
0x92: {  	_ =	strace s17  }
0x93: {  	s2 =	sld [smem:$0x3FFC];
	_ =	sdelay $0x3  }
0x94: {  	_ =	strace s2  }
0x95: {  	s2 =	sld [smem:$0x3FFD];
	_ =	sdelay $0x3  }
0x96: {  	_ =	strace s2  }
0x97: {  	_ =	strace $0x8FFFFFFF  }
0x98: {  	s18 =	sld [smem:$0x3FDB];
	_ =	sdelay $0x1  }
0x99: {  	s19 =	simm.s32 $_scs_section_size  }
0x9a: {  	s4 =	simm.s32 $_size__tile_overlayer_lowered;
	s5 =	simm.s32 $_tile_overlayer_lowered  }
0x9b: {  	s22 =	simm.s32 $0x1BFF;
	s21 =	sshll.u32 s5, $0x1;
	s2 =	sadd.s32 s19, s18  }
0x9c: {  	s6 =	simm.s32 $0x0;
	s20 =	sshll.u32 s4, $0x1;
	s4 =	sadd.s32 s21, s2  }
0x9d: {  	[timem:s6], [sflag:s22] =	dma.local [hbm:s4], s20  }
0x9e: {  	_ =	swait.ge [sflag:s22], s20  }
0x9f: {  	s3 =	ssub.s32 $0x0, s20;
	[sflag:s22] =	ssyncset.done $0x0  }
0xa0: {  	[sflag:s22] =	ssyncadd.s32 s3;
	_ =	sdelay $0x1  }
0xa1: {  	s23 =	simm.s32 $0x1B8B  }
0xa2: {  	_ =	swait.ge [sflag:s23], $0x1  }
0xa3: {  	[sflag:s23] =	ssyncset.done $0x0  }
0xa4: {  	s25 =	simm.s32 $0x1B8E;
	s24 =	sld [smem:$0x3FFE];
	[sflag:s23] =	ssyncadd.s32 $0xFFFFFFFF  }
0xa5: {  	s26 =	simm.s32 $execute0_lowered;
	[smem:$0x3FD2] =	sst s25  }
0xa6: {  	s4 =	sshll.u32 s26, $0x1;
	_ =	strace $0x80000046;
	[dreg:$0x1] =	wrdreg $0xFFFFFFFF  }
0xa7: {  	s28 =	simm.s32 $_size_execute0_lowered;
	s2 =	sadd.s32 s2, s4;
	[dreg:$0x0] =	wrdreg $0x0  }
0xa8: {  	s4 =	sshll.u32 s28, $0x1;
	[dreg:$0x2] =	wrdreg s2  }
0xa9: {  	[dreg:$0x3] =	wrdreg s4  }
0xaa: {  	[dreg:$0x4] =	wrdreg $0xC0  }
0xab: {  	_ =	task [dreg:s6], $0x5FFFF  }
0xac: {  	[dreg:$0x1] =	wrdreg $0xFFFFFFFF  }
0xad: {  	[dreg:$0x0] =	wrdreg $0x60  }
0xae: {  	[dreg:$0x2] =	wrdreg s24  }
0xaf: {  	[dreg:$0x3] =	wrdreg $0x7000  }
0xb0: {  	[dreg:$0x4] =	wrdreg $0x9  }
0xb1: {  	_ =	task.clear_ibuf [dreg:s6], $0x5FFFF;
	_ =	strace $0x90000046  }
0xb2: {  	s29 =	simm.s32 $0x9;
	_ =	strace $0x80000048  }
0xb3: {  	_ =	swait.ge [sflag:s29], $0x1  }
0xb4: {  	[sflag:s29] =	ssyncadd.s32 $0xFFFFFFFF  }
0xb5: {  	_ =	strace $0x90000048  }
0xb6: {  	_ =	sfence  }
0xb7: {  	s30 =	sld [smem:$0x0];
	_ =	sdelay $0x2  }
0xb8: {  	s31 =	sshll.u32 s1, $0xD;
	s1 =	sshrl.u32 s1, $0x2  }
0xb9: {  	s3 =	sand.u32 $0x4000, s31;
	s1 =	sadd.s32 s1, s30  }
0xba: {  	s0 =	sor.u32 s3, s0;
	s1 =	sshll.u32 s1, $0x11  }
0xbb: {  	s0 =	sor.u32 s1, s0  }
0xbc: {  	s0 =	sadd.s32 $0x8F2B, s0  }
0xbd: {  	[sflag:s0] =	ssyncadd.remote.s32 $0x1  }
0xbe: {  	_ =	sfence.sel $0xFFFF  }
0xbf: {  	[dreg:$0x0] =	wrdreg $0xFFFFFFFF;
	(pc) =	sbr.abs _section_cstart, $3  }
0xc0: {  	[dreg:$0x1] =	wrdreg $0xFFFFFFFF  }
0xc1: {  	_ =	task.clear_ibuf [dreg:s6], $0x2FFFF;
	_ =	strace $0x9FFFFFFF  }
0xc2: {  	(tm) =	ssettm $0x7FFFFFFF  }
0xc3: {  	_ =	shalt  }
tec
execute0_lowered:
.L_overlay_start_1:
0x0: {  	(tag) =	ssettag $0x1  }
0x1: {  	s0 =	rddreg [dreg:$0x0]  }
0x2: {  	s1 =	rddreg [dreg:$0x1]  }
0x3: {  	s2 =	srdreg.scid;
	s3 =	simm.s32 $0x0;
	s9 =	stileid.u32  }
0x4: {  	s28 =	simm.s32 $0x3;
	s29 =	simm.s32 $0x5;
	s30 =	simm.s32 $0x6  }
0x5: {  	s31 =	simm.s32 $0x7;
	s2 =	sand.u32 $0x1, s2;
	s8 =	smul.u32 $0xA00, s9  }
0x6: {  	[smem:$0x7FF] =	sst s3;
	s4 =	sadd.s32 $0x6E00, s0;
	s11 =	smul.u32 $0x2710, s9  }
0x7: {  	s14 =	smul.u32 $0xA0, s9;
	s5 =	sshll.u32 s2, $0x4;
	_ =	strace $0x80000047  }
0x8: {  	s7 =	ssub.s32 $0x2, s2;
	s2 =	smul.u32 $0x27100, s2;
	s6 =	sor.u32 s9, s5  }
0x9: {  	s0 =	sadd.s32 s5, s0;
	s16 =	sshrl.u32 s7, $0x1;
	s18 =	sshrl.u32 s8, $0x2  }
0xa: {  	s6 =	smul.u32 $0x2710, s6;
	s7 =	ssub.s32 s7, s16;
	s2 =	sadd.s32 s11, s2  }
0xb: {  	s0 =	sadd.s32 $0x10C00, s0;
	s12 =	sadd.s32 $0x230, s2;
	s7 =	smax.u32 s7, $0x1  }
0xc: {  	s13 =	sadd.s32 $0x1E0, s2;
	s15 =	sadd.s32 $0x140, s2;
	s16 =	sadd.s32 $0xF0, s2  }
0xd: {  	s17 =	sshrl.u32 s6, $0x3;
	s6 =	sadd.s32 s18, s1;
	[dreg:$0x7] =	wrdreg s7  }
0xe: {  	s23 =	sshrl.u32 s12, $0x3;
	s24 =	sshrl.u32 s13, $0x3;
	s25 =	sshrl.u32 s15, $0x3  }
0xf: {  	s26 =	sshrl.u32 s16, $0x3;
	s18 =	simm.s32 $0xB;
	s5 =	sadd.s32 s4, s17  }
0x10: {  	s12 =	sadd.s32 s23, s4;
	s13 =	sadd.s32 s24, s4;
	s15 =	sadd.s32 s25, s4  }
0x11: {  	s16 =	sadd.s32 s26, s4;
	s23 =	simm.s32 $0x1;
	s24 =	sadd.s32 s14, s0  }
0x12: {  	s25 =	simm.s32 $0x50;
	s26 =	simm.s32 $0x400;
	s19 =	sadd.s32 $0xA, s5  }
.Ltmp0:
0x13: {  	s20 =	sadd.s32 $0x14, s5;
	[dreg:$0x3] =	wrdreg s19;
	(pc) =	sbr.rel .LBB2_1-.Ltmp0, $4  }
0x14: {  	s0 =	simm.s32 $0x8;
	s21 =	sadd.s32 $0x1E, s5;
	[dreg:$0x4] =	wrdreg s20  }
0x15: {  	s17 =	simm.s32 $0xA;
	s22 =	sadd.s32 $0x28, s5;
	[dreg:$0x5] =	wrdreg s21  }
0x16: {  	[dreg:$0x6] =	wrdreg s22;
	s21 =	sadd.s32 $0x190, s2;
	s20 =	simm.s32 $0x100  }
0x17: {  	v0 =	vimm.f32 $1.000000000e+00;
	v1 =	vimm.f32 $0.0e+00;
	s22 =	simm.s32 $0x200;
	s2 =	simm.s32 $0x9;
	s19 =	simm.s32 $0x0  }
.LBB2_4:
0x18: {  	_ =	swait.ge [sflag:s30], $0x50  }
0x19: {  	[sflag:s30] =	ssyncset.done $0x0  }
0x1a: {  	[sflag:s30] =	ssyncadd.s32 $0xFFFFFFB0  }
0x1b: {  	_ =	swait.ge [sflag:s31], $0x50  }
0x1c: {  	[sflag:s31] =	ssyncset.done $0x0  }
0x1d: {  	[sflag:s31] =	ssyncadd.s32 $0xFFFFFFB0  }
0x1e: {  	_ =	swait.ge [sflag:s0], $0x50  }
0x1f: {  	[sflag:s0] =	ssyncset.done $0x0  }
0x20: {  	[sflag:s0] =	ssyncadd.s32 $0xFFFFFFB0  }
0x21: {  	_ =	swait.ge [sflag:s2], $0x50  }
0x22: {  	[sflag:s2] =	ssyncset.done $0x0  }
0x23: {  	[sflag:s2] =	ssyncadd.s32 $0xFFFFFFB0  }
0x24: {  	_ =	swait.ge [sflag:s17], $0x50  }
0x25: {  	s7 =	stileid.u32;
	s8 =	sshrl.u32 s6, $0x3;
	[sflag:s17] =	ssyncset.done $0x0  }
0x26: {  	s9 =	simm.s32 $0x20;
	s7 =	sshll.u32 s7, $0x6;
	[sflag:s17] =	ssyncadd.s32 $0xFFFFFFB0  }
0x27: {  	s10 =	simm.s32 $0x10;
	s7 =	sor.u32 $0x1C0B, s7;
	[bflag:$0x0] =	sbarrier.arrive $0xFFFF  }
0x28: {  	[hbm:s24@s9], [sflag:s7] =	dma.strided [spmem:s8@s10], $0x50, s23, $0x10   }
0x29: {  	_ =	swait.ge [sflag:s18], $0x50  }
0x2a: {  	s19 =	sadd.s32 $0x1, s19;
	s14 =	rddreg [dreg:$0x7]  }
0x2b: {  	p0 =	sne.s32 s19, s14  }
.Ltmp1:
0x2c: {  	_ = 	snop;
	(pc) =	sbr.rel @!p0 .LBB2_5-.Ltmp1, $3  }
0x2d: {  	_ =	sdelay $0x1  }
0x2e: {  	[sflag:s18] =	ssyncset.done $0x0  }
0x2f: {  	[sflag:s18] =	ssyncadd.s32 $0xFFFFFFB0  }
.LBB2_1:
0x30: {  	[tilespmem:$0x400] =	vst v0  }
0x31: {  	[tilespmem:$0x410] =	vst v0  }
0x32: {  	[tilespmem:$0x420] =	vst v0  }
0x33: {  	[tilespmem:$0x430] =	vst v0  }
0x34: {  	[tilespmem:$0x440] =	vst v0  }
0x35: {  	[tilespmem:$0x480] =	vst v1  }
0x36: {  	[tilespmem:$0x490] =	vst v1  }
0x37: {  	[tilespmem:$0x4A0] =	vst v1  }
0x38: {  	[tilespmem:$0x4B0] =	vst v1  }
0x39: {  	[tilespmem:$0x4C0] =	vst v1  }
0x3a: {  	[tilespmem:$0x4D0] =	vst v1  }
0x3b: {  	[tilespmem:$0x4E0] =	vst v1  }
0x3c: {  	[tilespmem:$0x4F0] =	vst v1  }
0x3d: {  	[tilespmem:$0x500] =	vst v1  }
0x3e: {  	[tilespmem:$0x510] =	vst v1  }
0x3f: {  	[tilespmem:$0x520] =	vst v1  }
0x40: {  	[tilespmem:$0x530] =	vst v1  }
0x41: {  	[tilespmem:$0x540] =	vst v1  }
0x42: {  	[tilespmem:$0x550] =	vst v1  }
0x43: {  	[tilespmem:$0x560] =	vst v1  }
0x44: {  	[tilespmem:$0x570] =	vst v1  }
0x45: {  	[tilespmem:$0x580] =	vst v1  }
0x46: {  	[tilespmem:$0x590] =	vst v1  }
0x47: {  	[tilespmem:$0x5A0] =	vst v1  }
0x48: {  	[tilespmem:$0x5B0] =	vst v1  }
0x49: {  	[tilespmem:$0x5C0] =	vst v1  }
0x4a: {  	[tilespmem:$0x5D0] =	vst v1  }
0x4b: {  	[tilespmem:$0x5E0] =	vst v1  }
0x4c: {  	[tilespmem:$0x5F0] =	vst v1  }
0x4d: {  	[tilespmem:$0x600] =	vst v1  }
0x4e: {  	[tilespmem:$0x610] =	vst v1  }
0x4f: {  	[tilespmem:$0x620] =	vst v1  }
0x50: {  	[tilespmem:$0x630] =	vst v1  }
0x51: {  	[tilespmem:$0x640] =	vst v1  }
0x52: {  	[tilespmem:$0x650] =	vst v1  }
0x53: {  	[tilespmem:$0x660] =	vst v1  }
0x54: {  	[tilespmem:$0x670] =	vst v1  }
0x55: {  	[tilespmem:$0x680] =	vst v1  }
0x56: {  	[tilespmem:$0x690] =	vst v1  }
0x57: {  	[tilespmem:$0x6A0] =	vst v1  }
0x58: {  	[tilespmem:$0x6B0] =	vst v1  }
0x59: {  	[tilespmem:$0x6C0] =	vst v1  }
0x5a: {  	[tilespmem:$0x6D0] =	vst v1  }
0x5b: {  	[tilespmem:$0x6E0] =	vst v1  }
0x5c: {  	[tilespmem:$0x6F0] =	vst v1;
	s7 =	simm.s32 $0x480  }
0x5d: {  	[spmem:s6] =	stream.linear.scatter [tilespmem:s7], [sflag:$0xB], $0x280, $0x38;
	[tilespmem:$0x980] =	vst v63  }
0x5e: {  	_ =	swait.ge [sflag:s18], $0x280  }
0x5f: {  	[sflag:s18] =	ssyncset.done $0x0  }
0x60: {  	[sflag:s18] =	ssyncadd.s32 $0xFFFFFD80  }
0x61: {  	[bflag:$0x0] =	sbarrier.arrive $0xFFFF  }
0x62: {  	[tilespmem:s3], [sflag:$0x1] =	stream.linear.gather [hbm4b:s5+s3], $0x50, $0x38;
	[tilespmem:$0x980] =	vst v63  }
0x63: {  	s8 =	simm.s32 $0x80;
	s14 =	rddreg [dreg:$0x3]  }
0x64: {  	[tilespmem:s8], [sflag:$0x2] =	stream.linear.gather [hbm4b:s14+s3], $0x50, $0x38;
	[tilespmem:$0x980] =	vst v63  }
0x65: {  	s9 =	rddreg [dreg:$0x4]  }
0x66: {  	[tilespmem:s20], [sflag:$0x3] =	stream.linear.gather [hbm4b:s9+s3], $0x50, $0x38;
	[tilespmem:$0x980] =	vst v63  }
0x67: {  	s11 =	simm.s32 $0x180;
	s10 =	rddreg [dreg:$0x5]  }
0x68: {  	[tilespmem:s11], [sflag:$0x4] =	stream.linear.gather [hbm4b:s10+s3], $0x50, $0x38;
	[tilespmem:$0x980] =	vst v63  }
0x69: {  	s14 =	rddreg [dreg:$0x6]  }
0x6a: {  	[tilespmem:s22], [sflag:$0x5] =	stream.linear.gather [hbm4b:s14+s3], $0x50, $0x38;
	[tilespmem:$0x980] =	vst v63  }
0x6b: {  	s7 =	simm.s32 $0x0;
	s14 =	smov.u32 s21  }
.LBB2_2:
0x6c: {  	_ =	swait.ge [sflag:s23], $0x50  }
0x6d: {  	p0 =	seq.s32 s7, $0x0;
	[sflag:s23] =	ssyncset.done $0x0  }
0x6e: {  	s8 =	simm.s32 @p0 $0x2;
	[sflag:s23] =	ssyncadd.s32 $0xFFFFFFB0  }
0x6f: {  	[spmem:s1] =	stream.indirect.scatter.add.f32 [tilespmem:s26], [sflag:$0x6], $0x1, s3, s25, $0xb8;
	[tilespmem:$0x980] =	vst v63  }
0x70: {  	_ =	swait.ge @p0 [sflag:s8], $0x50  }
0x71: {  	s9 =	simm.s32 @p0 $0x80;
	[sflag:s8] =	ssyncset.done @p0 $0x0  }
0x72: {  	s10 =	simm.s32 @p0 $0x400;
	[sflag:s8] =	ssyncadd.s32 @p0 $0xFFFFFFB0;
	s8 =	simm.s32 @p0 $0x50  }
0x73: {  	[spmem:s1] =	stream.indirect.scatter.add.f32 @p0 [tilespmem:s10], [sflag:$0x7], $0x1, s9, s8, $0xb8;
	[tilespmem:$0x980] =	vst v63  }
0x74: {  	s8 =	simm.s32 @!p0 $0x9  }
0x75: {  	_ =	swait.ge @!p0 [sflag:s8], $0x50  }
0x76: {  	s9 =	simm.s32 @!p0 $0x0;
	[sflag:s8] =	ssyncset.done @!p0 $0x0  }
0x77: {  	s10 =	simm.s32 @!p0 $0x180;
	[sflag:s8] =	ssyncadd.s32 @!p0 $0xFFFFFFB0;
	s8 =	sadd.s32 @!p0 s7, s16  }
0x78: {  	[tilespmem:s10], [sflag:$0x4] =	stream.linear.gather @!p0 [hbm4b:s8+s9], $0x50, $0x38;
	[tilespmem:$0x980] =	vst v63  }
0x79: {  	s8 =	simm.s32 @!p0 $0x2  }
0x7a: {  	_ =	swait.ge @!p0 [sflag:s8], $0x50  }
0x7b: {  	s11 =	simm.s32 @!p0 $0x400;
	[sflag:s8] =	ssyncset.done @!p0 $0x0  }
0x7c: {  	s10 =	simm.s32 @!p0 $0x80;
	[sflag:s8] =	ssyncadd.s32 @!p0 $0xFFFFFFB0;
	s8 =	simm.s32 @!p0 $0x50  }
0x7d: {  	[spmem:s1] =	stream.indirect.scatter.add.f32 @!p0 [tilespmem:s11], [sflag:$0x7], $0x1, s10, s8, $0xb8;
	[tilespmem:$0x980] =	vst v63  }
0x7e: {  	s8 =	simm.s32 @!p0 $0xA  }
0x7f: {  	_ =	swait.ge @!p0 [sflag:s8], $0x50  }
0x80: {  	[sflag:s8] =	ssyncset.done @!p0 $0x0  }
0x81: {  	s10 =	simm.s32 @!p0 $0x200;
	[sflag:s8] =	ssyncadd.s32 @!p0 $0xFFFFFFB0;
	s8 =	sadd.s32 @!p0 s7, s15  }
0x82: {  	[tilespmem:s10], [sflag:$0x5] =	stream.linear.gather @!p0 [hbm4b:s8+s9], $0x50, $0x38;
	[tilespmem:$0x980] =	vst v63  }
0x83: {  	_ =	swait.ge [sflag:s28], $0x50  }
0x84: {  	p0 =	seq.s32 s7, $0x4B0;
	[sflag:s28] =	ssyncset.done $0x0  }
0x85: {  	s8 =	simm.s32 @p0 $0x4;
	[sflag:s28] =	ssyncadd.s32 $0xFFFFFFB0  }
0x86: {  	[spmem:s1] =	stream.indirect.scatter.add.f32 [tilespmem:s26], [sflag:$0x8], $0x1, s20, s25, $0xb8;
	[tilespmem:$0x980] =	vst v63  }
0x87: {  	_ =	swait.ge @p0 [sflag:s8], $0x50  }
0x88: {  	s9 =	simm.s32 @p0 $0x180;
	[sflag:s8] =	ssyncset.done @p0 $0x0  }
0x89: {  	s10 =	simm.s32 @p0 $0x400;
	[sflag:s8] =	ssyncadd.s32 @p0 $0xFFFFFFB0;
	s8 =	simm.s32 @p0 $0x50  }
0x8a: {  	[spmem:s1] =	stream.indirect.scatter.add.f32 @p0 [tilespmem:s10], [sflag:$0x9], $0x1, s9, s8, $0xb8;
	[tilespmem:$0x980] =	vst v63  }
0x8b: {  	s8 =	simm.s32 @!p0 $0x6  }
0x8c: {  	_ =	swait.ge @!p0 [sflag:s8], $0x50  }
0x8d: {  	s9 =	sshrl.u32 @!p0 s14, $0x3;
	[sflag:s8] =	ssyncset.done @!p0 $0x0  }
0x8e: {  	[sflag:s8] =	ssyncadd.s32 @!p0 $0xFFFFFFB0;
	s8 =	sadd.s32 @!p0 s4, s9;
	s9 =	simm.s32 @!p0 $0x0  }
0x8f: {  	[tilespmem:s9], [sflag:$0x1] =	stream.linear.gather @!p0 [hbm4b:s8+s9], $0x50, $0x38;
	[tilespmem:$0x980] =	vst v63  }
0x90: {  	s8 =	simm.s32 @!p0 $0x4  }
0x91: {  	_ =	swait.ge @!p0 [sflag:s8], $0x50  }
0x92: {  	s11 =	simm.s32 @!p0 $0x400;
	[sflag:s8] =	ssyncset.done @!p0 $0x0  }
0x93: {  	s10 =	simm.s32 @!p0 $0x180;
	[sflag:s8] =	ssyncadd.s32 @!p0 $0xFFFFFFB0;
	s8 =	simm.s32 @!p0 $0x50  }
0x94: {  	[spmem:s1] =	stream.indirect.scatter.add.f32 @!p0 [tilespmem:s11], [sflag:$0x9], $0x1, s10, s8, $0xb8;
	[tilespmem:$0x980] =	vst v63  }
0x95: {  	s8 =	simm.s32 @!p0 $0x7  }
0x96: {  	_ =	swait.ge @!p0 [sflag:s8], $0x50  }
0x97: {  	[sflag:s8] =	ssyncset.done @!p0 $0x0  }
0x98: {  	s10 =	simm.s32 @!p0 $0x80;
	[sflag:s8] =	ssyncadd.s32 @!p0 $0xFFFFFFB0;
	s8 =	sadd.s32 @!p0 s7, s13  }
0x99: {  	[tilespmem:s10], [sflag:$0x2] =	stream.linear.gather @!p0 [hbm4b:s8+s9], $0x50, $0x38;
	[tilespmem:$0x980] =	vst v63  }
.Ltmp2:
0x9a: {  	_ = 	snop;
	(pc) =	sbr.rel @p0 .LBB2_4-.Ltmp2, $4  }
0x9b: {  	_ =	swait.ge [sflag:s29], $0x50  }
0x9c: {  	[sflag:s29] =	ssyncset.done $0x0  }
0x9d: {  	[sflag:s29] =	ssyncadd.s32 $0xFFFFFFB0  }
0x9e: {  	[spmem:s1] =	stream.indirect.scatter.add.f32 [tilespmem:s26], [sflag:$0xA], $0x1, s22, s25, $0xb8;
	[tilespmem:$0x980] =	vst v63  }
.Ltmp3:
0x9f: {  	(pc) =	sbr.rel .LBB2_2-.Ltmp3, $4  }
0xa0: {  	_ =	swait.ge [sflag:s0], $0x50  }
0xa1: {  	s8 =	sadd.s32 s7, s12;
	[sflag:s0] =	ssyncset.done $0x0  }
0xa2: {  	s7 =	sadd.s32 $0x32, s7;
	s14 =	sadd.s32 $0x190, s14;
	[sflag:s0] =	ssyncadd.s32 $0xFFFFFFB0  }
0xa3: {  	[tilespmem:s20], [sflag:$0x3] =	stream.linear.gather [hbm4b:s8+s3], $0x50, $0x38;
	[tilespmem:$0x980] =	vst v63  }
.LBB2_5:
0xa4: {  	_ =	sfence.sel $0x180000  }
0xa5: {  	[bflag:$0x0] =	sbarrier.arrive $0xFFFF  }
0xa6: {  	_ =	strace $0x90000047  }
0xa7: {  	s0 =	stileid.u32;
	[bflag:$0x2] =	sbarrier.arrive $0xFFFF  }
0xa8: {  	p0 =	sne.s32 s0, $0x0;
	s0 =	rddreg [dreg:$0x2]  }
0xa9: {  	s0 =	sadd.s32 @!p0 $0x100000, s0  }
0xaa: {  	[sflag:s0] =	ssyncadd.tile.s32 @!p0 $0x1;
	_ =	shalt  }
.Lfunc_end2:
_tile_overlayer_lowered:
.L_overlay_start_2:
0xab: {  	(tag) =	ssettag $0x2  }
0xac: {  	s0 =	rddreg [dreg:$0x0];
	s2 =	stileid.u32  }
0xad: {  	s1 =	rddreg [dreg:$0x1];
	p0 =	sne.s32 s2, $0x0  }
0xae: {  	s3 =	rddreg [dreg:$0x2];
	[bflag:$0x3] =	sbarrier.arrive $0xFFFF;
	s2 =	simm.s32 @!p0 $0x1C0B  }
0xaf: {  	[timem:s3], [sflag:s2] =	dma.local @!p0 [hbm:s0], s1  }
0xb0: {  	s0 =	simm.s32 @!p0 $0xB  }
0xb1: {  	_ =	swait.ge @!p0 [sflag:s0], s1  }
0xb2: {  	s1 =	ssub.s32 @!p0 $0x0, s1;
	[sflag:s0] =	ssyncset.done @!p0 $0x0  }
0xb3: {  	[sflag:s0] =	ssyncadd.s32 @!p0 s1  }
0xb4: {  	[bflag:$0x3] =	sbarrier.arrive $0xFFFF  }
0xb5: {  	_ =	shalt  }

// kernel: kernel.14.cloned.1.call-start
scs
__scs_entry_jumppad:
0x0: {  	(pc) =	sbr.rel $0x88, $3  }
0x1: {  	(tag) =	ssettag $0x0;
	lr =	simm.s32 $0x1  }
0x2: {  	[smem:$0x3F8C] =	sst lr;
	_ =	strace $0xD0000000  }
0x3: {  	_ = 	snop  }
0x4: {  	_ = 	snop  }
0x5: {  	_ = 	snop  }
0x6: {  	_ = 	snop  }
0x7: {  	_ = 	snop  }
__scs_overlays_trampoline_lowered:
0x8: {  	[smem:$0x3F9B] =	sst s0  }
0x9: {  	[smem:$0x3F9C] =	sst s1  }
0xa: {  	[smem:$0x3F9D] =	sst s2  }
0xb: {  	[smem:$0x3F9E] =	sst s3  }
0xc: {  	[smem:$0x3F9F] =	sst s4  }
0xd: {  	[smem:$0x3FA0] =	sst s5  }
0xe: {  	[smem:$0x3FA1] =	sst s6  }
0xf: {  	[smem:$0x3FA2] =	sst s7  }
0x10: {  	[smem:$0x3FA3] =	sst s8  }
0x11: {  	[smem:$0x3FA4] =	sst s9;
	s0 =	simm.s32 @!p0 $0x0  }
0x12: {  	s1 =	sld [smem:$0x3F8A];
	s0 =	simm.s32 @p0 $0x1  }
0x13: {  	[smem:$0x3FA5] =	sst s0;
	s0 =	simm.s32 @!p1 $0x0  }
0x14: {  	s2 =	sld [smem:$0x3F89];
	s0 =	simm.s32 @p1 $0x1  }
0x15: {  	[smem:$0x3FA6] =	sst s0;
	s0 =	simm.s32 @!p2 $0x0  }
0x16: {  	s3 =	sld [smem:$0x3FDB];
	s0 =	simm.s32 @p2 $0x1  }
0x17: {  	s4 =	simm.s32 $0x1BF5;
	[smem:$0x3FA8] =	sst s0  }
0x18: {  	s0 =	sld [smem:$0x3F8B];
	_ =	swait.ge [sflag:s4], $0x0  }
0x19: {  	s7 =	sld [smem:$0x3F8C]  }
0x1a: {  	s8 =	sadd.s32 $0xFFFFE003, lr  }
0x1b: {  	s9 =	sadd.s32 $0xFFFFFEF7, lr;
	s5 =	simm.s32 $0xFFFFFFFF;
	p2 =	slt.u32 s8, $0xFFFFF086  }
0x1c: {  	p1 =	slt.u32 s9, $0xF7A;
	s5 =	simm.s32 @!p2 $0x0  }
0x1d: {  	s5 =	simm.s32 @p1 $0x1;
	p0 =	seq.s32 s7, s2  }
0x1e: {  	s7 =	smul.u32 @!p0 $0xF7A, s2;
	p2 =	seq.s32 @!p0 s5, $0x0  }
0x1f: {  	s9 =	smul.u32 $0xF7A, s1;
	s8 =	simm.s32 @!p0 $0x1BF5;
	p2 =	por !p2, p0  }
0x20: {  	[sflag:s8] =	ssyncset.s32 @!p0 $0xFFFFF086;
	s6 =	sadd.s32 @!p0 s3, s7;
	s7 =	simm.s32 @!p0 $0x108  }
0x21: {  	s3 =	sadd.s32 s3, s9;
	s6 =	sadd.s32 @!p0 $0x88, s6;
	s7 =	simm.s32 @p2 $0x1082  }
0x22: {  	[simem:s7], [sflag:s8] =	dma.local @!p0 [hbm:s6], $0xF7A  }
0x23: {  	s9 =	sor.u32 $0xD0000000, s2;
	s6 =	simm.s32 $0x108;
	_ =	swait.ge @!p0 [sflag:s8], $0x0  }
0x24: {  	s3 =	sadd.s32 $0x88, s3;
	s6 =	simm.s32 @!p1 $0x1082;
	[sflag:s4] =	ssyncset.s32 $0xFFFFF086  }
0x25: {  	[simem:s6], [sflag:s4] =	dma.local [hbm:s3], $0xF7A  }
0x26: {  	[smem:$0x3F8C] =	sst s1;
	(tag) =	ssettag s2;
	_ =	strace s9  }
0x27: {  	s1 =	sld [smem:$0x3F9C]  }
0x28: {  	s2 =	sld [smem:$0x3F9D]  }
0x29: {  	s4 =	sld [smem:$0x3F9F]  }
0x2a: {  	p0 =	seq.s32 s5, $0x0;
	s5 =	sld [smem:$0x3FA0]  }
0x2b: {  	s6 =	sld [smem:$0x3FA1]  }
0x2c: {  	s7 =	sld [smem:$0x3FA2]  }
0x2d: {  	s3 =	simm.s32 $0x108;
	s8 =	sld [smem:$0x3FA3]  }
0x2e: {  	s3 =	simm.s32 @!p0 $0x1082;
	s9 =	sld [smem:$0x3FA4]  }
0x2f: {  	lr =	sadd.s32 s0, s3;
	s0 =	sld [smem:$0x3F9B]  }
0x30: {  	s3 =	sld [smem:$0x3F9E]  }
0x31: {  	[smem:$0x3FA7] =	sst s10  }
0x32: {  	s10 =	sld [smem:$0x3FA5];
	_ =	sdelay $0x3  }
0x33: {  	p0 =	seq.s32 s10, $0x1;
	s10 =	sld [smem:$0x3FA7];
	_ =	sdelay $0x3  }
0x34: {  	[smem:$0x3FA7] =	sst s10  }
0x35: {  	s10 =	sld [smem:$0x3FA6];
	_ =	sdelay $0x3  }
0x36: {  	p1 =	seq.s32 s10, $0x1;
	s10 =	sld [smem:$0x3FA7];
	_ =	sdelay $0x3  }
0x37: {  	[smem:$0x3FA7] =	sst s10  }
0x38: {  	s10 =	sld [smem:$0x3FA8]  }
0x39: {  	_ = 	snop;
	(pc) =	sbr.ind lr, $3  }
0x3a: {  	_ = 	snop  }
0x3b: {  	_ = 	snop  }
0x3c: {  	p2 =	seq.s32 s10, $0x1;
	s10 =	sld [smem:$0x3FA7]  }
0x3d: {  	_ =	shalt  }
0x3e: {  	_ =	shalt  }
0x3f: {  	_ =	shalt  }
0x40: {  	_ =	shalt  }
0x41: {  	_ =	shalt  }
0x42: {  	_ =	shalt  }
0x43: {  	_ =	shalt  }
0x44: {  	_ =	shalt  }
0x45: {  	_ =	shalt  }
0x46: {  	_ =	shalt  }
0x47: {  	_ =	shalt  }
0x48: {  	_ =	shalt  }
0x49: {  	_ =	shalt  }
0x4a: {  	_ =	shalt  }
0x4b: {  	_ =	shalt  }
0x4c: {  	_ =	shalt  }
0x4d: {  	_ =	shalt  }
0x4e: {  	_ =	shalt  }
0x4f: {  	_ =	shalt  }
0x50: {  	_ =	shalt  }
0x51: {  	_ =	shalt  }
0x52: {  	_ =	shalt  }
0x53: {  	_ =	shalt  }
0x54: {  	_ =	shalt  }
0x55: {  	_ =	shalt  }
0x56: {  	_ =	shalt  }
0x57: {  	_ =	shalt  }
0x58: {  	_ =	shalt  }
0x59: {  	_ =	shalt  }
0x5a: {  	_ =	shalt  }
0x5b: {  	_ =	shalt  }
0x5c: {  	_ =	shalt  }
0x5d: {  	_ =	shalt  }
0x5e: {  	_ =	shalt  }
0x5f: {  	_ =	shalt  }
0x60: {  	_ =	shalt  }
0x61: {  	_ =	shalt  }
0x62: {  	_ =	shalt  }
0x63: {  	_ =	shalt  }
0x64: {  	_ =	shalt  }
0x65: {  	_ =	shalt  }
0x66: {  	_ =	shalt  }
0x67: {  	_ =	shalt  }
0x68: {  	_ =	shalt  }
0x69: {  	_ =	shalt  }
0x6a: {  	_ =	shalt  }
0x6b: {  	_ =	shalt  }
0x6c: {  	_ =	shalt  }
0x6d: {  	_ =	shalt  }
0x6e: {  	_ =	shalt  }
0x6f: {  	_ =	shalt  }
0x70: {  	_ =	shalt  }
0x71: {  	_ =	shalt  }
0x72: {  	_ =	shalt  }
0x73: {  	_ =	shalt  }
0x74: {  	_ =	shalt  }
0x75: {  	_ =	shalt  }
0x76: {  	_ =	shalt  }
0x77: {  	_ =	shalt  }
0x78: {  	_ =	shalt  }
0x79: {  	_ =	shalt  }
0x7a: {  	_ =	shalt  }
0x7b: {  	_ =	shalt  }
0x7c: {  	_ =	shalt  }
0x7d: {  	_ =	shalt  }
0x7e: {  	_ =	shalt  }
0x7f: {  	_ =	shalt  }
0x80: {  	_ =	shalt  }
0x81: {  	_ =	shalt  }
0x82: {  	_ =	shalt  }
0x83: {  	_ =	shalt  }
0x84: {  	_ =	shalt  }
0x85: {  	_ =	shalt  }
0x86: {  	_ =	shalt  }
0x87: {  	_ =	shalt  }
.Lfunc_end0:
.L_simem_size_0:
called_computation.1_lowered:
.L_overlay_start_0:
0x88: {  	s2 =	sld [smem:$0x3FD9]  }
0x89: {  	s3 =	sld [smem:$0x3FFE];
	_ =	sdelay $0x1  }
0x8a: {  	s1 =	srdreg.scid  }
0x8b: {  	s0 =	sand.u32 $0x1, s1  }
0x8c: {  	s16 =	sshll.u32 s0, $0xA;
	s2 =	sadd.s32 s3, s2  }
0x8d: {  	s2 =	sadd.s32 s2, s16  }
0x8e: {  	[smem:$0x3FB3] =	sst s2  }
0x8f: {  	_ = 	snop  }
0x90: {  	(tm) =	ssettm $0x1  }
0x91: {  	s17 =	sld [smem:$0x3FFB];
	_ =	sdelay $0x3  }
0x92: {  	_ =	strace s17  }
0x93: {  	s2 =	sld [smem:$0x3FFC];
	_ =	sdelay $0x3  }
0x94: {  	_ =	strace s2  }
0x95: {  	s2 =	sld [smem:$0x3FFD];
	_ =	sdelay $0x3  }
0x96: {  	_ =	strace s2  }
0x97: {  	_ =	strace $0x8FFFFFFF  }
0x98: {  	s18 =	sld [smem:$0x3FDB];
	_ =	sdelay $0x1  }
0x99: {  	s19 =	simm.s32 $_scs_section_size  }
0x9a: {  	s4 =	simm.s32 $_size__tile_overlayer_lowered;
	s5 =	simm.s32 $_tile_overlayer_lowered  }
0x9b: {  	s22 =	simm.s32 $0x1BFF;
	s21 =	sshll.u32 s5, $0x1;
	s2 =	sadd.s32 s19, s18  }
0x9c: {  	s6 =	simm.s32 $0x0;
	s20 =	sshll.u32 s4, $0x1;
	s4 =	sadd.s32 s21, s2  }
0x9d: {  	[timem:s6], [sflag:s22] =	dma.local [hbm:s4], s20  }
0x9e: {  	_ =	swait.ge [sflag:s22], s20  }
0x9f: {  	s3 =	ssub.s32 $0x0, s20;
	[sflag:s22] =	ssyncset.done $0x0  }
0xa0: {  	[sflag:s22] =	ssyncadd.s32 s3;
	_ =	sdelay $0x1  }
0xa1: {  	s23 =	simm.s32 $0x1B8B  }
0xa2: {  	_ =	swait.ge [sflag:s23], $0x1  }
0xa3: {  	[sflag:s23] =	ssyncset.done $0x0  }
0xa4: {  	s25 =	simm.s32 $0x1B8E;
	s24 =	sld [smem:$0x3FFE];
	[sflag:s23] =	ssyncadd.s32 $0xFFFFFFFF  }
0xa5: {  	s26 =	simm.s32 $execute0_lowered;
	[smem:$0x3FD2] =	sst s25  }
0xa6: {  	s4 =	sshll.u32 s26, $0x1;
	_ =	strace $0x80000049;
	[dreg:$0x1] =	wrdreg $0xFFFFFFFF  }
0xa7: {  	s28 =	simm.s32 $_size_execute0_lowered;
	s2 =	sadd.s32 s2, s4;
	[dreg:$0x0] =	wrdreg $0x0  }
0xa8: {  	s4 =	sshll.u32 s28, $0x1;
	[dreg:$0x2] =	wrdreg s2  }
0xa9: {  	[dreg:$0x3] =	wrdreg s4  }
0xaa: {  	[dreg:$0x4] =	wrdreg $0xC0  }
0xab: {  	_ =	task [dreg:s6], $0x5FFFF  }
0xac: {  	[dreg:$0x1] =	wrdreg $0xFFFFFFFF  }
0xad: {  	[dreg:$0x0] =	wrdreg $0x60  }
0xae: {  	[dreg:$0x2] =	wrdreg s24  }
0xaf: {  	[dreg:$0x3] =	wrdreg $0x94000  }
0xb0: {  	[dreg:$0x4] =	wrdreg $0x9  }
0xb1: {  	_ =	task.clear_ibuf [dreg:s6], $0x5FFFF;
	_ =	strace $0x90000049  }
0xb2: {  	s29 =	simm.s32 $0x9;
	_ =	strace $0x8000004B  }
0xb3: {  	_ =	swait.ge [sflag:s29], $0x1  }
0xb4: {  	[sflag:s29] =	ssyncadd.s32 $0xFFFFFFFF  }
0xb5: {  	_ =	strace $0x9000004B  }
0xb6: {  	_ =	sfence  }
0xb7: {  	s30 =	sld [smem:$0x0];
	_ =	sdelay $0x2  }
0xb8: {  	s31 =	sshll.u32 s1, $0xD;
	s1 =	sshrl.u32 s1, $0x2  }
0xb9: {  	s3 =	sand.u32 $0x4000, s31;
	s1 =	sadd.s32 s1, s30  }
0xba: {  	s0 =	sor.u32 s3, s0;
	s1 =	sshll.u32 s1, $0x11  }
0xbb: {  	s0 =	sor.u32 s1, s0  }
0xbc: {  	s0 =	sadd.s32 $0x8F2B, s0  }
0xbd: {  	[sflag:s0] =	ssyncadd.remote.s32 $0x1  }
0xbe: {  	_ =	sfence.sel $0xFFFF  }
0xbf: {  	[dreg:$0x0] =	wrdreg $0xFFFFFFFF;
	(pc) =	sbr.abs _section_cstart, $3  }
0xc0: {  	[dreg:$0x1] =	wrdreg $0xFFFFFFFF  }
0xc1: {  	_ =	task.clear_ibuf [dreg:s6], $0x2FFFF;
	_ =	strace $0x9FFFFFFF  }
0xc2: {  	(tm) =	ssettm $0x7FFFFFFF  }
0xc3: {  	_ =	shalt  }
tec
execute0_lowered:
.L_overlay_start_1:
0x0: {  	(tag) =	ssettag $0x1  }
0x1: {  	s9 =	rddreg [dreg:$0x0]  }
0x2: {  	s1 =	rddreg [dreg:$0x1];
	s2 =	srdreg.scid  }
0x3: {  	s0 =	rddreg [dreg:$0x2];
	s3 =	simm.s32 $0x0;
	s12 =	simm.s32 $0xA9C00  }
0x4: {  	s13 =	simm.s32 $0x1C00;
	s14 =	simm.s32 $0x80;
	s15 =	simm.s32 $0x4400  }
0x5: {  	s16 =	simm.s32 $0x100;
	s17 =	simm.s32 $0x6C00;
	s18 =	simm.s32 $0x1  }
0x6: {  	s19 =	simm.s32 $0x2;
	s20 =	simm.s32 $0x3;
	s21 =	simm.s32 $0x4  }
0x7: {  	s22 =	simm.s32 $0x5;
	s23 =	simm.s32 $0x6;
	s5 =	sand.u32 $0x1, s2  }
0x8: {  	s2 =	stileid.u32;
	[smem:$0x7FF] =	sst s3;
	s4 =	sshll.u32 s5, $0x4  }
0x9: {  	s6 =	smul.u32 $0x278, s2;
	_ =	strace $0x8000004A;
	p0 =	seq.s32 s2, $0xF  }
0xa: {  	s8 =	ssub.s32 $0x2, s5;
	s31 =	sshll.u32 s2, $0x6;
	s4 =	sor.u32 s2, s4  }
0xb: {  	s10 =	sshrl.u32 s8, $0x1;
	s7 =	smul.u32 $0x1180, s4;
	s4 =	sadd.s32 $0x34600, s9  }
0xc: {  	s6 =	simm.s32 @p0 $0x2498;
	s8 =	ssub.s32 s8, s10;
	p0 =	seq.s32 s5, $0x1  }
.Ltmp0:
0xd: {  	s11 =	sshll.u32 s6, $0x7;
	s30 =	sshll.u32 s6, $0x4;
	(pc) =	sbr.rel .LBB2_1-.Ltmp0, $4  }
0xe: {  	s6 =	sor.u32 $0x1C07, s31;
	s12 =	simm.s32 @!p0 $0x82A00;
	s8 =	smax.u32 s8, $0x1  }
0xf: {  	s7 =	sadd.s32 s7, s9;
	s29 =	sadd.s32 s11, s1;
	s5 =	sadd.s32 s4, s30  }
0x10: {  	s9 =	sadd.s32 s12, s9;
	s11 =	simm.s32 $0x7;
	s12 =	simm.s32 $0x50  }
0x11: {  	s7 =	sadd.s32 $0x11600, s7;
	s9 =	sadd.s32 s9, s30;
	s10 =	sshrl.u32 s29, $0x3  }
.LBB2_8:
0x12: {  	s3 =	sadd.s32 $0x1, s3  }
0x13: {  	p0 =	sne.s32 s3, s8  }
.Ltmp1:
0x14: {  	[bflag:$0x0] =	sbarrier.arrive $0xFFFF;
	(pc) =	sbr.rel @!p0 .LBB2_9-.Ltmp1, $4  }
0x15: {  	[hbm:s9], [sflag:s6] =	dma.local [spmem:s10], $0x2780  }
0x16: {  	_ =	swait.ge [sflag:s11], $0x2780  }
0x17: {  	[sflag:s11] =	ssyncset.done $0x0  }
0x18: {  	[sflag:s11] =	ssyncadd.s32 $0xFFFFD880  }
.LBB2_1:
0x19: {  	[spmem:s10], [sflag:s6] =	dma.local [hbm:s5], $0x2780  }
.Ltmp2:
0x1a: {  	_ =	swait.ge [sflag:s11], $0x2780;
	(pc) =	sbr.rel .LBB2_2-.Ltmp2, $4  }
0x1b: {  	[sflag:s11] =	ssyncset.done $0x0  }
0x1c: {  	[sflag:s11] =	ssyncadd.s32 $0xFFFFD880  }
0x1d: {  	[bflag:$0x0] =	sbarrier.arrive $0xFFFF  }
0x1e: {  	s24 =	simm.s32 $0x0  }
.LBB2_7:
0x1f: {  	_ =	swait.ge [sflag:s21], $0x2800  }
0x20: {  	[sflag:s21] =	ssyncset.done $0x0  }
0x21: {  	s24 =	sadd.s32 $0x1, s24;
	[sflag:s21] =	ssyncadd.s32 $0xFFFFD800  }
0x22: {  	p0 =	sne.s32 s24, $0x5;
	_ =	swait.ge [sflag:s22], $0x2800  }
.Ltmp3:
0x23: {  	[sflag:s22] =	ssyncset.done $0x0;
	(pc) =	sbr.rel @!p0 .LBB2_8-.Ltmp3, $4  }
0x24: {  	[sflag:s22] =	ssyncadd.s32 $0xFFFFD800  }
0x25: {  	_ =	swait.ge [sflag:s23], $0x2800  }
0x26: {  	[sflag:s23] =	ssyncset.done $0x0  }
0x27: {  	[sflag:s23] =	ssyncadd.s32 $0xFFFFD800  }
.LBB2_2:
0x28: {  	s25 =	smul.u32 $0x380, s24;
	_ =	sdelay $0x1  }
0x29: {  	s26 =	sadd.s32 s25, s7;
	s25 =	simm.s32 $0x0  }
0x2a: {  	[tilespmem:s25], [sflag:$0x7] =	stream.linear.gather [hbm4b:s26+s25], $0x1900, $0x38;
	[tilespmem:$0x1CC80] =	vst v63  }
0x2b: {  	_ =	swait.ge [sflag:s11], $0x1900  }
0x2c: {  	[sflag:s11] =	ssyncset.done $0x0  }
0x2d: {  	[sflag:s11] =	ssyncadd.s32 $0xFFFFE700  }
0x2e: {  	[tilespmem:s13], [sflag:$0x1] =	stream.indirect.gather [hbm4b:s4+s12], $0x80, s25, s12, $0xb8;
	[tilespmem:$0x1CC80] =	vst v63  }
.Ltmp4:
0x2f: {  	_ = 	snop;
	(pc) =	sbr.rel .LBB2_3-.Ltmp4, $4  }
0x30: {  	_ = 	snop  }
0x31: {  	[tilespmem:s15], [sflag:$0x2] =	stream.indirect.gather [hbm4b:s4+s12], $0x80, s14, s12, $0xb8;
	[tilespmem:$0x1CC80] =	vst v63  }
0x32: {  	s26 =	simm.s32 $0xC80  }
0x33: {  	[tilespmem:s17], [sflag:$0x3] =	stream.indirect.gather [hbm4b:s4+s12], $0x80, s16, s12, $0xb8;
	[tilespmem:$0x1CC80] =	vst v63  }
.LBB2_10:
0x34: {  	_ =	swait.ge [sflag:s19], $0x2800  }
0x35: {  	[sflag:s19] =	ssyncset.done $0x0  }
0x36: {  	s28 =	sadd.s32 $0x80, s26;
	[sflag:s19] =	ssyncadd.s32 $0xFFFFD800  }
0x37: {  	[spmem:s1] =	stream.indirect.scatter.add.f32 [tilespmem:s15], [sflag:$0x5], $0x80, s28, s12, $0xb8;
	[tilespmem:$0x1CC80] =	vst v63  }
.LBB2_6:
0x38: {  	_ =	swait.ge [sflag:s20], $0x2800  }
0x39: {  	[sflag:s20] =	ssyncset.done $0x0  }
0x3a: {  	s28 =	sadd.s32 $0x100, s26;
	[sflag:s20] =	ssyncadd.s32 $0xFFFFD800  }
0x3b: {  	[spmem:s1] =	stream.indirect.scatter.add.f32 [tilespmem:s17], [sflag:$0x6], $0x80, s28, s12, $0xb8;
	[tilespmem:$0x1CC80] =	vst v63  }
0x3c: {  	_ =	swait.ge [sflag:s21], $0x2800  }
0x3d: {  	s31 =	sadd.s32 $0xFFFFF500, s26;
	[sflag:s21] =	ssyncset.done $0x0  }
0x3e: {  	s25 =	sadd.s32 $0x1, s25;
	s26 =	sadd.s32 $0x180, s26;
	[sflag:s21] =	ssyncadd.s32 $0xFFFFD800  }
0x3f: {  	[tilespmem:s13], [sflag:$0x1] =	stream.indirect.gather [hbm4b:s4+s12], $0x80, s31, s12, $0xb8;
	[tilespmem:$0x1CC80] =	vst v63  }
.LBB2_3:
0x40: {  	p0 =	seq.s32 s25, $0x0  }
.Ltmp5:
0x41: {  	_ = 	snop;
	(pc) =	sbr.rel @p0 .LBB2_10-.Ltmp5, $4  }
0x42: {  	_ =	swait.ge [sflag:s18], $0x2800  }
0x43: {  	[sflag:s18] =	ssyncset.done $0x0  }
0x44: {  	[sflag:s18] =	ssyncadd.s32 $0xFFFFD800  }
0x45: {  	[spmem:s1] =	stream.indirect.scatter.add.f32 [tilespmem:s13], [sflag:$0x4], $0x80, s26, s12, $0xb8;
	[tilespmem:$0x1CC80] =	vst v63  }
0x46: {  	p0 =	seq.s32 s25, $0x8  }
.Ltmp6:
0x47: {  	_ = 	snop;
	(pc) =	sbr.rel @p0 .LBB2_7-.Ltmp6, $1  }
0x48: {  	_ =	sdelay $0x3  }
0x49: {  	_ =	swait.ge [sflag:s22], $0x2800  }
0x4a: {  	[sflag:s22] =	ssyncset.done $0x0  }
0x4b: {  	s28 =	sadd.s32 $0xFFFFF400, s26;
	[sflag:s22] =	ssyncadd.s32 $0xFFFFD800  }
0x4c: {  	[tilespmem:s15], [sflag:$0x2] =	stream.indirect.gather [hbm4b:s4+s12], $0x80, s28, s12, $0xb8;
	[tilespmem:$0x1CC80] =	vst v63  }
0x4d: {  	_ =	swait.ge [sflag:s19], $0x2800  }
0x4e: {  	[sflag:s19] =	ssyncset.done $0x0  }
0x4f: {  	s30 =	sadd.s32 $0x80, s26;
	[sflag:s19] =	ssyncadd.s32 $0xFFFFD800  }
0x50: {  	[spmem:s1] =	stream.indirect.scatter.add.f32 [tilespmem:s15], [sflag:$0x5], $0x80, s30, s12, $0xb8;
	[tilespmem:$0x1CC80] =	vst v63  }
.Ltmp7:
0x51: {  	_ = 	snop;
	(pc) =	sbr.rel .LBB2_6-.Ltmp7, $4  }
0x52: {  	_ =	swait.ge [sflag:s23], $0x2800  }
0x53: {  	[sflag:s23] =	ssyncset.done $0x0  }
0x54: {  	s31 =	sadd.s32 $0xFFFFF480, s26;
	[sflag:s23] =	ssyncadd.s32 $0xFFFFD800  }
0x55: {  	[tilespmem:s17], [sflag:$0x3] =	stream.indirect.gather [hbm4b:s4+s12], $0x80, s31, s12, $0xb8;
	[tilespmem:$0x1CC80] =	vst v63  }
.LBB2_9:
0x56: {  	_ =	sfence.sel $0x180000  }
0x57: {  	[bflag:$0x0] =	sbarrier.arrive $0xFFFF  }
0x58: {  	p0 =	sne.s32 s2, $0x0;
	_ =	strace $0x9000004A  }
0x59: {  	s0 =	sadd.s32 @!p0 $0x100000, s0;
	[bflag:$0x2] =	sbarrier.arrive $0xFFFF  }
0x5a: {  	[sflag:s0] =	ssyncadd.tile.s32 @!p0 $0x1;
	_ =	shalt  }
.Lfunc_end2:
_tile_overlayer_lowered:
.L_overlay_start_2:
0x5b: {  	(tag) =	ssettag $0x2  }
0x5c: {  	s0 =	rddreg [dreg:$0x0];
	s2 =	stileid.u32  }
0x5d: {  	s1 =	rddreg [dreg:$0x1];
	p0 =	sne.s32 s2, $0x0  }
0x5e: {  	s3 =	rddreg [dreg:$0x2];
	[bflag:$0x3] =	sbarrier.arrive $0xFFFF;
	s2 =	simm.s32 @!p0 $0x1C07  }
0x5f: {  	[timem:s3], [sflag:s2] =	dma.local @!p0 [hbm:s0], s1  }
0x60: {  	s0 =	simm.s32 @!p0 $0x7  }
0x61: {  	_ =	swait.ge @!p0 [sflag:s0], s1  }
0x62: {  	s1 =	ssub.s32 @!p0 $0x0, s1;
	[sflag:s0] =	ssyncset.done @!p0 $0x0  }
0x63: {  	[sflag:s0] =	ssyncadd.s32 @!p0 s1  }
0x64: {  	[bflag:$0x3] =	sbarrier.arrive $0xFFFF  }
0x65: {  	_ =	shalt  }

// kernel: kernel.17.cloned.1.call-start
scs
__scs_entry_jumppad:
0x0: {  	(pc) =	sbr.rel $0x88, $3  }
0x1: {  	(tag) =	ssettag $0x0;
	lr =	simm.s32 $0x1  }
0x2: {  	[smem:$0x3F8C] =	sst lr;
	_ =	strace $0xD0000000  }
0x3: {  	_ = 	snop  }
0x4: {  	_ = 	snop  }
0x5: {  	_ = 	snop  }
0x6: {  	_ = 	snop  }
0x7: {  	_ = 	snop  }
__scs_overlays_trampoline_lowered:
0x8: {  	[smem:$0x3F9B] =	sst s0  }
0x9: {  	[smem:$0x3F9C] =	sst s1  }
0xa: {  	[smem:$0x3F9D] =	sst s2  }
0xb: {  	[smem:$0x3F9E] =	sst s3  }
0xc: {  	[smem:$0x3F9F] =	sst s4  }
0xd: {  	[smem:$0x3FA0] =	sst s5  }
0xe: {  	[smem:$0x3FA1] =	sst s6  }
0xf: {  	[smem:$0x3FA2] =	sst s7  }
0x10: {  	[smem:$0x3FA3] =	sst s8  }
0x11: {  	[smem:$0x3FA4] =	sst s9;
	s0 =	simm.s32 @!p0 $0x0  }
0x12: {  	s1 =	sld [smem:$0x3F8A];
	s0 =	simm.s32 @p0 $0x1  }
0x13: {  	[smem:$0x3FA5] =	sst s0;
	s0 =	simm.s32 @!p1 $0x0  }
0x14: {  	s2 =	sld [smem:$0x3F89];
	s0 =	simm.s32 @p1 $0x1  }
0x15: {  	[smem:$0x3FA6] =	sst s0;
	s0 =	simm.s32 @!p2 $0x0  }
0x16: {  	s3 =	sld [smem:$0x3FDB];
	s0 =	simm.s32 @p2 $0x1  }
0x17: {  	s4 =	simm.s32 $0x1BF5;
	[smem:$0x3FA8] =	sst s0  }
0x18: {  	s0 =	sld [smem:$0x3F8B];
	_ =	swait.ge [sflag:s4], $0x0  }
0x19: {  	s7 =	sld [smem:$0x3F8C]  }
0x1a: {  	s8 =	sadd.s32 $0xFFFFE003, lr  }
0x1b: {  	s9 =	sadd.s32 $0xFFFFFEF7, lr;
	s5 =	simm.s32 $0xFFFFFFFF;
	p2 =	slt.u32 s8, $0xFFFFF086  }
0x1c: {  	p1 =	slt.u32 s9, $0xF7A;
	s5 =	simm.s32 @!p2 $0x0  }
0x1d: {  	s5 =	simm.s32 @p1 $0x1;
	p0 =	seq.s32 s7, s2  }
0x1e: {  	s7 =	smul.u32 @!p0 $0xF7A, s2;
	p2 =	seq.s32 @!p0 s5, $0x0  }
0x1f: {  	s9 =	smul.u32 $0xF7A, s1;
	s8 =	simm.s32 @!p0 $0x1BF5;
	p2 =	por !p2, p0  }
0x20: {  	[sflag:s8] =	ssyncset.s32 @!p0 $0xFFFFF086;
	s6 =	sadd.s32 @!p0 s3, s7;
	s7 =	simm.s32 @!p0 $0x108  }
0x21: {  	s3 =	sadd.s32 s3, s9;
	s6 =	sadd.s32 @!p0 $0x88, s6;
	s7 =	simm.s32 @p2 $0x1082  }
0x22: {  	[simem:s7], [sflag:s8] =	dma.local @!p0 [hbm:s6], $0xF7A  }
0x23: {  	s9 =	sor.u32 $0xD0000000, s2;
	s6 =	simm.s32 $0x108;
	_ =	swait.ge @!p0 [sflag:s8], $0x0  }
0x24: {  	s3 =	sadd.s32 $0x88, s3;
	s6 =	simm.s32 @!p1 $0x1082;
	[sflag:s4] =	ssyncset.s32 $0xFFFFF086  }
0x25: {  	[simem:s6], [sflag:s4] =	dma.local [hbm:s3], $0xF7A  }
0x26: {  	[smem:$0x3F8C] =	sst s1;
	(tag) =	ssettag s2;
	_ =	strace s9  }
0x27: {  	s1 =	sld [smem:$0x3F9C]  }
0x28: {  	s2 =	sld [smem:$0x3F9D]  }
0x29: {  	s4 =	sld [smem:$0x3F9F]  }
0x2a: {  	p0 =	seq.s32 s5, $0x0;
	s5 =	sld [smem:$0x3FA0]  }
0x2b: {  	s6 =	sld [smem:$0x3FA1]  }
0x2c: {  	s7 =	sld [smem:$0x3FA2]  }
0x2d: {  	s3 =	simm.s32 $0x108;
	s8 =	sld [smem:$0x3FA3]  }
0x2e: {  	s3 =	simm.s32 @!p0 $0x1082;
	s9 =	sld [smem:$0x3FA4]  }
0x2f: {  	lr =	sadd.s32 s0, s3;
	s0 =	sld [smem:$0x3F9B]  }
0x30: {  	s3 =	sld [smem:$0x3F9E]  }
0x31: {  	[smem:$0x3FA7] =	sst s10  }
0x32: {  	s10 =	sld [smem:$0x3FA5];
	_ =	sdelay $0x3  }
0x33: {  	p0 =	seq.s32 s10, $0x1;
	s10 =	sld [smem:$0x3FA7];
	_ =	sdelay $0x3  }
0x34: {  	[smem:$0x3FA7] =	sst s10  }
0x35: {  	s10 =	sld [smem:$0x3FA6];
	_ =	sdelay $0x3  }
0x36: {  	p1 =	seq.s32 s10, $0x1;
	s10 =	sld [smem:$0x3FA7];
	_ =	sdelay $0x3  }
0x37: {  	[smem:$0x3FA7] =	sst s10  }
0x38: {  	s10 =	sld [smem:$0x3FA8]  }
0x39: {  	_ = 	snop;
	(pc) =	sbr.ind lr, $3  }
0x3a: {  	_ = 	snop  }
0x3b: {  	_ = 	snop  }
0x3c: {  	p2 =	seq.s32 s10, $0x1;
	s10 =	sld [smem:$0x3FA7]  }
0x3d: {  	_ =	shalt  }
0x3e: {  	_ =	shalt  }
0x3f: {  	_ =	shalt  }
0x40: {  	_ =	shalt  }
0x41: {  	_ =	shalt  }
0x42: {  	_ =	shalt  }
0x43: {  	_ =	shalt  }
0x44: {  	_ =	shalt  }
0x45: {  	_ =	shalt  }
0x46: {  	_ =	shalt  }
0x47: {  	_ =	shalt  }
0x48: {  	_ =	shalt  }
0x49: {  	_ =	shalt  }
0x4a: {  	_ =	shalt  }
0x4b: {  	_ =	shalt  }
0x4c: {  	_ =	shalt  }
0x4d: {  	_ =	shalt  }
0x4e: {  	_ =	shalt  }
0x4f: {  	_ =	shalt  }
0x50: {  	_ =	shalt  }
0x51: {  	_ =	shalt  }
0x52: {  	_ =	shalt  }
0x53: {  	_ =	shalt  }
0x54: {  	_ =	shalt  }
0x55: {  	_ =	shalt  }
0x56: {  	_ =	shalt  }
0x57: {  	_ =	shalt  }
0x58: {  	_ =	shalt  }
0x59: {  	_ =	shalt  }
0x5a: {  	_ =	shalt  }
0x5b: {  	_ =	shalt  }
0x5c: {  	_ =	shalt  }
0x5d: {  	_ =	shalt  }
0x5e: {  	_ =	shalt  }
0x5f: {  	_ =	shalt  }
0x60: {  	_ =	shalt  }
0x61: {  	_ =	shalt  }
0x62: {  	_ =	shalt  }
0x63: {  	_ =	shalt  }
0x64: {  	_ =	shalt  }
0x65: {  	_ =	shalt  }
0x66: {  	_ =	shalt  }
0x67: {  	_ =	shalt  }
0x68: {  	_ =	shalt  }
0x69: {  	_ =	shalt  }
0x6a: {  	_ =	shalt  }
0x6b: {  	_ =	shalt  }
0x6c: {  	_ =	shalt  }
0x6d: {  	_ =	shalt  }
0x6e: {  	_ =	shalt  }
0x6f: {  	_ =	shalt  }
0x70: {  	_ =	shalt  }
0x71: {  	_ =	shalt  }
0x72: {  	_ =	shalt  }
0x73: {  	_ =	shalt  }
0x74: {  	_ =	shalt  }
0x75: {  	_ =	shalt  }
0x76: {  	_ =	shalt  }
0x77: {  	_ =	shalt  }
0x78: {  	_ =	shalt  }
0x79: {  	_ =	shalt  }
0x7a: {  	_ =	shalt  }
0x7b: {  	_ =	shalt  }
0x7c: {  	_ =	shalt  }
0x7d: {  	_ =	shalt  }
0x7e: {  	_ =	shalt  }
0x7f: {  	_ =	shalt  }
0x80: {  	_ =	shalt  }
0x81: {  	_ =	shalt  }
0x82: {  	_ =	shalt  }
0x83: {  	_ =	shalt  }
0x84: {  	_ =	shalt  }
0x85: {  	_ =	shalt  }
0x86: {  	_ =	shalt  }
0x87: {  	_ =	shalt  }
.Lfunc_end0:
.L_simem_size_0:
called_computation.2_lowered:
.L_overlay_start_0:
0x88: {  	s2 =	sld [smem:$0x3FD9]  }
0x89: {  	s3 =	sld [smem:$0x3FFE];
	_ =	sdelay $0x1  }
0x8a: {  	s1 =	srdreg.scid  }
0x8b: {  	s0 =	sand.u32 $0x1, s1  }
0x8c: {  	s16 =	sshll.u32 s0, $0xA;
	s2 =	sadd.s32 s3, s2  }
0x8d: {  	s2 =	sadd.s32 s2, s16  }
0x8e: {  	[smem:$0x3FB3] =	sst s2  }
0x8f: {  	_ = 	snop  }
0x90: {  	(tm) =	ssettm $0x1  }
0x91: {  	s17 =	sld [smem:$0x3FFB];
	_ =	sdelay $0x3  }
0x92: {  	_ =	strace s17  }
0x93: {  	s2 =	sld [smem:$0x3FFC];
	_ =	sdelay $0x3  }
0x94: {  	_ =	strace s2  }
0x95: {  	s2 =	sld [smem:$0x3FFD];
	_ =	sdelay $0x3  }
0x96: {  	_ =	strace s2  }
0x97: {  	_ =	strace $0x8FFFFFFF  }
0x98: {  	s18 =	sld [smem:$0x3FDB];
	_ =	sdelay $0x1  }
0x99: {  	s19 =	simm.s32 $_scs_section_size  }
0x9a: {  	s4 =	simm.s32 $_size__tile_overlayer_lowered;
	s5 =	simm.s32 $_tile_overlayer_lowered  }
0x9b: {  	s22 =	simm.s32 $0x1BFF;
	s21 =	sshll.u32 s5, $0x1;
	s2 =	sadd.s32 s19, s18  }
0x9c: {  	s6 =	simm.s32 $0x0;
	s20 =	sshll.u32 s4, $0x1;
	s4 =	sadd.s32 s21, s2  }
0x9d: {  	[timem:s6], [sflag:s22] =	dma.local [hbm:s4], s20  }
0x9e: {  	_ =	swait.ge [sflag:s22], s20  }
0x9f: {  	s3 =	ssub.s32 $0x0, s20;
	[sflag:s22] =	ssyncset.done $0x0  }
0xa0: {  	[sflag:s22] =	ssyncadd.s32 s3;
	_ =	sdelay $0x1  }
0xa1: {  	s23 =	simm.s32 $0x1B8B  }
0xa2: {  	_ =	swait.ge [sflag:s23], $0x1  }
0xa3: {  	[sflag:s23] =	ssyncset.done $0x0  }
0xa4: {  	s25 =	simm.s32 $0x1B8E;
	s24 =	sld [smem:$0x3FFE];
	[sflag:s23] =	ssyncadd.s32 $0xFFFFFFFF  }
0xa5: {  	s26 =	simm.s32 $execute0_lowered;
	[smem:$0x3FD2] =	sst s25  }
0xa6: {  	s4 =	sshll.u32 s26, $0x1;
	_ =	strace $0x8000004C;
	[dreg:$0x1] =	wrdreg $0xFFFFFFFF  }
0xa7: {  	s28 =	simm.s32 $_size_execute0_lowered;
	s2 =	sadd.s32 s2, s4;
	[dreg:$0x0] =	wrdreg $0x0  }
0xa8: {  	s4 =	sshll.u32 s28, $0x1;
	[dreg:$0x2] =	wrdreg s2  }
0xa9: {  	[dreg:$0x3] =	wrdreg s4  }
0xaa: {  	[dreg:$0x4] =	wrdreg $0xC0  }
0xab: {  	_ =	task [dreg:s6], $0x5FFFF  }
0xac: {  	[dreg:$0x1] =	wrdreg $0xFFFFFFFF  }
0xad: {  	[dreg:$0x0] =	wrdreg $0x60  }
0xae: {  	[dreg:$0x2] =	wrdreg s24  }
0xaf: {  	[dreg:$0x3] =	wrdreg $0x94000  }
0xb0: {  	[dreg:$0x4] =	wrdreg $0x9  }
0xb1: {  	_ =	task.clear_ibuf [dreg:s6], $0x5FFFF;
	_ =	strace $0x9000004C  }
0xb2: {  	s29 =	simm.s32 $0x9;
	_ =	strace $0x8000004E  }
0xb3: {  	_ =	swait.ge [sflag:s29], $0x1  }
0xb4: {  	[sflag:s29] =	ssyncadd.s32 $0xFFFFFFFF  }
0xb5: {  	_ =	strace $0x9000004E  }
0xb6: {  	_ =	sfence  }
0xb7: {  	s30 =	sld [smem:$0x0];
	_ =	sdelay $0x2  }
0xb8: {  	s31 =	sshll.u32 s1, $0xD;
	s1 =	sshrl.u32 s1, $0x2  }
0xb9: {  	s3 =	sand.u32 $0x4000, s31;
	s1 =	sadd.s32 s1, s30  }
0xba: {  	s0 =	sor.u32 s3, s0;
	s1 =	sshll.u32 s1, $0x11  }
0xbb: {  	s0 =	sor.u32 s1, s0  }
0xbc: {  	s0 =	sadd.s32 $0x8F2B, s0  }
0xbd: {  	[sflag:s0] =	ssyncadd.remote.s32 $0x1  }
0xbe: {  	_ =	sfence.sel $0xFFFF  }
0xbf: {  	[dreg:$0x0] =	wrdreg $0xFFFFFFFF;
	(pc) =	sbr.abs _section_cstart, $3  }
0xc0: {  	[dreg:$0x1] =	wrdreg $0xFFFFFFFF  }
0xc1: {  	_ =	task.clear_ibuf [dreg:s6], $0x2FFFF;
	_ =	strace $0x9FFFFFFF  }
0xc2: {  	(tm) =	ssettm $0x7FFFFFFF  }
0xc3: {  	_ =	shalt  }
tec
execute0_lowered:
.L_overlay_start_1:
0x0: {  	(tag) =	ssettag $0x1  }
0x1: {  	s9 =	rddreg [dreg:$0x0]  }
0x2: {  	s1 =	rddreg [dreg:$0x1];
	s2 =	srdreg.scid  }
0x3: {  	s0 =	rddreg [dreg:$0x2];
	s3 =	simm.s32 $0x0;
	s12 =	simm.s32 $0xA9C00  }
0x4: {  	s13 =	simm.s32 $0x1C00;
	s14 =	simm.s32 $0x80;
	s15 =	simm.s32 $0x4400  }
0x5: {  	s16 =	simm.s32 $0x100;
	s17 =	simm.s32 $0x6C00;
	s18 =	simm.s32 $0x1  }
0x6: {  	s19 =	simm.s32 $0x2;
	s20 =	simm.s32 $0x3;
	s21 =	simm.s32 $0x4  }
0x7: {  	s22 =	simm.s32 $0x5;
	s23 =	simm.s32 $0x6;
	s5 =	sand.u32 $0x1, s2  }
0x8: {  	s2 =	stileid.u32;
	[smem:$0x7FF] =	sst s3;
	s4 =	sshll.u32 s5, $0x4  }
0x9: {  	s6 =	smul.u32 $0x278, s2;
	_ =	strace $0x8000004D;
	p0 =	seq.s32 s2, $0xF  }
0xa: {  	s8 =	ssub.s32 $0x2, s5;
	s31 =	sshll.u32 s2, $0x6;
	s4 =	sor.u32 s2, s4  }
0xb: {  	s10 =	sshrl.u32 s8, $0x1;
	s7 =	smul.u32 $0x1180, s4;
	s4 =	sadd.s32 $0x34600, s9  }
0xc: {  	s6 =	simm.s32 @p0 $0x2498;
	s8 =	ssub.s32 s8, s10;
	p0 =	seq.s32 s5, $0x1  }
.Ltmp0:
0xd: {  	s11 =	sshll.u32 s6, $0x7;
	s30 =	sshll.u32 s6, $0x4;
	(pc) =	sbr.rel .LBB2_1-.Ltmp0, $4  }
0xe: {  	s6 =	sor.u32 $0x1C07, s31;
	s12 =	simm.s32 @!p0 $0x82A00;
	s8 =	smax.u32 s8, $0x1  }
0xf: {  	s7 =	sadd.s32 s7, s9;
	s29 =	sadd.s32 s11, s1;
	s5 =	sadd.s32 s4, s30  }
0x10: {  	s9 =	sadd.s32 s12, s9;
	s11 =	simm.s32 $0x7;
	s12 =	simm.s32 $0x50  }
0x11: {  	s7 =	sadd.s32 $0x11600, s7;
	s9 =	sadd.s32 s9, s30;
	s10 =	sshrl.u32 s29, $0x3  }
.LBB2_8:
0x12: {  	s3 =	sadd.s32 $0x1, s3  }
0x13: {  	p0 =	sne.s32 s3, s8  }
.Ltmp1:
0x14: {  	[bflag:$0x0] =	sbarrier.arrive $0xFFFF;
	(pc) =	sbr.rel @!p0 .LBB2_9-.Ltmp1, $4  }
0x15: {  	[hbm:s9], [sflag:s6] =	dma.local [spmem:s10], $0x2780  }
0x16: {  	_ =	swait.ge [sflag:s11], $0x2780  }
0x17: {  	[sflag:s11] =	ssyncset.done $0x0  }
0x18: {  	[sflag:s11] =	ssyncadd.s32 $0xFFFFD880  }
.LBB2_1:
0x19: {  	[spmem:s10], [sflag:s6] =	dma.local [hbm:s5], $0x2780  }
.Ltmp2:
0x1a: {  	_ =	swait.ge [sflag:s11], $0x2780;
	(pc) =	sbr.rel .LBB2_2-.Ltmp2, $4  }
0x1b: {  	[sflag:s11] =	ssyncset.done $0x0  }
0x1c: {  	[sflag:s11] =	ssyncadd.s32 $0xFFFFD880  }
0x1d: {  	[bflag:$0x0] =	sbarrier.arrive $0xFFFF  }
0x1e: {  	s24 =	simm.s32 $0x0  }
.LBB2_7:
0x1f: {  	_ =	swait.ge [sflag:s21], $0x2800  }
0x20: {  	[sflag:s21] =	ssyncset.done $0x0  }
0x21: {  	s24 =	sadd.s32 $0x1, s24;
	[sflag:s21] =	ssyncadd.s32 $0xFFFFD800  }
0x22: {  	p0 =	sne.s32 s24, $0x5;
	_ =	swait.ge [sflag:s22], $0x2800  }
.Ltmp3:
0x23: {  	[sflag:s22] =	ssyncset.done $0x0;
	(pc) =	sbr.rel @!p0 .LBB2_8-.Ltmp3, $4  }
0x24: {  	[sflag:s22] =	ssyncadd.s32 $0xFFFFD800  }
0x25: {  	_ =	swait.ge [sflag:s23], $0x2800  }
0x26: {  	[sflag:s23] =	ssyncset.done $0x0  }
0x27: {  	[sflag:s23] =	ssyncadd.s32 $0xFFFFD800  }
.LBB2_2:
0x28: {  	s25 =	smul.u32 $0x380, s24;
	_ =	sdelay $0x1  }
0x29: {  	s26 =	sadd.s32 s25, s7;
	s25 =	simm.s32 $0x0  }
0x2a: {  	[tilespmem:s25], [sflag:$0x7] =	stream.linear.gather [hbm4b:s26+s25], $0x1900, $0x38;
	[tilespmem:$0x1CC80] =	vst v63  }
0x2b: {  	_ =	swait.ge [sflag:s11], $0x1900  }
0x2c: {  	[sflag:s11] =	ssyncset.done $0x0  }
0x2d: {  	[sflag:s11] =	ssyncadd.s32 $0xFFFFE700  }
0x2e: {  	[tilespmem:s13], [sflag:$0x1] =	stream.indirect.gather [hbm4b:s4+s12], $0x80, s25, s12, $0xb8;
	[tilespmem:$0x1CC80] =	vst v63  }
.Ltmp4:
0x2f: {  	_ = 	snop;
	(pc) =	sbr.rel .LBB2_3-.Ltmp4, $4  }
0x30: {  	_ = 	snop  }
0x31: {  	[tilespmem:s15], [sflag:$0x2] =	stream.indirect.gather [hbm4b:s4+s12], $0x80, s14, s12, $0xb8;
	[tilespmem:$0x1CC80] =	vst v63  }
0x32: {  	s26 =	simm.s32 $0xC80  }
0x33: {  	[tilespmem:s17], [sflag:$0x3] =	stream.indirect.gather [hbm4b:s4+s12], $0x80, s16, s12, $0xb8;
	[tilespmem:$0x1CC80] =	vst v63  }
.LBB2_10:
0x34: {  	_ =	swait.ge [sflag:s19], $0x2800  }
0x35: {  	[sflag:s19] =	ssyncset.done $0x0  }
0x36: {  	s28 =	sadd.s32 $0x80, s26;
	[sflag:s19] =	ssyncadd.s32 $0xFFFFD800  }
0x37: {  	[spmem:s1] =	stream.indirect.scatter.add.f32 [tilespmem:s15], [sflag:$0x5], $0x80, s28, s12, $0xb8;
	[tilespmem:$0x1CC80] =	vst v63  }
.LBB2_6:
0x38: {  	_ =	swait.ge [sflag:s20], $0x2800  }
0x39: {  	[sflag:s20] =	ssyncset.done $0x0  }
0x3a: {  	s28 =	sadd.s32 $0x100, s26;
	[sflag:s20] =	ssyncadd.s32 $0xFFFFD800  }
0x3b: {  	[spmem:s1] =	stream.indirect.scatter.add.f32 [tilespmem:s17], [sflag:$0x6], $0x80, s28, s12, $0xb8;
	[tilespmem:$0x1CC80] =	vst v63  }
0x3c: {  	_ =	swait.ge [sflag:s21], $0x2800  }
0x3d: {  	s31 =	sadd.s32 $0xFFFFF500, s26;
	[sflag:s21] =	ssyncset.done $0x0  }
0x3e: {  	s25 =	sadd.s32 $0x1, s25;
	s26 =	sadd.s32 $0x180, s26;
	[sflag:s21] =	ssyncadd.s32 $0xFFFFD800  }
0x3f: {  	[tilespmem:s13], [sflag:$0x1] =	stream.indirect.gather [hbm4b:s4+s12], $0x80, s31, s12, $0xb8;
	[tilespmem:$0x1CC80] =	vst v63  }
.LBB2_3:
0x40: {  	p0 =	seq.s32 s25, $0x0  }
.Ltmp5:
0x41: {  	_ = 	snop;
	(pc) =	sbr.rel @p0 .LBB2_10-.Ltmp5, $4  }
0x42: {  	_ =	swait.ge [sflag:s18], $0x2800  }
0x43: {  	[sflag:s18] =	ssyncset.done $0x0  }
0x44: {  	[sflag:s18] =	ssyncadd.s32 $0xFFFFD800  }
0x45: {  	[spmem:s1] =	stream.indirect.scatter.add.f32 [tilespmem:s13], [sflag:$0x4], $0x80, s26, s12, $0xb8;
	[tilespmem:$0x1CC80] =	vst v63  }
0x46: {  	p0 =	seq.s32 s25, $0x8  }
.Ltmp6:
0x47: {  	_ = 	snop;
	(pc) =	sbr.rel @p0 .LBB2_7-.Ltmp6, $1  }
0x48: {  	_ =	sdelay $0x3  }
0x49: {  	_ =	swait.ge [sflag:s22], $0x2800  }
0x4a: {  	[sflag:s22] =	ssyncset.done $0x0  }
0x4b: {  	s28 =	sadd.s32 $0xFFFFF400, s26;
	[sflag:s22] =	ssyncadd.s32 $0xFFFFD800  }
0x4c: {  	[tilespmem:s15], [sflag:$0x2] =	stream.indirect.gather [hbm4b:s4+s12], $0x80, s28, s12, $0xb8;
	[tilespmem:$0x1CC80] =	vst v63  }
0x4d: {  	_ =	swait.ge [sflag:s19], $0x2800  }
0x4e: {  	[sflag:s19] =	ssyncset.done $0x0  }
0x4f: {  	s30 =	sadd.s32 $0x80, s26;
	[sflag:s19] =	ssyncadd.s32 $0xFFFFD800  }
0x50: {  	[spmem:s1] =	stream.indirect.scatter.add.f32 [tilespmem:s15], [sflag:$0x5], $0x80, s30, s12, $0xb8;
	[tilespmem:$0x1CC80] =	vst v63  }
.Ltmp7:
0x51: {  	_ = 	snop;
	(pc) =	sbr.rel .LBB2_6-.Ltmp7, $4  }
0x52: {  	_ =	swait.ge [sflag:s23], $0x2800  }
0x53: {  	[sflag:s23] =	ssyncset.done $0x0  }
0x54: {  	s31 =	sadd.s32 $0xFFFFF480, s26;
	[sflag:s23] =	ssyncadd.s32 $0xFFFFD800  }
0x55: {  	[tilespmem:s17], [sflag:$0x3] =	stream.indirect.gather [hbm4b:s4+s12], $0x80, s31, s12, $0xb8;
	[tilespmem:$0x1CC80] =	vst v63  }
.LBB2_9:
0x56: {  	_ =	sfence.sel $0x180000  }
0x57: {  	[bflag:$0x0] =	sbarrier.arrive $0xFFFF  }
0x58: {  	p0 =	sne.s32 s2, $0x0;
	_ =	strace $0x9000004D  }
0x59: {  	s0 =	sadd.s32 @!p0 $0x100000, s0;
	[bflag:$0x2] =	sbarrier.arrive $0xFFFF  }
0x5a: {  	[sflag:s0] =	ssyncadd.tile.s32 @!p0 $0x1;
	_ =	shalt  }
.Lfunc_end2:
_tile_overlayer_lowered:
.L_overlay_start_2:
0x5b: {  	(tag) =	ssettag $0x2  }
0x5c: {  	s0 =	rddreg [dreg:$0x0];
	s2 =	stileid.u32  }
0x5d: {  	s1 =	rddreg [dreg:$0x1];
	p0 =	sne.s32 s2, $0x0  }
0x5e: {  	s3 =	rddreg [dreg:$0x2];
	[bflag:$0x3] =	sbarrier.arrive $0xFFFF;
	s2 =	simm.s32 @!p0 $0x1C07  }
0x5f: {  	[timem:s3], [sflag:s2] =	dma.local @!p0 [hbm:s0], s1  }
0x60: {  	s0 =	simm.s32 @!p0 $0x7  }
0x61: {  	_ =	swait.ge @!p0 [sflag:s0], s1  }
0x62: {  	s1 =	ssub.s32 @!p0 $0x0, s1;
	[sflag:s0] =	ssyncset.done @!p0 $0x0  }
0x63: {  	[sflag:s0] =	ssyncadd.s32 @!p0 s1  }
0x64: {  	[bflag:$0x3] =	sbarrier.arrive $0xFFFF  }
0x65: {  	_ =	shalt  }

// kernel: kernel.20.cloned.1.call-start
scs
__scs_entry_jumppad:
0x0: {  	(pc) =	sbr.rel $0x88, $3  }
0x1: {  	(tag) =	ssettag $0x0;
	lr =	simm.s32 $0x1  }
0x2: {  	[smem:$0x3F8C] =	sst lr;
	_ =	strace $0xD0000000  }
0x3: {  	_ = 	snop  }
0x4: {  	_ = 	snop  }
0x5: {  	_ = 	snop  }
0x6: {  	_ = 	snop  }
0x7: {  	_ = 	snop  }
__scs_overlays_trampoline_lowered:
0x8: {  	[smem:$0x3F9B] =	sst s0  }
0x9: {  	[smem:$0x3F9C] =	sst s1  }
0xa: {  	[smem:$0x3F9D] =	sst s2  }
0xb: {  	[smem:$0x3F9E] =	sst s3  }
0xc: {  	[smem:$0x3F9F] =	sst s4  }
0xd: {  	[smem:$0x3FA0] =	sst s5  }
0xe: {  	[smem:$0x3FA1] =	sst s6  }
0xf: {  	[smem:$0x3FA2] =	sst s7  }
0x10: {  	[smem:$0x3FA3] =	sst s8  }
0x11: {  	[smem:$0x3FA4] =	sst s9;
	s0 =	simm.s32 @!p0 $0x0  }
0x12: {  	s1 =	sld [smem:$0x3F8A];
	s0 =	simm.s32 @p0 $0x1  }
0x13: {  	[smem:$0x3FA5] =	sst s0;
	s0 =	simm.s32 @!p1 $0x0  }
0x14: {  	s2 =	sld [smem:$0x3F89];
	s0 =	simm.s32 @p1 $0x1  }
0x15: {  	[smem:$0x3FA6] =	sst s0;
	s0 =	simm.s32 @!p2 $0x0  }
0x16: {  	s3 =	sld [smem:$0x3FDB];
	s0 =	simm.s32 @p2 $0x1  }
0x17: {  	s4 =	simm.s32 $0x1BF5;
	[smem:$0x3FA8] =	sst s0  }
0x18: {  	s0 =	sld [smem:$0x3F8B];
	_ =	swait.ge [sflag:s4], $0x0  }
0x19: {  	s7 =	sld [smem:$0x3F8C]  }
0x1a: {  	s8 =	sadd.s32 $0xFFFFE003, lr  }
0x1b: {  	s9 =	sadd.s32 $0xFFFFFEF7, lr;
	s5 =	simm.s32 $0xFFFFFFFF;
	p2 =	slt.u32 s8, $0xFFFFF086  }
0x1c: {  	p1 =	slt.u32 s9, $0xF7A;
	s5 =	simm.s32 @!p2 $0x0  }
0x1d: {  	s5 =	simm.s32 @p1 $0x1;
	p0 =	seq.s32 s7, s2  }
0x1e: {  	s7 =	smul.u32 @!p0 $0xF7A, s2;
	p2 =	seq.s32 @!p0 s5, $0x0  }
0x1f: {  	s9 =	smul.u32 $0xF7A, s1;
	s8 =	simm.s32 @!p0 $0x1BF5;
	p2 =	por !p2, p0  }
0x20: {  	[sflag:s8] =	ssyncset.s32 @!p0 $0xFFFFF086;
	s6 =	sadd.s32 @!p0 s3, s7;
	s7 =	simm.s32 @!p0 $0x108  }
0x21: {  	s3 =	sadd.s32 s3, s9;
	s6 =	sadd.s32 @!p0 $0x88, s6;
	s7 =	simm.s32 @p2 $0x1082  }
0x22: {  	[simem:s7], [sflag:s8] =	dma.local @!p0 [hbm:s6], $0xF7A  }
0x23: {  	s9 =	sor.u32 $0xD0000000, s2;
	s6 =	simm.s32 $0x108;
	_ =	swait.ge @!p0 [sflag:s8], $0x0  }
0x24: {  	s3 =	sadd.s32 $0x88, s3;
	s6 =	simm.s32 @!p1 $0x1082;
	[sflag:s4] =	ssyncset.s32 $0xFFFFF086  }
0x25: {  	[simem:s6], [sflag:s4] =	dma.local [hbm:s3], $0xF7A  }
0x26: {  	[smem:$0x3F8C] =	sst s1;
	(tag) =	ssettag s2;
	_ =	strace s9  }
0x27: {  	s1 =	sld [smem:$0x3F9C]  }
0x28: {  	s2 =	sld [smem:$0x3F9D]  }
0x29: {  	s4 =	sld [smem:$0x3F9F]  }
0x2a: {  	p0 =	seq.s32 s5, $0x0;
	s5 =	sld [smem:$0x3FA0]  }
0x2b: {  	s6 =	sld [smem:$0x3FA1]  }
0x2c: {  	s7 =	sld [smem:$0x3FA2]  }
0x2d: {  	s3 =	simm.s32 $0x108;
	s8 =	sld [smem:$0x3FA3]  }
0x2e: {  	s3 =	simm.s32 @!p0 $0x1082;
	s9 =	sld [smem:$0x3FA4]  }
0x2f: {  	lr =	sadd.s32 s0, s3;
	s0 =	sld [smem:$0x3F9B]  }
0x30: {  	s3 =	sld [smem:$0x3F9E]  }
0x31: {  	[smem:$0x3FA7] =	sst s10  }
0x32: {  	s10 =	sld [smem:$0x3FA5];
	_ =	sdelay $0x3  }
0x33: {  	p0 =	seq.s32 s10, $0x1;
	s10 =	sld [smem:$0x3FA7];
	_ =	sdelay $0x3  }
0x34: {  	[smem:$0x3FA7] =	sst s10  }
0x35: {  	s10 =	sld [smem:$0x3FA6];
	_ =	sdelay $0x3  }
0x36: {  	p1 =	seq.s32 s10, $0x1;
	s10 =	sld [smem:$0x3FA7];
	_ =	sdelay $0x3  }
0x37: {  	[smem:$0x3FA7] =	sst s10  }
0x38: {  	s10 =	sld [smem:$0x3FA8]  }
0x39: {  	_ = 	snop;
	(pc) =	sbr.ind lr, $3  }
0x3a: {  	_ = 	snop  }
0x3b: {  	_ = 	snop  }
0x3c: {  	p2 =	seq.s32 s10, $0x1;
	s10 =	sld [smem:$0x3FA7]  }
0x3d: {  	_ =	shalt  }
0x3e: {  	_ =	shalt  }
0x3f: {  	_ =	shalt  }
0x40: {  	_ =	shalt  }
0x41: {  	_ =	shalt  }
0x42: {  	_ =	shalt  }
0x43: {  	_ =	shalt  }
0x44: {  	_ =	shalt  }
0x45: {  	_ =	shalt  }
0x46: {  	_ =	shalt  }
0x47: {  	_ =	shalt  }
0x48: {  	_ =	shalt  }
0x49: {  	_ =	shalt  }
0x4a: {  	_ =	shalt  }
0x4b: {  	_ =	shalt  }
0x4c: {  	_ =	shalt  }
0x4d: {  	_ =	shalt  }
0x4e: {  	_ =	shalt  }
0x4f: {  	_ =	shalt  }
0x50: {  	_ =	shalt  }
0x51: {  	_ =	shalt  }
0x52: {  	_ =	shalt  }
0x53: {  	_ =	shalt  }
0x54: {  	_ =	shalt  }
0x55: {  	_ =	shalt  }
0x56: {  	_ =	shalt  }
0x57: {  	_ =	shalt  }
0x58: {  	_ =	shalt  }
0x59: {  	_ =	shalt  }
0x5a: {  	_ =	shalt  }
0x5b: {  	_ =	shalt  }
0x5c: {  	_ =	shalt  }
0x5d: {  	_ =	shalt  }
0x5e: {  	_ =	shalt  }
0x5f: {  	_ =	shalt  }
0x60: {  	_ =	shalt  }
0x61: {  	_ =	shalt  }
0x62: {  	_ =	shalt  }
0x63: {  	_ =	shalt  }
0x64: {  	_ =	shalt  }
0x65: {  	_ =	shalt  }
0x66: {  	_ =	shalt  }
0x67: {  	_ =	shalt  }
0x68: {  	_ =	shalt  }
0x69: {  	_ =	shalt  }
0x6a: {  	_ =	shalt  }
0x6b: {  	_ =	shalt  }
0x6c: {  	_ =	shalt  }
0x6d: {  	_ =	shalt  }
0x6e: {  	_ =	shalt  }
0x6f: {  	_ =	shalt  }
0x70: {  	_ =	shalt  }
0x71: {  	_ =	shalt  }
0x72: {  	_ =	shalt  }
0x73: {  	_ =	shalt  }
0x74: {  	_ =	shalt  }
0x75: {  	_ =	shalt  }
0x76: {  	_ =	shalt  }
0x77: {  	_ =	shalt  }
0x78: {  	_ =	shalt  }
0x79: {  	_ =	shalt  }
0x7a: {  	_ =	shalt  }
0x7b: {  	_ =	shalt  }
0x7c: {  	_ =	shalt  }
0x7d: {  	_ =	shalt  }
0x7e: {  	_ =	shalt  }
0x7f: {  	_ =	shalt  }
0x80: {  	_ =	shalt  }
0x81: {  	_ =	shalt  }
0x82: {  	_ =	shalt  }
0x83: {  	_ =	shalt  }
0x84: {  	_ =	shalt  }
0x85: {  	_ =	shalt  }
0x86: {  	_ =	shalt  }
0x87: {  	_ =	shalt  }
.Lfunc_end0:
.L_simem_size_0:
called_computation.3_lowered:
.L_overlay_start_0:
0x88: {  	s2 =	sld [smem:$0x3FD9]  }
0x89: {  	s3 =	sld [smem:$0x3FFE];
	_ =	sdelay $0x1  }
0x8a: {  	s1 =	srdreg.scid  }
0x8b: {  	s0 =	sand.u32 $0x1, s1  }
0x8c: {  	s16 =	sshll.u32 s0, $0xA;
	s2 =	sadd.s32 s3, s2  }
0x8d: {  	s2 =	sadd.s32 s2, s16  }
0x8e: {  	[smem:$0x3FB3] =	sst s2  }
0x8f: {  	_ = 	snop  }
0x90: {  	(tm) =	ssettm $0x1  }
0x91: {  	s17 =	sld [smem:$0x3FFB];
	_ =	sdelay $0x3  }
0x92: {  	_ =	strace s17  }
0x93: {  	s2 =	sld [smem:$0x3FFC];
	_ =	sdelay $0x3  }
0x94: {  	_ =	strace s2  }
0x95: {  	s2 =	sld [smem:$0x3FFD];
	_ =	sdelay $0x3  }
0x96: {  	_ =	strace s2  }
0x97: {  	_ =	strace $0x8FFFFFFF  }
0x98: {  	s18 =	sld [smem:$0x3FDB];
	_ =	sdelay $0x1  }
0x99: {  	s19 =	simm.s32 $_scs_section_size  }
0x9a: {  	s4 =	simm.s32 $_size__tile_overlayer_lowered;
	s5 =	simm.s32 $_tile_overlayer_lowered  }
0x9b: {  	s22 =	simm.s32 $0x1BFF;
	s21 =	sshll.u32 s5, $0x1;
	s2 =	sadd.s32 s19, s18  }
0x9c: {  	s6 =	simm.s32 $0x0;
	s20 =	sshll.u32 s4, $0x1;
	s4 =	sadd.s32 s21, s2  }
0x9d: {  	[timem:s6], [sflag:s22] =	dma.local [hbm:s4], s20  }
0x9e: {  	_ =	swait.ge [sflag:s22], s20  }
0x9f: {  	s3 =	ssub.s32 $0x0, s20;
	[sflag:s22] =	ssyncset.done $0x0  }
0xa0: {  	[sflag:s22] =	ssyncadd.s32 s3;
	_ =	sdelay $0x1  }
0xa1: {  	s23 =	simm.s32 $0x1B8B  }
0xa2: {  	_ =	swait.ge [sflag:s23], $0x1  }
0xa3: {  	[sflag:s23] =	ssyncset.done $0x0  }
0xa4: {  	s25 =	simm.s32 $0x1B8E;
	s24 =	sld [smem:$0x3FFE];
	[sflag:s23] =	ssyncadd.s32 $0xFFFFFFFF  }
0xa5: {  	s26 =	simm.s32 $execute0_lowered;
	[smem:$0x3FD2] =	sst s25  }
0xa6: {  	s4 =	sshll.u32 s26, $0x1;
	_ =	strace $0x8000004F;
	[dreg:$0x1] =	wrdreg $0xFFFFFFFF  }
0xa7: {  	s28 =	simm.s32 $_size_execute0_lowered;
	s2 =	sadd.s32 s2, s4;
	[dreg:$0x0] =	wrdreg $0x0  }
0xa8: {  	s4 =	sshll.u32 s28, $0x1;
	[dreg:$0x2] =	wrdreg s2  }
0xa9: {  	[dreg:$0x3] =	wrdreg s4  }
0xaa: {  	[dreg:$0x4] =	wrdreg $0xC0  }
0xab: {  	_ =	task [dreg:s6], $0x5FFFF  }
0xac: {  	[dreg:$0x1] =	wrdreg $0xFFFFFFFF  }
0xad: {  	[dreg:$0x0] =	wrdreg $0x60  }
0xae: {  	[dreg:$0x2] =	wrdreg s24  }
0xaf: {  	[dreg:$0x3] =	wrdreg $0x94000  }
0xb0: {  	[dreg:$0x4] =	wrdreg $0x9  }
0xb1: {  	_ =	task.clear_ibuf [dreg:s6], $0x5FFFF;
	_ =	strace $0x9000004F  }
0xb2: {  	s29 =	simm.s32 $0x9;
	_ =	strace $0x80000051  }
0xb3: {  	_ =	swait.ge [sflag:s29], $0x1  }
0xb4: {  	[sflag:s29] =	ssyncadd.s32 $0xFFFFFFFF  }
0xb5: {  	_ =	strace $0x90000051  }
0xb6: {  	_ =	sfence  }
0xb7: {  	s30 =	sld [smem:$0x0];
	_ =	sdelay $0x2  }
0xb8: {  	s31 =	sshll.u32 s1, $0xD;
	s1 =	sshrl.u32 s1, $0x2  }
0xb9: {  	s3 =	sand.u32 $0x4000, s31;
	s1 =	sadd.s32 s1, s30  }
0xba: {  	s0 =	sor.u32 s3, s0;
	s1 =	sshll.u32 s1, $0x11  }
0xbb: {  	s0 =	sor.u32 s1, s0  }
0xbc: {  	s0 =	sadd.s32 $0x8F2B, s0  }
0xbd: {  	[sflag:s0] =	ssyncadd.remote.s32 $0x1  }
0xbe: {  	_ =	sfence.sel $0xFFFF  }
0xbf: {  	[dreg:$0x0] =	wrdreg $0xFFFFFFFF;
	(pc) =	sbr.abs _section_cstart, $3  }
0xc0: {  	[dreg:$0x1] =	wrdreg $0xFFFFFFFF  }
0xc1: {  	_ =	task.clear_ibuf [dreg:s6], $0x2FFFF;
	_ =	strace $0x9FFFFFFF  }
0xc2: {  	(tm) =	ssettm $0x7FFFFFFF  }
0xc3: {  	_ =	shalt  }
tec
execute0_lowered:
.L_overlay_start_1:
0x0: {  	(tag) =	ssettag $0x1  }
0x1: {  	s9 =	rddreg [dreg:$0x0]  }
0x2: {  	s1 =	rddreg [dreg:$0x1];
	s2 =	srdreg.scid  }
0x3: {  	s0 =	rddreg [dreg:$0x2];
	s3 =	simm.s32 $0x0;
	s12 =	simm.s32 $0xA9C00  }
0x4: {  	s13 =	simm.s32 $0x1C00;
	s14 =	simm.s32 $0x80;
	s15 =	simm.s32 $0x4400  }
0x5: {  	s16 =	simm.s32 $0x100;
	s17 =	simm.s32 $0x6C00;
	s18 =	simm.s32 $0x1  }
0x6: {  	s19 =	simm.s32 $0x2;
	s20 =	simm.s32 $0x3;
	s21 =	simm.s32 $0x4  }
0x7: {  	s22 =	simm.s32 $0x5;
	s23 =	simm.s32 $0x6;
	s5 =	sand.u32 $0x1, s2  }
0x8: {  	s2 =	stileid.u32;
	[smem:$0x7FF] =	sst s3;
	s4 =	sshll.u32 s5, $0x4  }
0x9: {  	s6 =	smul.u32 $0x278, s2;
	_ =	strace $0x80000050;
	p0 =	seq.s32 s2, $0xF  }
0xa: {  	s8 =	ssub.s32 $0x2, s5;
	s31 =	sshll.u32 s2, $0x6;
	s4 =	sor.u32 s2, s4  }
0xb: {  	s10 =	sshrl.u32 s8, $0x1;
	s7 =	smul.u32 $0x1180, s4;
	s4 =	sadd.s32 $0x34600, s9  }
0xc: {  	s6 =	simm.s32 @p0 $0x2498;
	s8 =	ssub.s32 s8, s10;
	p0 =	seq.s32 s5, $0x1  }
.Ltmp0:
0xd: {  	s11 =	sshll.u32 s6, $0x7;
	s30 =	sshll.u32 s6, $0x4;
	(pc) =	sbr.rel .LBB2_1-.Ltmp0, $4  }
0xe: {  	s6 =	sor.u32 $0x1C07, s31;
	s12 =	simm.s32 @!p0 $0x82A00;
	s8 =	smax.u32 s8, $0x1  }
0xf: {  	s7 =	sadd.s32 s7, s9;
	s29 =	sadd.s32 s11, s1;
	s5 =	sadd.s32 s4, s30  }
0x10: {  	s9 =	sadd.s32 s12, s9;
	s11 =	simm.s32 $0x7;
	s12 =	simm.s32 $0x50  }
0x11: {  	s7 =	sadd.s32 $0x11600, s7;
	s9 =	sadd.s32 s9, s30;
	s10 =	sshrl.u32 s29, $0x3  }
.LBB2_8:
0x12: {  	s3 =	sadd.s32 $0x1, s3  }
0x13: {  	p0 =	sne.s32 s3, s8  }
.Ltmp1:
0x14: {  	[bflag:$0x0] =	sbarrier.arrive $0xFFFF;
	(pc) =	sbr.rel @!p0 .LBB2_9-.Ltmp1, $4  }
0x15: {  	[hbm:s9], [sflag:s6] =	dma.local [spmem:s10], $0x2780  }
0x16: {  	_ =	swait.ge [sflag:s11], $0x2780  }
0x17: {  	[sflag:s11] =	ssyncset.done $0x0  }
0x18: {  	[sflag:s11] =	ssyncadd.s32 $0xFFFFD880  }
.LBB2_1:
0x19: {  	[spmem:s10], [sflag:s6] =	dma.local [hbm:s5], $0x2780  }
.Ltmp2:
0x1a: {  	_ =	swait.ge [sflag:s11], $0x2780;
	(pc) =	sbr.rel .LBB2_2-.Ltmp2, $4  }
0x1b: {  	[sflag:s11] =	ssyncset.done $0x0  }
0x1c: {  	[sflag:s11] =	ssyncadd.s32 $0xFFFFD880  }
0x1d: {  	[bflag:$0x0] =	sbarrier.arrive $0xFFFF  }
0x1e: {  	s24 =	simm.s32 $0x0  }
.LBB2_7:
0x1f: {  	_ =	swait.ge [sflag:s21], $0x2800  }
0x20: {  	[sflag:s21] =	ssyncset.done $0x0  }
0x21: {  	s24 =	sadd.s32 $0x1, s24;
	[sflag:s21] =	ssyncadd.s32 $0xFFFFD800  }
0x22: {  	p0 =	sne.s32 s24, $0x5;
	_ =	swait.ge [sflag:s22], $0x2800  }
.Ltmp3:
0x23: {  	[sflag:s22] =	ssyncset.done $0x0;
	(pc) =	sbr.rel @!p0 .LBB2_8-.Ltmp3, $4  }
0x24: {  	[sflag:s22] =	ssyncadd.s32 $0xFFFFD800  }
0x25: {  	_ =	swait.ge [sflag:s23], $0x2800  }
0x26: {  	[sflag:s23] =	ssyncset.done $0x0  }
0x27: {  	[sflag:s23] =	ssyncadd.s32 $0xFFFFD800  }
.LBB2_2:
0x28: {  	s25 =	smul.u32 $0x380, s24;
	_ =	sdelay $0x1  }
0x29: {  	s26 =	sadd.s32 s25, s7;
	s25 =	simm.s32 $0x0  }
0x2a: {  	[tilespmem:s25], [sflag:$0x7] =	stream.linear.gather [hbm4b:s26+s25], $0x1900, $0x38;
	[tilespmem:$0x1CC80] =	vst v63  }
0x2b: {  	_ =	swait.ge [sflag:s11], $0x1900  }
0x2c: {  	[sflag:s11] =	ssyncset.done $0x0  }
0x2d: {  	[sflag:s11] =	ssyncadd.s32 $0xFFFFE700  }
0x2e: {  	[tilespmem:s13], [sflag:$0x1] =	stream.indirect.gather [hbm4b:s4+s12], $0x80, s25, s12, $0xb8;
	[tilespmem:$0x1CC80] =	vst v63  }
.Ltmp4:
0x2f: {  	_ = 	snop;
	(pc) =	sbr.rel .LBB2_3-.Ltmp4, $4  }
0x30: {  	_ = 	snop  }
0x31: {  	[tilespmem:s15], [sflag:$0x2] =	stream.indirect.gather [hbm4b:s4+s12], $0x80, s14, s12, $0xb8;
	[tilespmem:$0x1CC80] =	vst v63  }
0x32: {  	s26 =	simm.s32 $0xC80  }
0x33: {  	[tilespmem:s17], [sflag:$0x3] =	stream.indirect.gather [hbm4b:s4+s12], $0x80, s16, s12, $0xb8;
	[tilespmem:$0x1CC80] =	vst v63  }
.LBB2_10:
0x34: {  	_ =	swait.ge [sflag:s19], $0x2800  }
0x35: {  	[sflag:s19] =	ssyncset.done $0x0  }
0x36: {  	s28 =	sadd.s32 $0x80, s26;
	[sflag:s19] =	ssyncadd.s32 $0xFFFFD800  }
0x37: {  	[spmem:s1] =	stream.indirect.scatter.add.f32 [tilespmem:s15], [sflag:$0x5], $0x80, s28, s12, $0xb8;
	[tilespmem:$0x1CC80] =	vst v63  }
.LBB2_6:
0x38: {  	_ =	swait.ge [sflag:s20], $0x2800  }
0x39: {  	[sflag:s20] =	ssyncset.done $0x0  }
0x3a: {  	s28 =	sadd.s32 $0x100, s26;
	[sflag:s20] =	ssyncadd.s32 $0xFFFFD800  }
0x3b: {  	[spmem:s1] =	stream.indirect.scatter.add.f32 [tilespmem:s17], [sflag:$0x6], $0x80, s28, s12, $0xb8;
	[tilespmem:$0x1CC80] =	vst v63  }
0x3c: {  	_ =	swait.ge [sflag:s21], $0x2800  }
0x3d: {  	s31 =	sadd.s32 $0xFFFFF500, s26;
	[sflag:s21] =	ssyncset.done $0x0  }
0x3e: {  	s25 =	sadd.s32 $0x1, s25;
	s26 =	sadd.s32 $0x180, s26;
	[sflag:s21] =	ssyncadd.s32 $0xFFFFD800  }
0x3f: {  	[tilespmem:s13], [sflag:$0x1] =	stream.indirect.gather [hbm4b:s4+s12], $0x80, s31, s12, $0xb8;
	[tilespmem:$0x1CC80] =	vst v63  }
.LBB2_3:
0x40: {  	p0 =	seq.s32 s25, $0x0  }
.Ltmp5:
0x41: {  	_ = 	snop;
	(pc) =	sbr.rel @p0 .LBB2_10-.Ltmp5, $4  }
0x42: {  	_ =	swait.ge [sflag:s18], $0x2800  }
0x43: {  	[sflag:s18] =	ssyncset.done $0x0  }
0x44: {  	[sflag:s18] =	ssyncadd.s32 $0xFFFFD800  }
0x45: {  	[spmem:s1] =	stream.indirect.scatter.add.f32 [tilespmem:s13], [sflag:$0x4], $0x80, s26, s12, $0xb8;
	[tilespmem:$0x1CC80] =	vst v63  }
0x46: {  	p0 =	seq.s32 s25, $0x8  }
.Ltmp6:
0x47: {  	_ = 	snop;
	(pc) =	sbr.rel @p0 .LBB2_7-.Ltmp6, $1  }
0x48: {  	_ =	sdelay $0x3  }
0x49: {  	_ =	swait.ge [sflag:s22], $0x2800  }
0x4a: {  	[sflag:s22] =	ssyncset.done $0x0  }
0x4b: {  	s28 =	sadd.s32 $0xFFFFF400, s26;
	[sflag:s22] =	ssyncadd.s32 $0xFFFFD800  }
0x4c: {  	[tilespmem:s15], [sflag:$0x2] =	stream.indirect.gather [hbm4b:s4+s12], $0x80, s28, s12, $0xb8;
	[tilespmem:$0x1CC80] =	vst v63  }
0x4d: {  	_ =	swait.ge [sflag:s19], $0x2800  }
0x4e: {  	[sflag:s19] =	ssyncset.done $0x0  }
0x4f: {  	s30 =	sadd.s32 $0x80, s26;
	[sflag:s19] =	ssyncadd.s32 $0xFFFFD800  }
0x50: {  	[spmem:s1] =	stream.indirect.scatter.add.f32 [tilespmem:s15], [sflag:$0x5], $0x80, s30, s12, $0xb8;
	[tilespmem:$0x1CC80] =	vst v63  }
.Ltmp7:
0x51: {  	_ = 	snop;
	(pc) =	sbr.rel .LBB2_6-.Ltmp7, $4  }
0x52: {  	_ =	swait.ge [sflag:s23], $0x2800  }
0x53: {  	[sflag:s23] =	ssyncset.done $0x0  }
0x54: {  	s31 =	sadd.s32 $0xFFFFF480, s26;
	[sflag:s23] =	ssyncadd.s32 $0xFFFFD800  }
0x55: {  	[tilespmem:s17], [sflag:$0x3] =	stream.indirect.gather [hbm4b:s4+s12], $0x80, s31, s12, $0xb8;
	[tilespmem:$0x1CC80] =	vst v63  }
.LBB2_9:
0x56: {  	_ =	sfence.sel $0x180000  }
0x57: {  	[bflag:$0x0] =	sbarrier.arrive $0xFFFF  }
0x58: {  	p0 =	sne.s32 s2, $0x0;
	_ =	strace $0x90000050  }
0x59: {  	s0 =	sadd.s32 @!p0 $0x100000, s0;
	[bflag:$0x2] =	sbarrier.arrive $0xFFFF  }
0x5a: {  	[sflag:s0] =	ssyncadd.tile.s32 @!p0 $0x1;
	_ =	shalt  }
.Lfunc_end2:
_tile_overlayer_lowered:
.L_overlay_start_2:
0x5b: {  	(tag) =	ssettag $0x2  }
0x5c: {  	s0 =	rddreg [dreg:$0x0];
	s2 =	stileid.u32  }
0x5d: {  	s1 =	rddreg [dreg:$0x1];
	p0 =	sne.s32 s2, $0x0  }
0x5e: {  	s3 =	rddreg [dreg:$0x2];
	[bflag:$0x3] =	sbarrier.arrive $0xFFFF;
	s2 =	simm.s32 @!p0 $0x1C07  }
0x5f: {  	[timem:s3], [sflag:s2] =	dma.local @!p0 [hbm:s0], s1  }
0x60: {  	s0 =	simm.s32 @!p0 $0x7  }
0x61: {  	_ =	swait.ge @!p0 [sflag:s0], s1  }
0x62: {  	s1 =	ssub.s32 @!p0 $0x0, s1;
	[sflag:s0] =	ssyncset.done @!p0 $0x0  }
0x63: {  	[sflag:s0] =	ssyncadd.s32 @!p0 s1  }
0x64: {  	[bflag:$0x3] =	sbarrier.arrive $0xFFFF  }
0x65: {  	_ =	shalt  }

</sc_bundles>
